<compile_context>
chip_gen: v7x
topology: tpu7x:2x2x1
jax: 0.10.2.dev20260603
libtpu: 0.0.44.dev20260713+nightly
codegen_flags: <defaults>
</compile_context>

<pallas_src>
import functools

import jax
import jax.numpy as jnp
from jax import lax
from jax.experimental import pallas as pl
from jax.experimental.pallas import tpu as pltpu
from jax.experimental.pallas import tpu_sc as plsc

B = 16384
D = 64
NF = 8
EN = 12
NROWS = NF * EN
NP = NF // 2
EN2 = EN * EN
NPROWS = NP * EN2
L = 16
NQ = D // L


def _prep_body(mu_ref, std_ref, act_ref, spp_ref, mudp_ref):
    spt = 0.01 * jnp.log(1.0 + jnp.exp(std_ref[...]))
    mud = lax.dot_general(
        act_ref[...], mu_ref[...], (((1,), (1,)), ((), ())),
        preferred_element_type=jnp.float32)
    for p in range(NP):
        a = spt[2 * p * EN:(2 * p + 1) * EN]
        b = spt[(2 * p + 1) * EN:(2 * p + 2) * EN]
        pair = a[:, None, :] + b[None, :, :]
        spp_ref[pl.ds(p * EN2, EN2)] = pair.reshape(EN2, D)
        ma = mud[:, 2 * p * EN:(2 * p + 1) * EN]
        mb = mud[:, (2 * p + 1) * EN:(2 * p + 2) * EN]
        mpair = ma[:, :, None] + mb[:, None, :]
        mudp_ref[:, pl.ds(p * EN2, EN2)] = mpair.reshape(2, EN2)


def _prep(mu_flat, std_flat, act):
    return pl.pallas_call(
        _prep_body,
        out_shape=(
            jax.ShapeDtypeStruct((NPROWS, D), jnp.float32),
            jax.ShapeDtypeStruct((2, NPROWS), jnp.float32),
        ),
    )(mu_flat, std_flat, act)


@functools.cache
def _build_sc():
    info = plsc.get_sparse_core_info()
    nc, ns = info.num_cores, info.num_subcores
    nw = nc * ns
    bw = B // nw
    nt = bw // L
    mesh = plsc.VectorSubcoreMesh(core_axis_name="c", subcore_axis_name="s")

    @functools.partial(
        pl.kernel,
        out_type=(
            jax.ShapeDtypeStruct((B,), jnp.float32),
            jax.ShapeDtypeStruct((B,), jnp.float32),
        ),
        mesh=mesh,
        compiler_params=pltpu.CompilerParams(needs_layout_passes=False),
        scratch_types=[
            pltpu.VMEM((NF, bw), jnp.int32),
            pltpu.VMEM((bw * D,), jnp.float32),
            pltpu.VMEM((NPROWS * D,), jnp.float32),
            pltpu.VMEM((NPROWS,), jnp.float32),
            pltpu.VMEM((NPROWS,), jnp.float32),
            pltpu.VMEM((2, D), jnp.float32),
            pltpu.VMEM((bw * L,), jnp.float32),
            pltpu.VMEM((bw * L,), jnp.float32),
            pltpu.VMEM((bw,), jnp.float32),
            pltpu.VMEM((bw,), jnp.float32),
            pltpu.SemaphoreType.DMA,
        ],
    )
    def fm_sc(i0_hbm, i1_hbm, i2_hbm, i3_hbm, i4_hbm, i5_hbm, i6_hbm, i7_hbm,
              rand_hbm, spp_hbm, mudp_hbm, act_hbm,
              o0_hbm, o1_hbm,
              idx_v, v_v, spp_v, mudp0_v, mudp1_v, act_v,
              p0_v, p1_v, o0_v, o1_v, sem):
        wid = lax.axis_index("s") * nc + lax.axis_index("c")
        base = wid * bw
        idx_hbms = [i0_hbm, i1_hbm, i2_hbm, i3_hbm, i4_hbm, i5_hbm, i6_hbm,
                    i7_hbm]
        copies = [
            pltpu.async_copy(idx_hbms[i].at[pl.ds(base, bw)], idx_v.at[i],
                             sem)
            for i in range(NF)
        ]
        copies += [
            pltpu.async_copy(rand_hbm.at[pl.ds(base * D, bw * D)], v_v, sem),
            pltpu.async_copy(spp_hbm, spp_v, sem),
            pltpu.async_copy(mudp_hbm.at[0], mudp0_v, sem),
            pltpu.async_copy(mudp_hbm.at[1], mudp1_v, sem),
            pltpu.async_copy(act_hbm, act_v, sem),
        ]
        for c in copies:
            c.wait()

        a0 = [act_v[0, pl.ds(q * L, L)] for q in range(NQ)]
        a1 = [act_v[1, pl.ds(q * L, L)] for q in range(NQ)]

        iota = lax.iota(jnp.int32, L)

        def grp_body(t, carry):
            ivs = [idx_v[i, pl.ds(t * L, L)] for i in range(NF)]
            pvs = [ivs[2 * i] * EN + ivs[2 * i + 1] + i * EN2
                   for i in range(NP)]
            rvs = [pvs[i] * D for i in range(NP)]
            for k in range(L):
                b = t * L + k
                f = [rvs[i][k] for i in range(NP)]
                p0 = None
                p1 = None
                for q in range(NQ):
                    g = spp_v[pl.ds(f[0] + q * L, L)]
                    for i in range(1, NP):
                        g = g + spp_v[pl.ds(f[i] + q * L, L)]
                    m = g * v_v[pl.ds(b * D + q * L, L)]
                    t0 = m * a0[q]
                    t1 = m * a1[q]
                    p0 = t0 if q == 0 else p0 + t0
                    p1 = t1 if q == 0 else p1 + t1
                p0_v[pl.ds(b * L, L)] = p0
                p1_v[pl.ds(b * L, L)] = p1
            rowbase = (t * L + iota) * L
            acc0 = plsc.load_gather(p0_v, [rowbase])
            acc1 = plsc.load_gather(p1_v, [rowbase])
            for j in range(1, L):
                acc0 = acc0 + plsc.load_gather(p0_v, [rowbase + j])
                acc1 = acc1 + plsc.load_gather(p1_v, [rowbase + j])
            for i in range(NP):
                acc0 = acc0 + plsc.load_gather(mudp0_v, [pvs[i]])
                acc1 = acc1 + plsc.load_gather(mudp1_v, [pvs[i]])
            o0_v[pl.ds(t * L, L)] = acc0
            o1_v[pl.ds(t * L, L)] = acc1
            return carry

        lax.fori_loop(0, nt, grp_body, 0)

        pltpu.sync_copy(o0_v, o0_hbm.at[pl.ds(base, bw)])
        pltpu.sync_copy(o1_v, o1_hbm.at[pl.ds(base, bw)])

    return fm_sc


def kernel(workclass, education, marital_status, occupation, relationship,
           race, sex, native_country, label, mean_tables, std_tables,
           action_table, rand_array):
    mu_flat = mean_tables.reshape(NROWS, D)
    std_flat = std_tables.reshape(NROWS, D)
    spp, mudp = _prep(mu_flat, std_flat, action_table)
    o0, o1 = _build_sc()(workclass, education, marital_status, occupation,
                         relationship, race, sex, native_country,
                         rand_array, spp.reshape(NPROWS * D), mudp,
                         action_table)
    return jnp.stack([o0, o1], axis=1)

# --- scband reference (transcript-rebuilt; emitter-appended) ---
"""Pipeline reference for scband-fm-v-38560216383899 (READ-ONLY COPY).

The authoritative reference and input builder live on the scoring server;
editing this copy changes nothing except your own understanding.
"""

import jax, jax.numpy as jnp
import numpy as np

B = 16384
D = 64
NUM_FIELDS = 8
EMB_NUM = 12


def setup_inputs(seed: int = 0) -> dict:
    key = jax.random.key(seed)
    names = ['workclass', 'education', 'marital_status', 'occupation',
             'relationship', 'race', 'sex', 'native_country']
    inp = {}
    for i, n in enumerate(names):
        inp[n] = jax.random.randint(jax.random.fold_in(key, i), (B,), 0, EMB_NUM, dtype=jnp.int64 if jax.config.jax_enable_x64 else jnp.int32).astype(jnp.int32)
    inp['label'] = jax.random.uniform(jax.random.fold_in(key, 100), (B, 2), dtype=jnp.float32)
    inp['mean_tables'] = jax.random.normal(jax.random.fold_in(key, 101), (NUM_FIELDS, EMB_NUM, D), dtype=jnp.float32)
    inp['std_tables'] = jax.random.normal(jax.random.fold_in(key, 102), (NUM_FIELDS, EMB_NUM, D), dtype=jnp.float32)
    inp['action_table'] = jax.random.normal(jax.random.fold_in(key, 103), (2, D), dtype=jnp.float32)
    inp['rand_array'] = jax.random.normal(jax.random.fold_in(key, 104), (3000000,), dtype=jnp.float32)
    return inp


def reference(workclass, education, marital_status, occupation, relationship,
              race, sex, native_country, label, mean_tables, std_tables,
              action_table, rand_array):
    idx = jnp.stack([workclass, education, marital_status, occupation,
                     relationship, race, sex, native_country], axis=0)  # [8, B]
    b = idx.shape[1]
    d = mean_tables.shape[-1]
    v = rand_array[: b * d].reshape(b, d)

    def reparameterize(mu, std):
        std = jnp.log(1.0 + jnp.exp(std))
        return mu + std * v * 0.01

    embs = []
    for i in range(NUM_FIELDS):
        mu = jnp.take(mean_tables[i], idx[i], axis=0)
        st = jnp.take(std_tables[i], idx[i], axis=0)
        embs.append(reparameterize(mu, st))

    inferences = jnp.zeros((b, 1), dtype=jnp.float32)
    for i in range(NUM_FIELDS):
        for j in range(i + 1, NUM_FIELDS):
            inferences = inferences + jnp.sum(embs[i] * embs[j], axis=1, keepdims=True)

    a0 = action_table[0]
    a1 = action_table[1]
    inferences_0 = jnp.zeros((b, 1), dtype=jnp.float32)
    inferences_1 = jnp.zeros((b, 1), dtype=jnp.float32)
    for i in range(NUM_FIELDS):
        inferences_0 = inferences_0 + jnp.sum(embs[i] * a0[None, :], axis=1, keepdims=True)
        inferences_1 = inferences_1 + jnp.sum(embs[i] * a1[None, :], axis=1, keepdims=True)

    out = jnp.concatenate([inferences_0, inferences_1], axis=1)  # [B, 2]
    return out

if __name__ == "__main__":
    import jax
    _d = setup_inputs()
    print(jax.jit(kernel)(*tuple(_d.values())))

</pallas_src>

<mosaic_0001>
#map = affine_map<(d0, d1) -> (0)>
#map1 = affine_map<(d0, d1) -> (0, 0)>
module attributes {stable_mosaic.version = 14 : i64} {
  func.func @fm_sc(%arg0: i32, %arg1: i32, %arg2: memref<16384xi32, #tpu.memory_space<hbm>>, %arg3: memref<16384xi32, #tpu.memory_space<hbm>>, %arg4: memref<16384xi32, #tpu.memory_space<hbm>>, %arg5: memref<16384xi32, #tpu.memory_space<hbm>>, %arg6: memref<16384xi32, #tpu.memory_space<hbm>>, %arg7: memref<16384xi32, #tpu.memory_space<hbm>>, %arg8: memref<16384xi32, #tpu.memory_space<hbm>>, %arg9: memref<16384xi32, #tpu.memory_space<hbm>>, %arg10: memref<3000000xf32, #tpu.memory_space<hbm>>, %arg11: memref<36864xf32, #tpu.memory_space<hbm>>, %arg12: memref<2x576xf32, #tpu.memory_space<hbm>>, %arg13: memref<2x64xf32, #tpu.memory_space<hbm>>, %arg14: memref<16384xf32, #tpu.memory_space<hbm>>, %arg15: memref<16384xf32, #tpu.memory_space<hbm>>, %arg16: memref<8x512xi32, #tpu.memory_space<vmem>>, %arg17: memref<32768xf32, #tpu.memory_space<vmem>>, %arg18: memref<36864xf32, #tpu.memory_space<vmem>>, %arg19: memref<576xf32, #tpu.memory_space<vmem>>, %arg20: memref<576xf32, #tpu.memory_space<vmem>>, %arg21: memref<2x64xf32, #tpu.memory_space<vmem>>, %arg22: memref<8192xf32, #tpu.memory_space<vmem>>, %arg23: memref<8192xf32, #tpu.memory_space<vmem>>, %arg24: memref<512xf32, #tpu.memory_space<vmem>>, %arg25: memref<512xf32, #tpu.memory_space<vmem>>, %arg26: memref<!tpu.dma_semaphore, #tpu.memory_space<semaphore_mem>>) attributes {dimension_semantics = [#tpu.dimension_semantics<core_parallel>, #tpu.dimension_semantics<subcore_parallel>], iteration_bounds = array<i64: 2, 16>, scalar_prefetch = 0 : i64, scratch_operands = 11 : i64, tpu.core_type = #tpu.core_type<sc_vector_subcore>, window_params = [{transform_indices = #map}, {transform_indices = #map}, {transform_indices = #map}, {transform_indices = #map}, {transform_indices = #map}, {transform_indices = #map}, {transform_indices = #map}, {transform_indices = #map}, {transform_indices = #map}, {transform_indices = #map}, {transform_indices = #map1}, {transform_indices = #map1}, {transform_indices = #map}, {transform_indices = #map}]} {
    %mul3A = arith.constant 2 : i32
    %mul3A_0 = arith.muli %arg1, %mul3A : i32
    %add3A = arith.addi %mul3A_0, %arg0 : i32
    %mul3A_1 = arith.constant 512 : i32
    %mul3A_2 = arith.muli %add3A, %mul3A_1 : i32
    %dma_start3A = arith.constant 0 : i32
    %dma_start3A_3 = arith.constant 0 : i32
    %dma_start3A_4 = tpu.memref_slice %arg16[%dma_start3A, %dma_start3A_3] : memref<8x512xi32, #tpu.memory_space<vmem>> -> memref<1x512xi32, #tpu.memory_space<vmem>>
    %dma_start3A_5 = tpu.memref_squeeze %dma_start3A_4 : memref<1x512xi32, #tpu.memory_space<vmem>> -> memref<512xi32, #tpu.memory_space<vmem>>
    %dma_start3A_6 = tpu.memref_slice %arg2[%mul3A_2] : memref<16384xi32, #tpu.memory_space<hbm>> -> memref<512xi32, #tpu.memory_space<hbm>>
    %dma_start3A_7 = arith.constant 0 : i32
    %dma_start3A_8 = tpu.memref_slice %arg16[%dma_start3A, %dma_start3A_7] : memref<8x512xi32, #tpu.memory_space<vmem>> -> memref<1x512xi32, #tpu.memory_space<vmem>>
    %dma_start3A_9 = tpu.memref_squeeze %dma_start3A_8 : memref<1x512xi32, #tpu.memory_space<vmem>> -> memref<512xi32, #tpu.memory_space<vmem>>
    %dma_start3A_10 = tpu.memref_slice %arg2[%mul3A_2] : memref<16384xi32, #tpu.memory_space<hbm>> -> memref<512xi32, #tpu.memory_space<hbm>>
    tpu.enqueue_dma source(%dma_start3A_10 : memref<512xi32, #tpu.memory_space<hbm>>) target(%dma_start3A_9 : memref<512xi32, #tpu.memory_space<vmem>>) target_semaphore(%arg26 : memref<!tpu.dma_semaphore, #tpu.memory_space<semaphore_mem>>)
    %dma_start3A_11 = arith.constant 1 : i32
    %dma_start3A_12 = arith.constant 0 : i32
    %dma_start3A_13 = tpu.memref_slice %arg16[%dma_start3A_11, %dma_start3A_12] : memref<8x512xi32, #tpu.memory_space<vmem>> -> memref<1x512xi32, #tpu.memory_space<vmem>>
    %dma_start3A_14 = tpu.memref_squeeze %dma_start3A_13 : memref<1x512xi32, #tpu.memory_space<vmem>> -> memref<512xi32, #tpu.memory_space<vmem>>
    %dma_start3A_15 = tpu.memref_slice %arg3[%mul3A_2] : memref<16384xi32, #tpu.memory_space<hbm>> -> memref<512xi32, #tpu.memory_space<hbm>>
    %dma_start3A_16 = arith.constant 0 : i32
    %dma_start3A_17 = tpu.memref_slice %arg16[%dma_start3A_11, %dma_start3A_16] : memref<8x512xi32, #tpu.memory_space<vmem>> -> memref<1x512xi32, #tpu.memory_space<vmem>>
    %dma_start3A_18 = tpu.memref_squeeze %dma_start3A_17 : memref<1x512xi32, #tpu.memory_space<vmem>> -> memref<512xi32, #tpu.memory_space<vmem>>
    %dma_start3A_19 = tpu.memref_slice %arg3[%mul3A_2] : memref<16384xi32, #tpu.memory_space<hbm>> -> memref<512xi32, #tpu.memory_space<hbm>>
    tpu.enqueue_dma source(%dma_start3A_19 : memref<512xi32, #tpu.memory_space<hbm>>) target(%dma_start3A_18 : memref<512xi32, #tpu.memory_space<vmem>>) target_semaphore(%arg26 : memref<!tpu.dma_semaphore, #tpu.memory_space<semaphore_mem>>)
    %dma_start3A_20 = arith.constant 2 : i32
    %dma_start3A_21 = arith.constant 0 : i32
    %dma_start3A_22 = tpu.memref_slice %arg16[%dma_start3A_20, %dma_start3A_21] : memref<8x512xi32, #tpu.memory_space<vmem>> -> memref<1x512xi32, #tpu.memory_space<vmem>>
    %dma_start3A_23 = tpu.memref_squeeze %dma_start3A_22 : memref<1x512xi32, #tpu.memory_space<vmem>> -> memref<512xi32, #tpu.memory_space<vmem>>
    %dma_start3A_24 = tpu.memref_slice %arg4[%mul3A_2] : memref<16384xi32, #tpu.memory_space<hbm>> -> memref<512xi32, #tpu.memory_space<hbm>>
    %dma_start3A_25 = arith.constant 0 : i32
    %dma_start3A_26 = tpu.memref_slice %arg16[%dma_start3A_20, %dma_start3A_25] : memref<8x512xi32, #tpu.memory_space<vmem>> -> memref<1x512xi32, #tpu.memory_space<vmem>>
    %dma_start3A_27 = tpu.memref_squeeze %dma_start3A_26 : memref<1x512xi32, #tpu.memory_space<vmem>> -> memref<512xi32, #tpu.memory_space<vmem>>
    %dma_start3A_28 = tpu.memref_slice %arg4[%mul3A_2] : memref<16384xi32, #tpu.memory_space<hbm>> -> memref<512xi32, #tpu.memory_space<hbm>>
    tpu.enqueue_dma source(%dma_start3A_28 : memref<512xi32, #tpu.memory_space<hbm>>) target(%dma_start3A_27 : memref<512xi32, #tpu.memory_space<vmem>>) target_semaphore(%arg26 : memref<!tpu.dma_semaphore, #tpu.memory_space<semaphore_mem>>)
    %dma_start3A_29 = arith.constant 3 : i32
    %dma_start3A_30 = arith.constant 0 : i32
    %dma_start3A_31 = tpu.memref_slice %arg16[%dma_start3A_29, %dma_start3A_30] : memref<8x512xi32, #tpu.memory_space<vmem>> -> memref<1x512xi32, #tpu.memory_space<vmem>>
    %dma_start3A_32 = tpu.memref_squeeze %dma_start3A_31 : memref<1x512xi32, #tpu.memory_space<vmem>> -> memref<512xi32, #tpu.memory_space<vmem>>
    %dma_start3A_33 = tpu.memref_slice %arg5[%mul3A_2] : memref<16384xi32, #tpu.memory_space<hbm>> -> memref<512xi32, #tpu.memory_space<hbm>>
    %dma_start3A_34 = arith.constant 0 : i32
    %dma_start3A_35 = tpu.memref_slice %arg16[%dma_start3A_29, %dma_start3A_34] : memref<8x512xi32, #tpu.memory_space<vmem>> -> memref<1x512xi32, #tpu.memory_space<vmem>>
    %dma_start3A_36 = tpu.memref_squeeze %dma_start3A_35 : memref<1x512xi32, #tpu.memory_space<vmem>> -> memref<512xi32, #tpu.memory_space<vmem>>
    %dma_start3A_37 = tpu.memref_slice %arg5[%mul3A_2] : memref<16384xi32, #tpu.memory_space<hbm>> -> memref<512xi32, #tpu.memory_space<hbm>>
    tpu.enqueue_dma source(%dma_start3A_37 : memref<512xi32, #tpu.memory_space<hbm>>) target(%dma_start3A_36 : memref<512xi32, #tpu.memory_space<vmem>>) target_semaphore(%arg26 : memref<!tpu.dma_semaphore, #tpu.memory_space<semaphore_mem>>)
    %dma_start3A_38 = arith.constant 4 : i32
    %dma_start3A_39 = arith.constant 0 : i32
    %dma_start3A_40 = tpu.memref_slice %arg16[%dma_start3A_38, %dma_start3A_39] : memref<8x512xi32, #tpu.memory_space<vmem>> -> memref<1x512xi32, #tpu.memory_space<vmem>>
    %dma_start3A_41 = tpu.memref_squeeze %dma_start3A_40 : memref<1x512xi32, #tpu.memory_space<vmem>> -> memref<512xi32, #tpu.memory_space<vmem>>
    %dma_start3A_42 = tpu.memref_slice %arg6[%mul3A_2] : memref<16384xi32, #tpu.memory_space<hbm>> -> memref<512xi32, #tpu.memory_space<hbm>>
    %dma_start3A_43 = arith.constant 0 : i32
    %dma_start3A_44 = tpu.memref_slice %arg16[%dma_start3A_38, %dma_start3A_43] : memref<8x512xi32, #tpu.memory_space<vmem>> -> memref<1x512xi32, #tpu.memory_space<vmem>>
    %dma_start3A_45 = tpu.memref_squeeze %dma_start3A_44 : memref<1x512xi32, #tpu.memory_space<vmem>> -> memref<512xi32, #tpu.memory_space<vmem>>
    %dma_start3A_46 = tpu.memref_slice %arg6[%mul3A_2] : memref<16384xi32, #tpu.memory_space<hbm>> -> memref<512xi32, #tpu.memory_space<hbm>>
    tpu.enqueue_dma source(%dma_start3A_46 : memref<512xi32, #tpu.memory_space<hbm>>) target(%dma_start3A_45 : memref<512xi32, #tpu.memory_space<vmem>>) target_semaphore(%arg26 : memref<!tpu.dma_semaphore, #tpu.memory_space<semaphore_mem>>)
    %dma_start3A_47 = arith.constant 5 : i32
    %dma_start3A_48 = arith.constant 0 : i32
    %dma_start3A_49 = tpu.memref_slice %arg16[%dma_start3A_47, %dma_start3A_48] : memref<8x512xi32, #tpu.memory_space<vmem>> -> memref<1x512xi32, #tpu.memory_space<vmem>>
    %dma_start3A_50 = tpu.memref_squeeze %dma_start3A_49 : memref<1x512xi32, #tpu.memory_space<vmem>> -> memref<512xi32, #tpu.memory_space<vmem>>
    %dma_start3A_51 = tpu.memref_slice %arg7[%mul3A_2] : memref<16384xi32, #tpu.memory_space<hbm>> -> memref<512xi32, #tpu.memory_space<hbm>>
    %dma_start3A_52 = arith.constant 0 : i32
    %dma_start3A_53 = tpu.memref_slice %arg16[%dma_start3A_47, %dma_start3A_52] : memref<8x512xi32, #tpu.memory_space<vmem>> -> memref<1x512xi32, #tpu.memory_space<vmem>>
    %dma_start3A_54 = tpu.memref_squeeze %dma_start3A_53 : memref<1x512xi32, #tpu.memory_space<vmem>> -> memref<512xi32, #tpu.memory_space<vmem>>
    %dma_start3A_55 = tpu.memref_slice %arg7[%mul3A_2] : memref<16384xi32, #tpu.memory_space<hbm>> -> memref<512xi32, #tpu.memory_space<hbm>>
    tpu.enqueue_dma source(%dma_start3A_55 : memref<512xi32, #tpu.memory_space<hbm>>) target(%dma_start3A_54 : memref<512xi32, #tpu.memory_space<vmem>>) target_semaphore(%arg26 : memref<!tpu.dma_semaphore, #tpu.memory_space<semaphore_mem>>)
    %dma_start3A_56 = arith.constant 6 : i32
    %dma_start3A_57 = arith.constant 0 : i32
    %dma_start3A_58 = tpu.memref_slice %arg16[%dma_start3A_56, %dma_start3A_57] : memref<8x512xi32, #tpu.memory_space<vmem>> -> memref<1x512xi32, #tpu.memory_space<vmem>>
    %dma_start3A_59 = tpu.memref_squeeze %dma_start3A_58 : memref<1x512xi32, #tpu.memory_space<vmem>> -> memref<512xi32, #tpu.memory_space<vmem>>
    %dma_start3A_60 = tpu.memref_slice %arg8[%mul3A_2] : memref<16384xi32, #tpu.memory_space<hbm>> -> memref<512xi32, #tpu.memory_space<hbm>>
    %dma_start3A_61 = arith.constant 0 : i32
    %dma_start3A_62 = tpu.memref_slice %arg16[%dma_start3A_56, %dma_start3A_61] : memref<8x512xi32, #tpu.memory_space<vmem>> -> memref<1x512xi32, #tpu.memory_space<vmem>>
    %dma_start3A_63 = tpu.memref_squeeze %dma_start3A_62 : memref<1x512xi32, #tpu.memory_space<vmem>> -> memref<512xi32, #tpu.memory_space<vmem>>
    %dma_start3A_64 = tpu.memref_slice %arg8[%mul3A_2] : memref<16384xi32, #tpu.memory_space<hbm>> -> memref<512xi32, #tpu.memory_space<hbm>>
    tpu.enqueue_dma source(%dma_start3A_64 : memref<512xi32, #tpu.memory_space<hbm>>) target(%dma_start3A_63 : memref<512xi32, #tpu.memory_space<vmem>>) target_semaphore(%arg26 : memref<!tpu.dma_semaphore, #tpu.memory_space<semaphore_mem>>)
    %dma_start3A_65 = arith.constant 7 : i32
    %dma_start3A_66 = arith.constant 0 : i32
    %dma_start3A_67 = tpu.memref_slice %arg16[%dma_start3A_65, %dma_start3A_66] : memref<8x512xi32, #tpu.memory_space<vmem>> -> memref<1x512xi32, #tpu.memory_space<vmem>>
    %dma_start3A_68 = tpu.memref_squeeze %dma_start3A_67 : memref<1x512xi32, #tpu.memory_space<vmem>> -> memref<512xi32, #tpu.memory_space<vmem>>
    %dma_start3A_69 = tpu.memref_slice %arg9[%mul3A_2] : memref<16384xi32, #tpu.memory_space<hbm>> -> memref<512xi32, #tpu.memory_space<hbm>>
    %dma_start3A_70 = arith.constant 0 : i32
    %dma_start3A_71 = tpu.memref_slice %arg16[%dma_start3A_65, %dma_start3A_70] : memref<8x512xi32, #tpu.memory_space<vmem>> -> memref<1x512xi32, #tpu.memory_space<vmem>>
    %dma_start3A_72 = tpu.memref_squeeze %dma_start3A_71 : memref<1x512xi32, #tpu.memory_space<vmem>> -> memref<512xi32, #tpu.memory_space<vmem>>
    %dma_start3A_73 = tpu.memref_slice %arg9[%mul3A_2] : memref<16384xi32, #tpu.memory_space<hbm>> -> memref<512xi32, #tpu.memory_space<hbm>>
    tpu.enqueue_dma source(%dma_start3A_73 : memref<512xi32, #tpu.memory_space<hbm>>) target(%dma_start3A_72 : memref<512xi32, #tpu.memory_space<vmem>>) target_semaphore(%arg26 : memref<!tpu.dma_semaphore, #tpu.memory_space<semaphore_mem>>)
    %mul3A_74 = arith.constant 64 : i32
    %mul3A_75 = arith.muli %mul3A_2, %mul3A_74 : i32
    %dma_start3A_76 = tpu.memref_slice %arg10[%mul3A_75] : memref<3000000xf32, #tpu.memory_space<hbm>> -> memref<32768xf32, #tpu.memory_space<hbm>>
    %dma_start3A_77 = tpu.memref_slice %arg10[%mul3A_75] : memref<3000000xf32, #tpu.memory_space<hbm>> -> memref<32768xf32, #tpu.memory_space<hbm>>
    tpu.enqueue_dma source(%dma_start3A_77 : memref<32768xf32, #tpu.memory_space<hbm>>) target(%arg17 : memref<32768xf32, #tpu.memory_space<vmem>>) target_semaphore(%arg26 : memref<!tpu.dma_semaphore, #tpu.memory_space<semaphore_mem>>)
    tpu.enqueue_dma source(%arg11 : memref<36864xf32, #tpu.memory_space<hbm>>) target(%arg18 : memref<36864xf32, #tpu.memory_space<vmem>>) target_semaphore(%arg26 : memref<!tpu.dma_semaphore, #tpu.memory_space<semaphore_mem>>)
    %dma_start3A_78 = arith.constant 0 : i32
    %dma_start3A_79 = arith.constant 0 : i32
    %dma_start3A_80 = tpu.memref_slice %arg12[%dma_start3A_78, %dma_start3A_79] : memref<2x576xf32, #tpu.memory_space<hbm>> -> memref<1x576xf32, #tpu.memory_space<hbm>>
    %dma_start3A_81 = tpu.memref_squeeze %dma_start3A_80 : memref<1x576xf32, #tpu.memory_space<hbm>> -> memref<576xf32, #tpu.memory_space<hbm>>
    %dma_start3A_82 = arith.constant 0 : i32
    %dma_start3A_83 = tpu.memref_slice %arg12[%dma_start3A_78, %dma_start3A_82] : memref<2x576xf32, #tpu.memory_space<hbm>> -> memref<1x576xf32, #tpu.memory_space<hbm>>
    %dma_start3A_84 = tpu.memref_squeeze %dma_start3A_83 : memref<1x576xf32, #tpu.memory_space<hbm>> -> memref<576xf32, #tpu.memory_space<hbm>>
    tpu.enqueue_dma source(%dma_start3A_84 : memref<576xf32, #tpu.memory_space<hbm>>) target(%arg19 : memref<576xf32, #tpu.memory_space<vmem>>) target_semaphore(%arg26 : memref<!tpu.dma_semaphore, #tpu.memory_space<semaphore_mem>>)
    %dma_start3A_85 = arith.constant 1 : i32
    %dma_start3A_86 = arith.constant 0 : i32
    %dma_start3A_87 = tpu.memref_slice %arg12[%dma_start3A_85, %dma_start3A_86] : memref<2x576xf32, #tpu.memory_space<hbm>> -> memref<1x576xf32, #tpu.memory_space<hbm>>
    %dma_start3A_88 = tpu.memref_squeeze %dma_start3A_87 : memref<1x576xf32, #tpu.memory_space<hbm>> -> memref<576xf32, #tpu.memory_space<hbm>>
    %dma_start3A_89 = arith.constant 0 : i32
    %dma_start3A_90 = tpu.memref_slice %arg12[%dma_start3A_85, %dma_start3A_89] : memref<2x576xf32, #tpu.memory_space<hbm>> -> memref<1x576xf32, #tpu.memory_space<hbm>>
    %dma_start3A_91 = tpu.memref_squeeze %dma_start3A_90 : memref<1x576xf32, #tpu.memory_space<hbm>> -> memref<576xf32, #tpu.memory_space<hbm>>
    tpu.enqueue_dma source(%dma_start3A_91 : memref<576xf32, #tpu.memory_space<hbm>>) target(%arg20 : memref<576xf32, #tpu.memory_space<vmem>>) target_semaphore(%arg26 : memref<!tpu.dma_semaphore, #tpu.memory_space<semaphore_mem>>)
    tpu.enqueue_dma source(%arg13 : memref<2x64xf32, #tpu.memory_space<hbm>>) target(%arg21 : memref<2x64xf32, #tpu.memory_space<vmem>>) target_semaphore(%arg26 : memref<!tpu.dma_semaphore, #tpu.memory_space<semaphore_mem>>)
    %dma_wait3A = arith.constant 0 : i32
    %dma_wait3A_92 = arith.constant 0 : i32
    %dma_wait3A_93 = tpu.memref_slice %arg16[%dma_wait3A, %dma_wait3A_92] : memref<8x512xi32, #tpu.memory_space<vmem>> -> memref<1x512xi32, #tpu.memory_space<vmem>>
    %dma_wait3A_94 = tpu.memref_squeeze %dma_wait3A_93 : memref<1x512xi32, #tpu.memory_space<vmem>> -> memref<512xi32, #tpu.memory_space<vmem>>
    %dma_wait3A_95 = tpu.memref_slice %arg2[%mul3A_2] : memref<16384xi32, #tpu.memory_space<hbm>> -> memref<512xi32, #tpu.memory_space<hbm>>
    %dma_wait3A_96 = arith.constant 0 : i32
    %dma_wait3A_97 = tpu.memref_slice %arg16[%dma_wait3A, %dma_wait3A_96] : memref<8x512xi32, #tpu.memory_space<vmem>> -> memref<1x512xi32, #tpu.memory_space<vmem>>
    %dma_wait3A_98 = tpu.memref_squeeze %dma_wait3A_97 : memref<1x512xi32, #tpu.memory_space<vmem>> -> memref<512xi32, #tpu.memory_space<vmem>>
    %dma_wait3A_99 = tpu.memref_slice %arg2[%mul3A_2] : memref<16384xi32, #tpu.memory_space<hbm>> -> memref<512xi32, #tpu.memory_space<hbm>>
    tpu.wait_dma2 semaphore(%arg26 : memref<!tpu.dma_semaphore, #tpu.memory_space<semaphore_mem>>) src(%dma_wait3A_99 : memref<512xi32, #tpu.memory_space<hbm>>) dst(%dma_wait3A_98 : memref<512xi32, #tpu.memory_space<vmem>>)
    %dma_wait3A_100 = arith.constant 1 : i32
    %dma_wait3A_101 = arith.constant 0 : i32
    %dma_wait3A_102 = tpu.memref_slice %arg16[%dma_wait3A_100, %dma_wait3A_101] : memref<8x512xi32, #tpu.memory_space<vmem>> -> memref<1x512xi32, #tpu.memory_space<vmem>>
    %dma_wait3A_103 = tpu.memref_squeeze %dma_wait3A_102 : memref<1x512xi32, #tpu.memory_space<vmem>> -> memref<512xi32, #tpu.memory_space<vmem>>
    %dma_wait3A_104 = tpu.memref_slice %arg3[%mul3A_2] : memref<16384xi32, #tpu.memory_space<hbm>> -> memref<512xi32, #tpu.memory_space<hbm>>
    %dma_wait3A_105 = arith.constant 0 : i32
    %dma_wait3A_106 = tpu.memref_slice %arg16[%dma_wait3A_100, %dma_wait3A_105] : memref<8x512xi32, #tpu.memory_space<vmem>> -> memref<1x512xi32, #tpu.memory_space<vmem>>
    %dma_wait3A_107 = tpu.memref_squeeze %dma_wait3A_106 : memref<1x512xi32, #tpu.memory_space<vmem>> -> memref<512xi32, #tpu.memory_space<vmem>>
    %dma_wait3A_108 = tpu.memref_slice %arg3[%mul3A_2] : memref<16384xi32, #tpu.memory_space<hbm>> -> memref<512xi32, #tpu.memory_space<hbm>>
    tpu.wait_dma2 semaphore(%arg26 : memref<!tpu.dma_semaphore, #tpu.memory_space<semaphore_mem>>) src(%dma_wait3A_108 : memref<512xi32, #tpu.memory_space<hbm>>) dst(%dma_wait3A_107 : memref<512xi32, #tpu.memory_space<vmem>>)
    %dma_wait3A_109 = arith.constant 2 : i32
    %dma_wait3A_110 = arith.constant 0 : i32
    %dma_wait3A_111 = tpu.memref_slice %arg16[%dma_wait3A_109, %dma_wait3A_110] : memref<8x512xi32, #tpu.memory_space<vmem>> -> memref<1x512xi32, #tpu.memory_space<vmem>>
    %dma_wait3A_112 = tpu.memref_squeeze %dma_wait3A_111 : memref<1x512xi32, #tpu.memory_space<vmem>> -> memref<512xi32, #tpu.memory_space<vmem>>
    %dma_wait3A_113 = tpu.memref_slice %arg4[%mul3A_2] : memref<16384xi32, #tpu.memory_space<hbm>> -> memref<512xi32, #tpu.memory_space<hbm>>
    %dma_wait3A_114 = arith.constant 0 : i32
    %dma_wait3A_115 = tpu.memref_slice %arg16[%dma_wait3A_109, %dma_wait3A_114] : memref<8x512xi32, #tpu.memory_space<vmem>> -> memref<1x512xi32, #tpu.memory_space<vmem>>
    %dma_wait3A_116 = tpu.memref_squeeze %dma_wait3A_115 : memref<1x512xi32, #tpu.memory_space<vmem>> -> memref<512xi32, #tpu.memory_space<vmem>>
    %dma_wait3A_117 = tpu.memref_slice %arg4[%mul3A_2] : memref<16384xi32, #tpu.memory_space<hbm>> -> memref<512xi32, #tpu.memory_space<hbm>>
    tpu.wait_dma2 semaphore(%arg26 : memref<!tpu.dma_semaphore, #tpu.memory_space<semaphore_mem>>) src(%dma_wait3A_117 : memref<512xi32, #tpu.memory_space<hbm>>) dst(%dma_wait3A_116 : memref<512xi32, #tpu.memory_space<vmem>>)
    %dma_wait3A_118 = arith.constant 3 : i32
    %dma_wait3A_119 = arith.constant 0 : i32
    %dma_wait3A_120 = tpu.memref_slice %arg16[%dma_wait3A_118, %dma_wait3A_119] : memref<8x512xi32, #tpu.memory_space<vmem>> -> memref<1x512xi32, #tpu.memory_space<vmem>>
    %dma_wait3A_121 = tpu.memref_squeeze %dma_wait3A_120 : memref<1x512xi32, #tpu.memory_space<vmem>> -> memref<512xi32, #tpu.memory_space<vmem>>
    %dma_wait3A_122 = tpu.memref_slice %arg5[%mul3A_2] : memref<16384xi32, #tpu.memory_space<hbm>> -> memref<512xi32, #tpu.memory_space<hbm>>
    %dma_wait3A_123 = arith.constant 0 : i32
    %dma_wait3A_124 = tpu.memref_slice %arg16[%dma_wait3A_118, %dma_wait3A_123] : memref<8x512xi32, #tpu.memory_space<vmem>> -> memref<1x512xi32, #tpu.memory_space<vmem>>
    %dma_wait3A_125 = tpu.memref_squeeze %dma_wait3A_124 : memref<1x512xi32, #tpu.memory_space<vmem>> -> memref<512xi32, #tpu.memory_space<vmem>>
    %dma_wait3A_126 = tpu.memref_slice %arg5[%mul3A_2] : memref<16384xi32, #tpu.memory_space<hbm>> -> memref<512xi32, #tpu.memory_space<hbm>>
    tpu.wait_dma2 semaphore(%arg26 : memref<!tpu.dma_semaphore, #tpu.memory_space<semaphore_mem>>) src(%dma_wait3A_126 : memref<512xi32, #tpu.memory_space<hbm>>) dst(%dma_wait3A_125 : memref<512xi32, #tpu.memory_space<vmem>>)
    %dma_wait3A_127 = arith.constant 4 : i32
    %dma_wait3A_128 = arith.constant 0 : i32
    %dma_wait3A_129 = tpu.memref_slice %arg16[%dma_wait3A_127, %dma_wait3A_128] : memref<8x512xi32, #tpu.memory_space<vmem>> -> memref<1x512xi32, #tpu.memory_space<vmem>>
    %dma_wait3A_130 = tpu.memref_squeeze %dma_wait3A_129 : memref<1x512xi32, #tpu.memory_space<vmem>> -> memref<512xi32, #tpu.memory_space<vmem>>
    %dma_wait3A_131 = tpu.memref_slice %arg6[%mul3A_2] : memref<16384xi32, #tpu.memory_space<hbm>> -> memref<512xi32, #tpu.memory_space<hbm>>
    %dma_wait3A_132 = arith.constant 0 : i32
    %dma_wait3A_133 = tpu.memref_slice %arg16[%dma_wait3A_127, %dma_wait3A_132] : memref<8x512xi32, #tpu.memory_space<vmem>> -> memref<1x512xi32, #tpu.memory_space<vmem>>
    %dma_wait3A_134 = tpu.memref_squeeze %dma_wait3A_133 : memref<1x512xi32, #tpu.memory_space<vmem>> -> memref<512xi32, #tpu.memory_space<vmem>>
    %dma_wait3A_135 = tpu.memref_slice %arg6[%mul3A_2] : memref<16384xi32, #tpu.memory_space<hbm>> -> memref<512xi32, #tpu.memory_space<hbm>>
    tpu.wait_dma2 semaphore(%arg26 : memref<!tpu.dma_semaphore, #tpu.memory_space<semaphore_mem>>) src(%dma_wait3A_135 : memref<512xi32, #tpu.memory_space<hbm>>) dst(%dma_wait3A_134 : memref<512xi32, #tpu.memory_space<vmem>>)
    %dma_wait3A_136 = arith.constant 5 : i32
    %dma_wait3A_137 = arith.constant 0 : i32
    %dma_wait3A_138 = tpu.memref_slice %arg16[%dma_wait3A_136, %dma_wait3A_137] : memref<8x512xi32, #tpu.memory_space<vmem>> -> memref<1x512xi32, #tpu.memory_space<vmem>>
    %dma_wait3A_139 = tpu.memref_squeeze %dma_wait3A_138 : memref<1x512xi32, #tpu.memory_space<vmem>> -> memref<512xi32, #tpu.memory_space<vmem>>
    %dma_wait3A_140 = tpu.memref_slice %arg7[%mul3A_2] : memref<16384xi32, #tpu.memory_space<hbm>> -> memref<512xi32, #tpu.memory_space<hbm>>
    %dma_wait3A_141 = arith.constant 0 : i32
    %dma_wait3A_142 = tpu.memref_slice %arg16[%dma_wait3A_136, %dma_wait3A_141] : memref<8x512xi32, #tpu.memory_space<vmem>> -> memref<1x512xi32, #tpu.memory_space<vmem>>
    %dma_wait3A_143 = tpu.memref_squeeze %dma_wait3A_142 : memref<1x512xi32, #tpu.memory_space<vmem>> -> memref<512xi32, #tpu.memory_space<vmem>>
    %dma_wait3A_144 = tpu.memref_slice %arg7[%mul3A_2] : memref<16384xi32, #tpu.memory_space<hbm>> -> memref<512xi32, #tpu.memory_space<hbm>>
    tpu.wait_dma2 semaphore(%arg26 : memref<!tpu.dma_semaphore, #tpu.memory_space<semaphore_mem>>) src(%dma_wait3A_144 : memref<512xi32, #tpu.memory_space<hbm>>) dst(%dma_wait3A_143 : memref<512xi32, #tpu.memory_space<vmem>>)
    %dma_wait3A_145 = arith.constant 6 : i32
    %dma_wait3A_146 = arith.constant 0 : i32
    %dma_wait3A_147 = tpu.memref_slice %arg16[%dma_wait3A_145, %dma_wait3A_146] : memref<8x512xi32, #tpu.memory_space<vmem>> -> memref<1x512xi32, #tpu.memory_space<vmem>>
    %dma_wait3A_148 = tpu.memref_squeeze %dma_wait3A_147 : memref<1x512xi32, #tpu.memory_space<vmem>> -> memref<512xi32, #tpu.memory_space<vmem>>
    %dma_wait3A_149 = tpu.memref_slice %arg8[%mul3A_2] : memref<16384xi32, #tpu.memory_space<hbm>> -> memref<512xi32, #tpu.memory_space<hbm>>
    %dma_wait3A_150 = arith.constant 0 : i32
    %dma_wait3A_151 = tpu.memref_slice %arg16[%dma_wait3A_145, %dma_wait3A_150] : memref<8x512xi32, #tpu.memory_space<vmem>> -> memref<1x512xi32, #tpu.memory_space<vmem>>
    %dma_wait3A_152 = tpu.memref_squeeze %dma_wait3A_151 : memref<1x512xi32, #tpu.memory_space<vmem>> -> memref<512xi32, #tpu.memory_space<vmem>>
    %dma_wait3A_153 = tpu.memref_slice %arg8[%mul3A_2] : memref<16384xi32, #tpu.memory_space<hbm>> -> memref<512xi32, #tpu.memory_space<hbm>>
    tpu.wait_dma2 semaphore(%arg26 : memref<!tpu.dma_semaphore, #tpu.memory_space<semaphore_mem>>) src(%dma_wait3A_153 : memref<512xi32, #tpu.memory_space<hbm>>) dst(%dma_wait3A_152 : memref<512xi32, #tpu.memory_space<vmem>>)
    %dma_wait3A_154 = arith.constant 7 : i32
    %dma_wait3A_155 = arith.constant 0 : i32
    %dma_wait3A_156 = tpu.memref_slice %arg16[%dma_wait3A_154, %dma_wait3A_155] : memref<8x512xi32, #tpu.memory_space<vmem>> -> memref<1x512xi32, #tpu.memory_space<vmem>>
    %dma_wait3A_157 = tpu.memref_squeeze %dma_wait3A_156 : memref<1x512xi32, #tpu.memory_space<vmem>> -> memref<512xi32, #tpu.memory_space<vmem>>
    %dma_wait3A_158 = tpu.memref_slice %arg9[%mul3A_2] : memref<16384xi32, #tpu.memory_space<hbm>> -> memref<512xi32, #tpu.memory_space<hbm>>
    %dma_wait3A_159 = arith.constant 0 : i32
    %dma_wait3A_160 = tpu.memref_slice %arg16[%dma_wait3A_154, %dma_wait3A_159] : memref<8x512xi32, #tpu.memory_space<vmem>> -> memref<1x512xi32, #tpu.memory_space<vmem>>
    %dma_wait3A_161 = tpu.memref_squeeze %dma_wait3A_160 : memref<1x512xi32, #tpu.memory_space<vmem>> -> memref<512xi32, #tpu.memory_space<vmem>>
    %dma_wait3A_162 = tpu.memref_slice %arg9[%mul3A_2] : memref<16384xi32, #tpu.memory_space<hbm>> -> memref<512xi32, #tpu.memory_space<hbm>>
    tpu.wait_dma2 semaphore(%arg26 : memref<!tpu.dma_semaphore, #tpu.memory_space<semaphore_mem>>) src(%dma_wait3A_162 : memref<512xi32, #tpu.memory_space<hbm>>) dst(%dma_wait3A_161 : memref<512xi32, #tpu.memory_space<vmem>>)
    %dma_wait3A_163 = tpu.memref_slice %arg10[%mul3A_75] : memref<3000000xf32, #tpu.memory_space<hbm>> -> memref<32768xf32, #tpu.memory_space<hbm>>
    %dma_wait3A_164 = tpu.memref_slice %arg10[%mul3A_75] : memref<3000000xf32, #tpu.memory_space<hbm>> -> memref<32768xf32, #tpu.memory_space<hbm>>
    tpu.wait_dma2 semaphore(%arg26 : memref<!tpu.dma_semaphore, #tpu.memory_space<semaphore_mem>>) src(%dma_wait3A_164 : memref<32768xf32, #tpu.memory_space<hbm>>) dst(%arg17 : memref<32768xf32, #tpu.memory_space<vmem>>)
    tpu.wait_dma2 semaphore(%arg26 : memref<!tpu.dma_semaphore, #tpu.memory_space<semaphore_mem>>) src(%arg11 : memref<36864xf32, #tpu.memory_space<hbm>>) dst(%arg18 : memref<36864xf32, #tpu.memory_space<vmem>>)
    %dma_wait3A_165 = arith.constant 0 : i32
    %dma_wait3A_166 = arith.constant 0 : i32
    %dma_wait3A_167 = tpu.memref_slice %arg12[%dma_wait3A_165, %dma_wait3A_166] : memref<2x576xf32, #tpu.memory_space<hbm>> -> memref<1x576xf32, #tpu.memory_space<hbm>>
    %dma_wait3A_168 = tpu.memref_squeeze %dma_wait3A_167 : memref<1x576xf32, #tpu.memory_space<hbm>> -> memref<576xf32, #tpu.memory_space<hbm>>
    %dma_wait3A_169 = arith.constant 0 : i32
    %dma_wait3A_170 = tpu.memref_slice %arg12[%dma_wait3A_165, %dma_wait3A_169] : memref<2x576xf32, #tpu.memory_space<hbm>> -> memref<1x576xf32, #tpu.memory_space<hbm>>
    %dma_wait3A_171 = tpu.memref_squeeze %dma_wait3A_170 : memref<1x576xf32, #tpu.memory_space<hbm>> -> memref<576xf32, #tpu.memory_space<hbm>>
    tpu.wait_dma2 semaphore(%arg26 : memref<!tpu.dma_semaphore, #tpu.memory_space<semaphore_mem>>) src(%dma_wait3A_171 : memref<576xf32, #tpu.memory_space<hbm>>) dst(%arg19 : memref<576xf32, #tpu.memory_space<vmem>>)
    %dma_wait3A_172 = arith.constant 1 : i32
    %dma_wait3A_173 = arith.constant 0 : i32
    %dma_wait3A_174 = tpu.memref_slice %arg12[%dma_wait3A_172, %dma_wait3A_173] : memref<2x576xf32, #tpu.memory_space<hbm>> -> memref<1x576xf32, #tpu.memory_space<hbm>>
    %dma_wait3A_175 = tpu.memref_squeeze %dma_wait3A_174 : memref<1x576xf32, #tpu.memory_space<hbm>> -> memref<576xf32, #tpu.memory_space<hbm>>
    %dma_wait3A_176 = arith.constant 0 : i32
    %dma_wait3A_177 = tpu.memref_slice %arg12[%dma_wait3A_172, %dma_wait3A_176] : memref<2x576xf32, #tpu.memory_space<hbm>> -> memref<1x576xf32, #tpu.memory_space<hbm>>
    %dma_wait3A_178 = tpu.memref_squeeze %dma_wait3A_177 : memref<1x576xf32, #tpu.memory_space<hbm>> -> memref<576xf32, #tpu.memory_space<hbm>>
    tpu.wait_dma2 semaphore(%arg26 : memref<!tpu.dma_semaphore, #tpu.memory_space<semaphore_mem>>) src(%dma_wait3A_178 : memref<576xf32, #tpu.memory_space<hbm>>) dst(%arg20 : memref<576xf32, #tpu.memory_space<vmem>>)
    tpu.wait_dma2 semaphore(%arg26 : memref<!tpu.dma_semaphore, #tpu.memory_space<semaphore_mem>>) src(%arg13 : memref<2x64xf32, #tpu.memory_space<hbm>>) dst(%arg21 : memref<2x64xf32, #tpu.memory_space<vmem>>)
    %get3A = arith.constant 0 : i32
    %get3A_179 = arith.index_cast %get3A : i32 to index
    %get3A_180 = arith.constant 0 : index
    %get3A_181 = tpu.vector_load %arg21[%get3A_179, %get3A_180] {strides = array<i32>} : memref<2x64xf32, #tpu.memory_space<vmem>>, vector<16xf32>,
    %get3A_182 = arith.constant 0 : i32
    %get3A_183 = arith.index_cast %get3A_182 : i32 to index
    %get3A_184 = arith.constant 16 : index
    %get3A_185 = tpu.vector_load %arg21[%get3A_183, %get3A_184] {strides = array<i32>} : memref<2x64xf32, #tpu.memory_space<vmem>>, vector<16xf32>,
    %get3A_186 = arith.constant 0 : i32
    %get3A_187 = arith.index_cast %get3A_186 : i32 to index
    %get3A_188 = arith.constant 32 : index
    %get3A_189 = tpu.vector_load %arg21[%get3A_187, %get3A_188] {strides = array<i32>} : memref<2x64xf32, #tpu.memory_space<vmem>>, vector<16xf32>,
    %get3A_190 = arith.constant 0 : i32
    %get3A_191 = arith.index_cast %get3A_190 : i32 to index
    %get3A_192 = arith.constant 48 : index
    %get3A_193 = tpu.vector_load %arg21[%get3A_191, %get3A_192] {strides = array<i32>} : memref<2x64xf32, #tpu.memory_space<vmem>>, vector<16xf32>,
    %get3A_194 = arith.constant 1 : i32
    %get3A_195 = arith.index_cast %get3A_194 : i32 to index
    %get3A_196 = arith.constant 0 : index
    %get3A_197 = tpu.vector_load %arg21[%get3A_195, %get3A_196] {strides = array<i32>} : memref<2x64xf32, #tpu.memory_space<vmem>>, vector<16xf32>,
    %get3A_198 = arith.constant 1 : i32
    %get3A_199 = arith.index_cast %get3A_198 : i32 to index
    %get3A_200 = arith.constant 16 : index
    %get3A_201 = tpu.vector_load %arg21[%get3A_199, %get3A_200] {strides = array<i32>} : memref<2x64xf32, #tpu.memory_space<vmem>>, vector<16xf32>,
    %get3A_202 = arith.constant 1 : i32
    %get3A_203 = arith.index_cast %get3A_202 : i32 to index
    %get3A_204 = arith.constant 32 : index
    %get3A_205 = tpu.vector_load %arg21[%get3A_203, %get3A_204] {strides = array<i32>} : memref<2x64xf32, #tpu.memory_space<vmem>>, vector<16xf32>,
    %get3A_206 = arith.constant 1 : i32
    %get3A_207 = arith.index_cast %get3A_206 : i32 to index
    %get3A_208 = arith.constant 48 : index
    %get3A_209 = tpu.vector_load %arg21[%get3A_207, %get3A_208] {strides = array<i32>} : memref<2x64xf32, #tpu.memory_space<vmem>>, vector<16xf32>,
    %iota3A = tpu.iota {dimensions = array<i32: 0>} : vector<16xi32>
    %scan3A = arith.constant 0 : i32
    %scan3A_210 = arith.constant 0 : i32
    %scan3A_211 = arith.constant 32 : i32
    %scan3A_212 = arith.addi %scan3A_210, %scan3A_211 : i32
    %scan3A_213 = arith.constant 1 : i32
    scf.for %scan3A_215 = %scan3A_210 to %scan3A_212 step %scan3A_213  : i32 {
      %mul3A_216 = arith.constant 16 : i32
      %mul3A_217 = arith.muli %scan3A_215, %mul3A_216 : i32
      %get3A_218 = arith.constant 0 : i32
      %get3A_219 = arith.index_cast %get3A_218 : i32 to index
      %get3A_220 = arith.index_cast %mul3A_217 : i32 to index
      %get3A_221 = tpu.vector_load %arg16[%get3A_219, %get3A_220] {strides = array<i32>} : memref<8x512xi32, #tpu.memory_space<vmem>>, vector<16xi32>,
      %mul3A_222 = arith.constant 16 : i32
      %mul3A_223 = arith.muli %scan3A_215, %mul3A_222 : i32
      %get3A_224 = arith.constant 1 : i32
      %get3A_225 = arith.index_cast %get3A_224 : i32 to index
      %get3A_226 = arith.index_cast %mul3A_223 : i32 to index
      %get3A_227 = tpu.vector_load %arg16[%get3A_225, %get3A_226] {strides = array<i32>} : memref<8x512xi32, #tpu.memory_space<vmem>>, vector<16xi32>,
      %mul3A_228 = arith.constant 16 : i32
      %mul3A_229 = arith.muli %scan3A_215, %mul3A_228 : i32
      %get3A_230 = arith.constant 2 : i32
      %get3A_231 = arith.index_cast %get3A_230 : i32 to index
      %get3A_232 = arith.index_cast %mul3A_229 : i32 to index
      %get3A_233 = tpu.vector_load %arg16[%get3A_231, %get3A_232] {strides = array<i32>} : memref<8x512xi32, #tpu.memory_space<vmem>>, vector<16xi32>,
      %mul3A_234 = arith.constant 16 : i32
      %mul3A_235 = arith.muli %scan3A_215, %mul3A_234 : i32
      %get3A_236 = arith.constant 3 : i32
      %get3A_237 = arith.index_cast %get3A_236 : i32 to index
      %get3A_238 = arith.index_cast %mul3A_235 : i32 to index
      %get3A_239 = tpu.vector_load %arg16[%get3A_237, %get3A_238] {strides = array<i32>} : memref<8x512xi32, #tpu.memory_space<vmem>>, vector<16xi32>,
      %mul3A_240 = arith.constant 16 : i32
      %mul3A_241 = arith.muli %scan3A_215, %mul3A_240 : i32
      %get3A_242 = arith.constant 4 : i32
      %get3A_243 = arith.index_cast %get3A_242 : i32 to index
      %get3A_244 = arith.index_cast %mul3A_241 : i32 to index
      %get3A_245 = tpu.vector_load %arg16[%get3A_243, %get3A_244] {strides = array<i32>} : memref<8x512xi32, #tpu.memory_space<vmem>>, vector<16xi32>,
      %mul3A_246 = arith.constant 16 : i32
      %mul3A_247 = arith.muli %scan3A_215, %mul3A_246 : i32
      %get3A_248 = arith.constant 5 : i32
      %get3A_249 = arith.index_cast %get3A_248 : i32 to index
      %get3A_250 = arith.index_cast %mul3A_247 : i32 to index
      %get3A_251 = tpu.vector_load %arg16[%get3A_249, %get3A_250] {strides = array<i32>} : memref<8x512xi32, #tpu.memory_space<vmem>>, vector<16xi32>,
      %mul3A_252 = arith.constant 16 : i32
      %mul3A_253 = arith.muli %scan3A_215, %mul3A_252 : i32
      %get3A_254 = arith.constant 6 : i32
      %get3A_255 = arith.index_cast %get3A_254 : i32 to index
      %get3A_256 = arith.index_cast %mul3A_253 : i32 to index
      %get3A_257 = tpu.vector_load %arg16[%get3A_255, %get3A_256] {strides = array<i32>} : memref<8x512xi32, #tpu.memory_space<vmem>>, vector<16xi32>,
      %mul3A_258 = arith.constant 16 : i32
      %mul3A_259 = arith.muli %scan3A_215, %mul3A_258 : i32
      %get3A_260 = arith.constant 7 : i32
      %get3A_261 = arith.index_cast %get3A_260 : i32 to index
      %get3A_262 = arith.index_cast %mul3A_259 : i32 to index
      %get3A_263 = tpu.vector_load %arg16[%get3A_261, %get3A_262] {strides = array<i32>} : memref<8x512xi32, #tpu.memory_space<vmem>>, vector<16xi32>,
      %mul3A_264 = arith.constant 12 : i32
      %mul3A_265 = vector.broadcast %mul3A_264 : i32 to vector<16xi32>
      %mul3A_266 = arith.muli %get3A_221, %mul3A_265 : vector<16xi32>
      %add3A_267 = arith.addi %mul3A_266, %get3A_227 : vector<16xi32>
      %add3A_268 = arith.constant 0 : i32
      %add3A_269 = vector.broadcast %add3A_268 : i32 to vector<16xi32>
      %add3A_270 = arith.addi %add3A_267, %add3A_269 : vector<16xi32>
      %mul3A_271 = arith.constant 12 : i32
      %mul3A_272 = vector.broadcast %mul3A_271 : i32 to vector<16xi32>
      %mul3A_273 = arith.muli %get3A_233, %mul3A_272 : vector<16xi32>
      %add3A_274 = arith.addi %mul3A_273, %get3A_239 : vector<16xi32>
      %add3A_275 = arith.constant 144 : i32
      %add3A_276 = vector.broadcast %add3A_275 : i32 to vector<16xi32>
      %add3A_277 = arith.addi %add3A_274, %add3A_276 : vector<16xi32>
      %mul3A_278 = arith.constant 12 : i32
      %mul3A_279 = vector.broadcast %mul3A_278 : i32 to vector<16xi32>
      %mul3A_280 = arith.muli %get3A_245, %mul3A_279 : vector<16xi32>
      %add3A_281 = arith.addi %mul3A_280, %get3A_251 : vector<16xi32>
      %add3A_282 = arith.constant 288 : i32
      %add3A_283 = vector.broadcast %add3A_282 : i32 to vector<16xi32>
      %add3A_284 = arith.addi %add3A_281, %add3A_283 : vector<16xi32>
      %mul3A_285 = arith.constant 12 : i32
      %mul3A_286 = vector.broadcast %mul3A_285 : i32 to vector<16xi32>
      %mul3A_287 = arith.muli %get3A_257, %mul3A_286 : vector<16xi32>
      %add3A_288 = arith.addi %mul3A_287, %get3A_263 : vector<16xi32>
      %add3A_289 = arith.constant 432 : i32
      %add3A_290 = vector.broadcast %add3A_289 : i32 to vector<16xi32>
      %add3A_291 = arith.addi %add3A_288, %add3A_290 : vector<16xi32>
      %mul3A_292 = arith.constant 64 : i32
      %mul3A_293 = vector.broadcast %mul3A_292 : i32 to vector<16xi32>
      %mul3A_294 = arith.muli %add3A_270, %mul3A_293 : vector<16xi32>
      %mul3A_295 = arith.constant 64 : i32
      %mul3A_296 = vector.broadcast %mul3A_295 : i32 to vector<16xi32>
      %mul3A_297 = arith.muli %add3A_277, %mul3A_296 : vector<16xi32>
      %mul3A_298 = arith.constant 64 : i32
      %mul3A_299 = vector.broadcast %mul3A_298 : i32 to vector<16xi32>
      %mul3A_300 = arith.muli %add3A_284, %mul3A_299 : vector<16xi32>
      %mul3A_301 = arith.constant 64 : i32
      %mul3A_302 = vector.broadcast %mul3A_301 : i32 to vector<16xi32>
      %mul3A_303 = arith.muli %add3A_291, %mul3A_302 : vector<16xi32>
      %mul3A_304 = arith.constant 16 : i32
      %mul3A_305 = arith.muli %scan3A_215, %mul3A_304 : i32
      %add3A_306 = arith.constant 0 : i32
      %add3A_307 = arith.addi %mul3A_305, %add3A_306 : i32
      %slice3A = vector.extract_strided_slice %mul3A_294 {offsets = [0], sizes = [1], strides = [1]} : vector<16xi32> to vector<1xi32>
      %squeeze3A = vector.extract %slice3A[0] : i32 from vector<1xi32>
      %slice3A_308 = vector.extract_strided_slice %mul3A_297 {offsets = [0], sizes = [1], strides = [1]} : vector<16xi32> to vector<1xi32>
      %squeeze3A_309 = vector.extract %slice3A_308[0] : i32 from vector<1xi32>
      %slice3A_310 = vector.extract_strided_slice %mul3A_300 {offsets = [0], sizes = [1], strides = [1]} : vector<16xi32> to vector<1xi32>
      %squeeze3A_311 = vector.extract %slice3A_310[0] : i32 from vector<1xi32>
      %slice3A_312 = vector.extract_strided_slice %mul3A_303 {offsets = [0], sizes = [1], strides = [1]} : vector<16xi32> to vector<1xi32>
      %squeeze3A_313 = vector.extract %slice3A_312[0] : i32 from vector<1xi32>
      %add3A_314 = arith.constant 0 : i32
      %add3A_315 = arith.addi %squeeze3A, %add3A_314 : i32
      %get3A_316 = arith.index_cast %add3A_315 : i32 to index
      %get3A_317 = tpu.vector_load %arg18[%get3A_316] {strides = array<i32>} : memref<36864xf32, #tpu.memory_space<vmem>>, vector<16xf32>,
      %add3A_318 = arith.constant 0 : i32
      %add3A_319 = arith.addi %squeeze3A_309, %add3A_318 : i32
      %get3A_320 = arith.index_cast %add3A_319 : i32 to index
      %get3A_321 = tpu.vector_load %arg18[%get3A_320] {strides = array<i32>} : memref<36864xf32, #tpu.memory_space<vmem>>, vector<16xf32>,
      %add3A_322 = arith.addf %get3A_317, %get3A_321 : vector<16xf32>
      %add3A_323 = arith.constant 0 : i32
      %add3A_324 = arith.addi %squeeze3A_311, %add3A_323 : i32
      %get3A_325 = arith.index_cast %add3A_324 : i32 to index
      %get3A_326 = tpu.vector_load %arg18[%get3A_325] {strides = array<i32>} : memref<36864xf32, #tpu.memory_space<vmem>>, vector<16xf32>,
      %add3A_327 = arith.addf %add3A_322, %get3A_326 : vector<16xf32>
      %add3A_328 = arith.constant 0 : i32
      %add3A_329 = arith.addi %squeeze3A_313, %add3A_328 : i32
      %get3A_330 = arith.index_cast %add3A_329 : i32 to index
      %get3A_331 = tpu.vector_load %arg18[%get3A_330] {strides = array<i32>} : memref<36864xf32, #tpu.memory_space<vmem>>, vector<16xf32>,
      %add3A_332 = arith.addf %add3A_327, %get3A_331 : vector<16xf32>
      %mul3A_333 = arith.constant 64 : i32
      %mul3A_334 = arith.muli %add3A_307, %mul3A_333 : i32
      %add3A_335 = arith.constant 0 : i32
      %add3A_336 = arith.addi %mul3A_334, %add3A_335 : i32
      %get3A_337 = arith.index_cast %add3A_336 : i32 to index
      %get3A_338 = tpu.vector_load %arg17[%get3A_337] {strides = array<i32>} : memref<32768xf32, #tpu.memory_space<vmem>>, vector<16xf32>,
      %mul3A_339 = arith.mulf %add3A_332, %get3A_338 : vector<16xf32>
      %mul3A_340 = arith.mulf %mul3A_339, %get3A_181 : vector<16xf32>
      %mul3A_341 = arith.mulf %mul3A_339, %get3A_197 : vector<16xf32>
      %add3A_342 = arith.constant 16 : i32
      %add3A_343 = arith.addi %squeeze3A, %add3A_342 : i32
      %get3A_344 = arith.index_cast %add3A_343 : i32 to index
      %get3A_345 = tpu.vector_load %arg18[%get3A_344] {strides = array<i32>} : memref<36864xf32, #tpu.memory_space<vmem>>, vector<16xf32>,
      %add3A_346 = arith.constant 16 : i32
      %add3A_347 = arith.addi %squeeze3A_309, %add3A_346 : i32
      %get3A_348 = arith.index_cast %add3A_347 : i32 to index
      %get3A_349 = tpu.vector_load %arg18[%get3A_348] {strides = array<i32>} : memref<36864xf32, #tpu.memory_space<vmem>>, vector<16xf32>,
      %add3A_350 = arith.addf %get3A_345, %get3A_349 : vector<16xf32>
      %add3A_351 = arith.constant 16 : i32
      %add3A_352 = arith.addi %squeeze3A_311, %add3A_351 : i32
      %get3A_353 = arith.index_cast %add3A_352 : i32 to index
      %get3A_354 = tpu.vector_load %arg18[%get3A_353] {strides = array<i32>} : memref<36864xf32, #tpu.memory_space<vmem>>, vector<16xf32>,
      %add3A_355 = arith.addf %add3A_350, %get3A_354 : vector<16xf32>
      %add3A_356 = arith.constant 16 : i32
      %add3A_357 = arith.addi %squeeze3A_313, %add3A_356 : i32
      %get3A_358 = arith.index_cast %add3A_357 : i32 to index
      %get3A_359 = tpu.vector_load %arg18[%get3A_358] {strides = array<i32>} : memref<36864xf32, #tpu.memory_space<vmem>>, vector<16xf32>,
      %add3A_360 = arith.addf %add3A_355, %get3A_359 : vector<16xf32>
      %mul3A_361 = arith.constant 64 : i32
      %mul3A_362 = arith.muli %add3A_307, %mul3A_361 : i32
      %add3A_363 = arith.constant 16 : i32
      %add3A_364 = arith.addi %mul3A_362, %add3A_363 : i32
      %get3A_365 = arith.index_cast %add3A_364 : i32 to index
      %get3A_366 = tpu.vector_load %arg17[%get3A_365] {strides = array<i32>} : memref<32768xf32, #tpu.memory_space<vmem>>, vector<16xf32>,
      %mul3A_367 = arith.mulf %add3A_360, %get3A_366 : vector<16xf32>
      %mul3A_368 = arith.mulf %mul3A_367, %get3A_185 : vector<16xf32>
      %mul3A_369 = arith.mulf %mul3A_367, %get3A_201 : vector<16xf32>
      %add3A_370 = arith.addf %mul3A_340, %mul3A_368 : vector<16xf32>
      %add3A_371 = arith.addf %mul3A_341, %mul3A_369 : vector<16xf32>
      %add3A_372 = arith.constant 32 : i32
      %add3A_373 = arith.addi %squeeze3A, %add3A_372 : i32
      %get3A_374 = arith.index_cast %add3A_373 : i32 to index
      %get3A_375 = tpu.vector_load %arg18[%get3A_374] {strides = array<i32>} : memref<36864xf32, #tpu.memory_space<vmem>>, vector<16xf32>,
      %add3A_376 = arith.constant 32 : i32
      %add3A_377 = arith.addi %squeeze3A_309, %add3A_376 : i32
      %get3A_378 = arith.index_cast %add3A_377 : i32 to index
      %get3A_379 = tpu.vector_load %arg18[%get3A_378] {strides = array<i32>} : memref<36864xf32, #tpu.memory_space<vmem>>, vector<16xf32>,
      %add3A_380 = arith.addf %get3A_375, %get3A_379 : vector<16xf32>
      %add3A_381 = arith.constant 32 : i32
      %add3A_382 = arith.addi %squeeze3A_311, %add3A_381 : i32
      %get3A_383 = arith.index_cast %add3A_382 : i32 to index
      %get3A_384 = tpu.vector_load %arg18[%get3A_383] {strides = array<i32>} : memref<36864xf32, #tpu.memory_space<vmem>>, vector<16xf32>,
      %add3A_385 = arith.addf %add3A_380, %get3A_384 : vector<16xf32>
      %add3A_386 = arith.constant 32 : i32
      %add3A_387 = arith.addi %squeeze3A_313, %add3A_386 : i32
      %get3A_388 = arith.index_cast %add3A_387 : i32 to index
      %get3A_389 = tpu.vector_load %arg18[%get3A_388] {strides = array<i32>} : memref<36864xf32, #tpu.memory_space<vmem>>, vector<16xf32>,
      %add3A_390 = arith.addf %add3A_385, %get3A_389 : vector<16xf32>
      %mul3A_391 = arith.constant 64 : i32
      %mul3A_392 = arith.muli %add3A_307, %mul3A_391 : i32
      %add3A_393 = arith.constant 32 : i32
      %add3A_394 = arith.addi %mul3A_392, %add3A_393 : i32
      %get3A_395 = arith.index_cast %add3A_394 : i32 to index
      %get3A_396 = tpu.vector_load %arg17[%get3A_395] {strides = array<i32>} : memref<32768xf32, #tpu.memory_space<vmem>>, vector<16xf32>,
      %mul3A_397 = arith.mulf %add3A_390, %get3A_396 : vector<16xf32>
      %mul3A_398 = arith.mulf %mul3A_397, %get3A_189 : vector<16xf32>
      %mul3A_399 = arith.mulf %mul3A_397, %get3A_205 : vector<16xf32>
      %add3A_400 = arith.addf %add3A_370, %mul3A_398 : vector<16xf32>
      %add3A_401 = arith.addf %add3A_371, %mul3A_399 : vector<16xf32>
      %add3A_402 = arith.constant 48 : i32
      %add3A_403 = arith.addi %squeeze3A, %add3A_402 : i32
      %get3A_404 = arith.index_cast %add3A_403 : i32 to index
      %get3A_405 = tpu.vector_load %arg18[%get3A_404] {strides = array<i32>} : memref<36864xf32, #tpu.memory_space<vmem>>, vector<16xf32>,
      %add3A_406 = arith.constant 48 : i32
      %add3A_407 = arith.addi %squeeze3A_309, %add3A_406 : i32
      %get3A_408 = arith.index_cast %add3A_407 : i32 to index
      %get3A_409 = tpu.vector_load %arg18[%get3A_408] {strides = array<i32>} : memref<36864xf32, #tpu.memory_space<vmem>>, vector<16xf32>,
      %add3A_410 = arith.addf %get3A_405, %get3A_409 : vector<16xf32>
      %add3A_411 = arith.constant 48 : i32
      %add3A_412 = arith.addi %squeeze3A_311, %add3A_411 : i32
      %get3A_413 = arith.index_cast %add3A_412 : i32 to index
      %get3A_414 = tpu.vector_load %arg18[%get3A_413] {strides = array<i32>} : memref<36864xf32, #tpu.memory_space<vmem>>, vector<16xf32>,
      %add3A_415 = arith.addf %add3A_410, %get3A_414 : vector<16xf32>
      %add3A_416 = arith.constant 48 : i32
      %add3A_417 = arith.addi %squeeze3A_313, %add3A_416 : i32
      %get3A_418 = arith.index_cast %add3A_417 : i32 to index
      %get3A_419 = tpu.vector_load %arg18[%get3A_418] {strides = array<i32>} : memref<36864xf32, #tpu.memory_space<vmem>>, vector<16xf32>,
      %add3A_420 = arith.addf %add3A_415, %get3A_419 : vector<16xf32>
      %mul3A_421 = arith.constant 64 : i32
      %mul3A_422 = arith.muli %add3A_307, %mul3A_421 : i32
      %add3A_423 = arith.constant 48 : i32
      %add3A_424 = arith.addi %mul3A_422, %add3A_423 : i32
      %get3A_425 = arith.index_cast %add3A_424 : i32 to index
      %get3A_426 = tpu.vector_load %arg17[%get3A_425] {strides = array<i32>} : memref<32768xf32, #tpu.memory_space<vmem>>, vector<16xf32>,
      %mul3A_427 = arith.mulf %add3A_420, %get3A_426 : vector<16xf32>
      %mul3A_428 = arith.mulf %mul3A_427, %get3A_193 : vector<16xf32>
      %mul3A_429 = arith.mulf %mul3A_427, %get3A_209 : vector<16xf32>
      %add3A_430 = arith.addf %add3A_400, %mul3A_428 : vector<16xf32>
      %add3A_431 = arith.addf %add3A_401, %mul3A_429 : vector<16xf32>
      %mul3A_432 = arith.constant 16 : i32
      %mul3A_433 = arith.muli %add3A_307, %mul3A_432 : i32
      %swap3A = arith.index_cast %mul3A_433 : i32 to index
      %swap3A_434 = tpu.vector_load %arg22[%swap3A] {strides = array<i32>} : memref<8192xf32, #tpu.memory_space<vmem>>, vector<16xf32>,
      tpu.vector_store %arg22[%swap3A], %add3A_430 {strides = array<i32>} : memref<8192xf32, #tpu.memory_space<vmem>>, vector<16xf32>,
      %mul3A_435 = arith.constant 16 : i32
      %mul3A_436 = arith.muli %add3A_307, %mul3A_435 : i32
      %swap3A_437 = arith.index_cast %mul3A_436 : i32 to index
      %swap3A_438 = tpu.vector_load %arg23[%swap3A_437] {strides = array<i32>} : memref<8192xf32, #tpu.memory_space<vmem>>, vector<16xf32>,
      tpu.vector_store %arg23[%swap3A_437], %add3A_431 {strides = array<i32>} : memref<8192xf32, #tpu.memory_space<vmem>>, vector<16xf32>,
      %mul3A_439 = arith.constant 16 : i32
      %mul3A_440 = arith.muli %scan3A_215, %mul3A_439 : i32
      %add3A_441 = arith.constant 1 : i32
      %add3A_442 = arith.addi %mul3A_440, %add3A_441 : i32
      %slice3A_443 = vector.extract_strided_slice %mul3A_294 {offsets = [1], sizes = [1], strides = [1]} : vector<16xi32> to vector<1xi32>
      %squeeze3A_444 = vector.extract %slice3A_443[0] : i32 from vector<1xi32>
      %slice3A_445 = vector.extract_strided_slice %mul3A_297 {offsets = [1], sizes = [1], strides = [1]} : vector<16xi32> to vector<1xi32>
      %squeeze3A_446 = vector.extract %slice3A_445[0] : i32 from vector<1xi32>
      %slice3A_447 = vector.extract_strided_slice %mul3A_300 {offsets = [1], sizes = [1], strides = [1]} : vector<16xi32> to vector<1xi32>
      %squeeze3A_448 = vector.extract %slice3A_447[0] : i32 from vector<1xi32>
      %slice3A_449 = vector.extract_strided_slice %mul3A_303 {offsets = [1], sizes = [1], strides = [1]} : vector<16xi32> to vector<1xi32>
      %squeeze3A_450 = vector.extract %slice3A_449[0] : i32 from vector<1xi32>
      %add3A_451 = arith.constant 0 : i32
      %add3A_452 = arith.addi %squeeze3A_444, %add3A_451 : i32
      %get3A_453 = arith.index_cast %add3A_452 : i32 to index
      %get3A_454 = tpu.vector_load %arg18[%get3A_453] {strides = array<i32>} : memref<36864xf32, #tpu.memory_space<vmem>>, vector<16xf32>,
      %add3A_455 = arith.constant 0 : i32
      %add3A_456 = arith.addi %squeeze3A_446, %add3A_455 : i32
      %get3A_457 = arith.index_cast %add3A_456 : i32 to index
      %get3A_458 = tpu.vector_load %arg18[%get3A_457] {strides = array<i32>} : memref<36864xf32, #tpu.memory_space<vmem>>, vector<16xf32>,
      %add3A_459 = arith.addf %get3A_454, %get3A_458 : vector<16xf32>
      %add3A_460 = arith.constant 0 : i32
      %add3A_461 = arith.addi %squeeze3A_448, %add3A_460 : i32
      %get3A_462 = arith.index_cast %add3A_461 : i32 to index
      %get3A_463 = tpu.vector_load %arg18[%get3A_462] {strides = array<i32>} : memref<36864xf32, #tpu.memory_space<vmem>>, vector<16xf32>,
      %add3A_464 = arith.addf %add3A_459, %get3A_463 : vector<16xf32>
      %add3A_465 = arith.constant 0 : i32
      %add3A_466 = arith.addi %squeeze3A_450, %add3A_465 : i32
      %get3A_467 = arith.index_cast %add3A_466 : i32 to index
      %get3A_468 = tpu.vector_load %arg18[%get3A_467] {strides = array<i32>} : memref<36864xf32, #tpu.memory_space<vmem>>, vector<16xf32>,
      %add3A_469 = arith.addf %add3A_464, %get3A_468 : vector<16xf32>
      %mul3A_470 = arith.constant 64 : i32
      %mul3A_471 = arith.muli %add3A_442, %mul3A_470 : i32
      %add3A_472 = arith.constant 0 : i32
      %add3A_473 = arith.addi %mul3A_471, %add3A_472 : i32
      %get3A_474 = arith.index_cast %add3A_473 : i32 to index
      %get3A_475 = tpu.vector_load %arg17[%get3A_474] {strides = array<i32>} : memref<32768xf32, #tpu.memory_space<vmem>>, vector<16xf32>,
      %mul3A_476 = arith.mulf %add3A_469, %get3A_475 : vector<16xf32>
      %mul3A_477 = arith.mulf %mul3A_476, %get3A_181 : vector<16xf32>
      %mul3A_478 = arith.mulf %mul3A_476, %get3A_197 : vector<16xf32>
      %add3A_479 = arith.constant 16 : i32
      %add3A_480 = arith.addi %squeeze3A_444, %add3A_479 : i32
      %get3A_481 = arith.index_cast %add3A_480 : i32 to index
      %get3A_482 = tpu.vector_load %arg18[%get3A_481] {strides = array<i32>} : memref<36864xf32, #tpu.memory_space<vmem>>, vector<16xf32>,
      %add3A_483 = arith.constant 16 : i32
      %add3A_484 = arith.addi %squeeze3A_446, %add3A_483 : i32
      %get3A_485 = arith.index_cast %add3A_484 : i32 to index
      %get3A_486 = tpu.vector_load %arg18[%get3A_485] {strides = array<i32>} : memref<36864xf32, #tpu.memory_space<vmem>>, vector<16xf32>,
      %add3A_487 = arith.addf %get3A_482, %get3A_486 : vector<16xf32>
      %add3A_488 = arith.constant 16 : i32
      %add3A_489 = arith.addi %squeeze3A_448, %add3A_488 : i32
      %get3A_490 = arith.index_cast %add3A_489 : i32 to index
      %get3A_491 = tpu.vector_load %arg18[%get3A_490] {strides = array<i32>} : memref<36864xf32, #tpu.memory_space<vmem>>, vector<16xf32>,
      %add3A_492 = arith.addf %add3A_487, %get3A_491 : vector<16xf32>
      %add3A_493 = arith.constant 16 : i32
      %add3A_494 = arith.addi %squeeze3A_450, %add3A_493 : i32
      %get3A_495 = arith.index_cast %add3A_494 : i32 to index
      %get3A_496 = tpu.vector_load %arg18[%get3A_495] {strides = array<i32>} : memref<36864xf32, #tpu.memory_space<vmem>>, vector<16xf32>,
      %add3A_497 = arith.addf %add3A_492, %get3A_496 : vector<16xf32>
      %mul3A_498 = arith.constant 64 : i32
      %mul3A_499 = arith.muli %add3A_442, %mul3A_498 : i32
      %add3A_500 = arith.constant 16 : i32
      %add3A_501 = arith.addi %mul3A_499, %add3A_500 : i32
      %get3A_502 = arith.index_cast %add3A_501 : i32 to index
      %get3A_503 = tpu.vector_load %arg17[%get3A_502] {strides = array<i32>} : memref<32768xf32, #tpu.memory_space<vmem>>, vector<16xf32>,
      %mul3A_504 = arith.mulf %add3A_497, %get3A_503 : vector<16xf32>
      %mul3A_505 = arith.mulf %mul3A_504, %get3A_185 : vector<16xf32>
      %mul3A_506 = arith.mulf %mul3A_504, %get3A_201 : vector<16xf32>
      %add3A_507 = arith.addf %mul3A_477, %mul3A_505 : vector<16xf32>
      %add3A_508 = arith.addf %mul3A_478, %mul3A_506 : vector<16xf32>
      %add3A_509 = arith.constant 32 : i32
      %add3A_510 = arith.addi %squeeze3A_444, %add3A_509 : i32
      %get3A_511 = arith.index_cast %add3A_510 : i32 to index
      %get3A_512 = tpu.vector_load %arg18[%get3A_511] {strides = array<i32>} : memref<36864xf32, #tpu.memory_space<vmem>>, vector<16xf32>,
      %add3A_513 = arith.constant 32 : i32
      %add3A_514 = arith.addi %squeeze3A_446, %add3A_513 : i32
      %get3A_515 = arith.index_cast %add3A_514 : i32 to index
      %get3A_516 = tpu.vector_load %arg18[%get3A_515] {strides = array<i32>} : memref<36864xf32, #tpu.memory_space<vmem>>, vector<16xf32>,
      %add3A_517 = arith.addf %get3A_512, %get3A_516 : vector<16xf32>
      %add3A_518 = arith.constant 32 : i32
      %add3A_519 = arith.addi %squeeze3A_448, %add3A_518 : i32
      %get3A_520 = arith.index_cast %add3A_519 : i32 to index
      %get3A_521 = tpu.vector_load %arg18[%get3A_520] {strides = array<i32>} : memref<36864xf32, #tpu.memory_space<vmem>>, vector<16xf32>,
      %add3A_522 = arith.addf %add3A_517, %get3A_521 : vector<16xf32>
      %add3A_523 = arith.constant 32 : i32
      %add3A_524 = arith.addi %squeeze3A_450, %add3A_523 : i32
      %get3A_525 = arith.index_cast %add3A_524 : i32 to index
      %get3A_526 = tpu.vector_load %arg18[%get3A_525] {strides = array<i32>} : memref<36864xf32, #tpu.memory_space<vmem>>, vector<16xf32>,
      %add3A_527 = arith.addf %add3A_522, %get3A_526 : vector<16xf32>
      %mul3A_528 = arith.constant 64 : i32
      %mul3A_529 = arith.muli %add3A_442, %mul3A_528 : i32
      %add3A_530 = arith.constant 32 : i32
      %add3A_531 = arith.addi %mul3A_529, %add3A_530 : i32
      %get3A_532 = arith.index_cast %add3A_531 : i32 to index
      %get3A_533 = tpu.vector_load %arg17[%get3A_532] {strides = array<i32>} : memref<32768xf32, #tpu.memory_space<vmem>>, vector<16xf32>,
      %mul3A_534 = arith.mulf %add3A_527, %get3A_533 : vector<16xf32>
      %mul3A_535 = arith.mulf %mul3A_534, %get3A_189 : vector<16xf32>
      %mul3A_536 = arith.mulf %mul3A_534, %get3A_205 : vector<16xf32>
      %add3A_537 = arith.addf %add3A_507, %mul3A_535 : vector<16xf32>
      %add3A_538 = arith.addf %add3A_508, %mul3A_536 : vector<16xf32>
      %add3A_539 = arith.constant 48 : i32
      %add3A_540 = arith.addi %squeeze3A_444, %add3A_539 : i32
      %get3A_541 = arith.index_cast %add3A_540 : i32 to index
      %get3A_542 = tpu.vector_load %arg18[%get3A_541] {strides = array<i32>} : memref<36864xf32, #tpu.memory_space<vmem>>, vector<16xf32>,
      %add3A_543 = arith.constant 48 : i32
      %add3A_544 = arith.addi %squeeze3A_446, %add3A_543 : i32
      %get3A_545 = arith.index_cast %add3A_544 : i32 to index
      %get3A_546 = tpu.vector_load %arg18[%get3A_545] {strides = array<i32>} : memref<36864xf32, #tpu.memory_space<vmem>>, vector<16xf32>,
      %add3A_547 = arith.addf %get3A_542, %get3A_546 : vector<16xf32>
      %add3A_548 = arith.constant 48 : i32
      %add3A_549 = arith.addi %squeeze3A_448, %add3A_548 : i32
      %get3A_550 = arith.index_cast %add3A_549 : i32 to index
      %get3A_551 = tpu.vector_load %arg18[%get3A_550] {strides = array<i32>} : memref<36864xf32, #tpu.memory_space<vmem>>, vector<16xf32>,
      %add3A_552 = arith.addf %add3A_547, %get3A_551 : vector<16xf32>
      %add3A_553 = arith.constant 48 : i32
      %add3A_554 = arith.addi %squeeze3A_450, %add3A_553 : i32
      %get3A_555 = arith.index_cast %add3A_554 : i32 to index
      %get3A_556 = tpu.vector_load %arg18[%get3A_555] {strides = array<i32>} : memref<36864xf32, #tpu.memory_space<vmem>>, vector<16xf32>,
      %add3A_557 = arith.addf %add3A_552, %get3A_556 : vector<16xf32>
      %mul3A_558 = arith.constant 64 : i32
      %mul3A_559 = arith.muli %add3A_442, %mul3A_558 : i32
      %add3A_560 = arith.constant 48 : i32
      %add3A_561 = arith.addi %mul3A_559, %add3A_560 : i32
      %get3A_562 = arith.index_cast %add3A_561 : i32 to index
      %get3A_563 = tpu.vector_load %arg17[%get3A_562] {strides = array<i32>} : memref<32768xf32, #tpu.memory_space<vmem>>, vector<16xf32>,
      %mul3A_564 = arith.mulf %add3A_557, %get3A_563 : vector<16xf32>
      %mul3A_565 = arith.mulf %mul3A_564, %get3A_193 : vector<16xf32>
      %mul3A_566 = arith.mulf %mul3A_564, %get3A_209 : vector<16xf32>
      %add3A_567 = arith.addf %add3A_537, %mul3A_565 : vector<16xf32>
      %add3A_568 = arith.addf %add3A_538, %mul3A_566 : vector<16xf32>
      %mul3A_569 = arith.constant 16 : i32
      %mul3A_570 = arith.muli %add3A_442, %mul3A_569 : i32
      %swap3A_571 = arith.index_cast %mul3A_570 : i32 to index
      %swap3A_572 = tpu.vector_load %arg22[%swap3A_571] {strides = array<i32>} : memref<8192xf32, #tpu.memory_space<vmem>>, vector<16xf32>,
      tpu.vector_store %arg22[%swap3A_571], %add3A_567 {strides = array<i32>} : memref<8192xf32, #tpu.memory_space<vmem>>, vector<16xf32>,
      %mul3A_573 = arith.constant 16 : i32
      %mul3A_574 = arith.muli %add3A_442, %mul3A_573 : i32
      %swap3A_575 = arith.index_cast %mul3A_574 : i32 to index
      %swap3A_576 = tpu.vector_load %arg23[%swap3A_575] {strides = array<i32>} : memref<8192xf32, #tpu.memory_space<vmem>>, vector<16xf32>,
      tpu.vector_store %arg23[%swap3A_575], %add3A_568 {strides = array<i32>} : memref<8192xf32, #tpu.memory_space<vmem>>, vector<16xf32>,
      %mul3A_577 = arith.constant 16 : i32
      %mul3A_578 = arith.muli %scan3A_215, %mul3A_577 : i32
      %add3A_579 = arith.constant 2 : i32
      %add3A_580 = arith.addi %mul3A_578, %add3A_579 : i32
      %slice3A_581 = vector.extract_strided_slice %mul3A_294 {offsets = [2], sizes = [1], strides = [1]} : vector<16xi32> to vector<1xi32>
      %squeeze3A_582 = vector.extract %slice3A_581[0] : i32 from vector<1xi32>
      %slice3A_583 = vector.extract_strided_slice %mul3A_297 {offsets = [2], sizes = [1], strides = [1]} : vector<16xi32> to vector<1xi32>
      %squeeze3A_584 = vector.extract %slice3A_583[0] : i32 from vector<1xi32>
      %slice3A_585 = vector.extract_strided_slice %mul3A_300 {offsets = [2], sizes = [1], strides = [1]} : vector<16xi32> to vector<1xi32>
      %squeeze3A_586 = vector.extract %slice3A_585[0] : i32 from vector<1xi32>
      %slice3A_587 = vector.extract_strided_slice %mul3A_303 {offsets = [2], sizes = [1], strides = [1]} : vector<16xi32> to vector<1xi32>
      %squeeze3A_588 = vector.extract %slice3A_587[0] : i32 from vector<1xi32>
      %add3A_589 = arith.constant 0 : i32
      %add3A_590 = arith.addi %squeeze3A_582, %add3A_589 : i32
      %get3A_591 = arith.index_cast %add3A_590 : i32 to index
      %get3A_592 = tpu.vector_load %arg18[%get3A_591] {strides = array<i32>} : memref<36864xf32, #tpu.memory_space<vmem>>, vector<16xf32>,
      %add3A_593 = arith.constant 0 : i32
      %add3A_594 = arith.addi %squeeze3A_584, %add3A_593 : i32
      %get3A_595 = arith.index_cast %add3A_594 : i32 to index
      %get3A_596 = tpu.vector_load %arg18[%get3A_595] {strides = array<i32>} : memref<36864xf32, #tpu.memory_space<vmem>>, vector<16xf32>,
      %add3A_597 = arith.addf %get3A_592, %get3A_596 : vector<16xf32>
      %add3A_598 = arith.constant 0 : i32
      %add3A_599 = arith.addi %squeeze3A_586, %add3A_598 : i32
      %get3A_600 = arith.index_cast %add3A_599 : i32 to index
      %get3A_601 = tpu.vector_load %arg18[%get3A_600] {strides = array<i32>} : memref<36864xf32, #tpu.memory_space<vmem>>, vector<16xf32>,
      %add3A_602 = arith.addf %add3A_597, %get3A_601 : vector<16xf32>
      %add3A_603 = arith.constant 0 : i32
      %add3A_604 = arith.addi %squeeze3A_588, %add3A_603 : i32
      %get3A_605 = arith.index_cast %add3A_604 : i32 to index
      %get3A_606 = tpu.vector_load %arg18[%get3A_605] {strides = array<i32>} : memref<36864xf32, #tpu.memory_space<vmem>>, vector<16xf32>,
      %add3A_607 = arith.addf %add3A_602, %get3A_606 : vector<16xf32>
      %mul3A_608 = arith.constant 64 : i32
      %mul3A_609 = arith.muli %add3A_580, %mul3A_608 : i32
      %add3A_610 = arith.constant 0 : i32
      %add3A_611 = arith.addi %mul3A_609, %add3A_610 : i32
      %get3A_612 = arith.index_cast %add3A_611 : i32 to index
      %get3A_613 = tpu.vector_load %arg17[%get3A_612] {strides = array<i32>} : memref<32768xf32, #tpu.memory_space<vmem>>, vector<16xf32>,
      %mul3A_614 = arith.mulf %add3A_607, %get3A_613 : vector<16xf32>
      %mul3A_615 = arith.mulf %mul3A_614, %get3A_181 : vector<16xf32>
      %mul3A_616 = arith.mulf %mul3A_614, %get3A_197 : vector<16xf32>
      %add3A_617 = arith.constant 16 : i32
      %add3A_618 = arith.addi %squeeze3A_582, %add3A_617 : i32
      %get3A_619 = arith.index_cast %add3A_618 : i32 to index
      %get3A_620 = tpu.vector_load %arg18[%get3A_619] {strides = array<i32>} : memref<36864xf32, #tpu.memory_space<vmem>>, vector<16xf32>,
      %add3A_621 = arith.constant 16 : i32
      %add3A_622 = arith.addi %squeeze3A_584, %add3A_621 : i32
      %get3A_623 = arith.index_cast %add3A_622 : i32 to index
      %get3A_624 = tpu.vector_load %arg18[%get3A_623] {strides = array<i32>} : memref<36864xf32, #tpu.memory_space<vmem>>, vector<16xf32>,
      %add3A_625 = arith.addf %get3A_620, %get3A_624 : vector<16xf32>
      %add3A_626 = arith.constant 16 : i32
      %add3A_627 = arith.addi %squeeze3A_586, %add3A_626 : i32
      %get3A_628 = arith.index_cast %add3A_627 : i32 to index
      %get3A_629 = tpu.vector_load %arg18[%get3A_628] {strides = array<i32>} : memref<36864xf32, #tpu.memory_space<vmem>>, vector<16xf32>,
      %add3A_630 = arith.addf %add3A_625, %get3A_629 : vector<16xf32>
      %add3A_631 = arith.constant 16 : i32
      %add3A_632 = arith.addi %squeeze3A_588, %add3A_631 : i32
      %get3A_633 = arith.index_cast %add3A_632 : i32 to index
      %get3A_634 = tpu.vector_load %arg18[%get3A_633] {strides = array<i32>} : memref<36864xf32, #tpu.memory_space<vmem>>, vector<16xf32>,
      %add3A_635 = arith.addf %add3A_630, %get3A_634 : vector<16xf32>
      %mul3A_636 = arith.constant 64 : i32
      %mul3A_637 = arith.muli %add3A_580, %mul3A_636 : i32
      %add3A_638 = arith.constant 16 : i32
      %add3A_639 = arith.addi %mul3A_637, %add3A_638 : i32
      %get3A_640 = arith.index_cast %add3A_639 : i32 to index
      %get3A_641 = tpu.vector_load %arg17[%get3A_640] {strides = array<i32>} : memref<32768xf32, #tpu.memory_space<vmem>>, vector<16xf32>,
      %mul3A_642 = arith.mulf %add3A_635, %get3A_641 : vector<16xf32>
      %mul3A_643 = arith.mulf %mul3A_642, %get3A_185 : vector<16xf32>
      %mul3A_644 = arith.mulf %mul3A_642, %get3A_201 : vector<16xf32>
      %add3A_645 = arith.addf %mul3A_615, %mul3A_643 : vector<16xf32>
      %add3A_646 = arith.addf %mul3A_616, %mul3A_644 : vector<16xf32>
      %add3A_647 = arith.constant 32 : i32
      %add3A_648 = arith.addi %squeeze3A_582, %add3A_647 : i32
      %get3A_649 = arith.index_cast %add3A_648 : i32 to index
      %get3A_650 = tpu.vector_load %arg18[%get3A_649] {strides = array<i32>} : memref<36864xf32, #tpu.memory_space<vmem>>, vector<16xf32>,
      %add3A_651 = arith.constant 32 : i32
      %add3A_652 = arith.addi %squeeze3A_584, %add3A_651 : i32
      %get3A_653 = arith.index_cast %add3A_652 : i32 to index
      %get3A_654 = tpu.vector_load %arg18[%get3A_653] {strides = array<i32>} : memref<36864xf32, #tpu.memory_space<vmem>>, vector<16xf32>,
      %add3A_655 = arith.addf %get3A_650, %get3A_654 : vector<16xf32>
      %add3A_656 = arith.constant 32 : i32
      %add3A_657 = arith.addi %squeeze3A_586, %add3A_656 : i32
      %get3A_658 = arith.index_cast %add3A_657 : i32 to index
      %get3A_659 = tpu.vector_load %arg18[%get3A_658] {strides = array<i32>} : memref<36864xf32, #tpu.memory_space<vmem>>, vector<16xf32>,
      %add3A_660 = arith.addf %add3A_655, %get3A_659 : vector<16xf32>
      %add3A_661 = arith.constant 32 : i32
      %add3A_662 = arith.addi %squeeze3A_588, %add3A_661 : i32
      %get3A_663 = arith.index_cast %add3A_662 : i32 to index
      %get3A_664 = tpu.vector_load %arg18[%get3A_663] {strides = array<i32>} : memref<36864xf32, #tpu.memory_space<vmem>>, vector<16xf32>,
      %add3A_665 = arith.addf %add3A_660, %get3A_664 : vector<16xf32>
      %mul3A_666 = arith.constant 64 : i32
      %mul3A_667 = arith.muli %add3A_580, %mul3A_666 : i32
      %add3A_668 = arith.constant 32 : i32
      %add3A_669 = arith.addi %mul3A_667, %add3A_668 : i32
      %get3A_670 = arith.index_cast %add3A_669 : i32 to index
      %get3A_671 = tpu.vector_load %arg17[%get3A_670] {strides = array<i32>} : memref<32768xf32, #tpu.memory_space<vmem>>, vector<16xf32>,
      %mul3A_672 = arith.mulf %add3A_665, %get3A_671 : vector<16xf32>
      %mul3A_673 = arith.mulf %mul3A_672, %get3A_189 : vector<16xf32>
      %mul3A_674 = arith.mulf %mul3A_672, %get3A_205 : vector<16xf32>
      %add3A_675 = arith.addf %add3A_645, %mul3A_673 : vector<16xf32>
      %add3A_676 = arith.addf %add3A_646, %mul3A_674 : vector<16xf32>
      %add3A_677 = arith.constant 48 : i32
      %add3A_678 = arith.addi %squeeze3A_582, %add3A_677 : i32
      %get3A_679 = arith.index_cast %add3A_678 : i32 to index
      %get3A_680 = tpu.vector_load %arg18[%get3A_679] {strides = array<i32>} : memref<36864xf32, #tpu.memory_space<vmem>>, vector<16xf32>,
      %add3A_681 = arith.constant 48 : i32
      %add3A_682 = arith.addi %squeeze3A_584, %add3A_681 : i32
      %get3A_683 = arith.index_cast %add3A_682 : i32 to index
      %get3A_684 = tpu.vector_load %arg18[%get3A_683] {strides = array<i32>} : memref<36864xf32, #tpu.memory_space<vmem>>, vector<16xf32>,
      %add3A_685 = arith.addf %get3A_680, %get3A_684 : vector<16xf32>
      %add3A_686 = arith.constant 48 : i32
      %add3A_687 = arith.addi %squeeze3A_586, %add3A_686 : i32
      %get3A_688 = arith.index_cast %add3A_687 : i32 to index
      %get3A_689 = tpu.vector_load %arg18[%get3A_688] {strides = array<i32>} : memref<36864xf32, #tpu.memory_space<vmem>>, vector<16xf32>,
      %add3A_690 = arith.addf %add3A_685, %get3A_689 : vector<16xf32>
      %add3A_691 = arith.constant 48 : i32
      %add3A_692 = arith.addi %squeeze3A_588, %add3A_691 : i32
      %get3A_693 = arith.index_cast %add3A_692 : i32 to index
      %get3A_694 = tpu.vector_load %arg18[%get3A_693] {strides = array<i32>} : memref<36864xf32, #tpu.memory_space<vmem>>, vector<16xf32>,
      %add3A_695 = arith.addf %add3A_690, %get3A_694 : vector<16xf32>
      %mul3A_696 = arith.constant 64 : i32
      %mul3A_697 = arith.muli %add3A_580, %mul3A_696 : i32
      %add3A_698 = arith.constant 48 : i32
      %add3A_699 = arith.addi %mul3A_697, %add3A_698 : i32
      %get3A_700 = arith.index_cast %add3A_699 : i32 to index
      %get3A_701 = tpu.vector_load %arg17[%get3A_700] {strides = array<i32>} : memref<32768xf32, #tpu.memory_space<vmem>>, vector<16xf32>,
      %mul3A_702 = arith.mulf %add3A_695, %get3A_701 : vector<16xf32>
      %mul3A_703 = arith.mulf %mul3A_702, %get3A_193 : vector<16xf32>
      %mul3A_704 = arith.mulf %mul3A_702, %get3A_209 : vector<16xf32>
      %add3A_705 = arith.addf %add3A_675, %mul3A_703 : vector<16xf32>
      %add3A_706 = arith.addf %add3A_676, %mul3A_704 : vector<16xf32>
      %mul3A_707 = arith.constant 16 : i32
      %mul3A_708 = arith.muli %add3A_580, %mul3A_707 : i32
      %swap3A_709 = arith.index_cast %mul3A_708 : i32 to index
      %swap3A_710 = tpu.vector_load %arg22[%swap3A_709] {strides = array<i32>} : memref<8192xf32, #tpu.memory_space<vmem>>, vector<16xf32>,
      tpu.vector_store %arg22[%swap3A_709], %add3A_705 {strides = array<i32>} : memref<8192xf32, #tpu.memory_space<vmem>>, vector<16xf32>,
      %mul3A_711 = arith.constant 16 : i32
      %mul3A_712 = arith.muli %add3A_580, %mul3A_711 : i32
      %swap3A_713 = arith.index_cast %mul3A_712 : i32 to index
      %swap3A_714 = tpu.vector_load %arg23[%swap3A_713] {strides = array<i32>} : memref<8192xf32, #tpu.memory_space<vmem>>, vector<16xf32>,
      tpu.vector_store %arg23[%swap3A_713], %add3A_706 {strides = array<i32>} : memref<8192xf32, #tpu.memory_space<vmem>>, vector<16xf32>,
      %mul3A_715 = arith.constant 16 : i32
      %mul3A_716 = arith.muli %scan3A_215, %mul3A_715 : i32
      %add3A_717 = arith.constant 3 : i32
      %add3A_718 = arith.addi %mul3A_716, %add3A_717 : i32
      %slice3A_719 = vector.extract_strided_slice %mul3A_294 {offsets = [3], sizes = [1], strides = [1]} : vector<16xi32> to vector<1xi32>
      %squeeze3A_720 = vector.extract %slice3A_719[0] : i32 from vector<1xi32>
      %slice3A_721 = vector.extract_strided_slice %mul3A_297 {offsets = [3], sizes = [1], strides = [1]} : vector<16xi32> to vector<1xi32>
      %squeeze3A_722 = vector.extract %slice3A_721[0] : i32 from vector<1xi32>
      %slice3A_723 = vector.extract_strided_slice %mul3A_300 {offsets = [3], sizes = [1], strides = [1]} : vector<16xi32> to vector<1xi32>
      %squeeze3A_724 = vector.extract %slice3A_723[0] : i32 from vector<1xi32>
      %slice3A_725 = vector.extract_strided_slice %mul3A_303 {offsets = [3], sizes = [1], strides = [1]} : vector<16xi32> to vector<1xi32>
      %squeeze3A_726 = vector.extract %slice3A_725[0] : i32 from vector<1xi32>
      %add3A_727 = arith.constant 0 : i32
      %add3A_728 = arith.addi %squeeze3A_720, %add3A_727 : i32
      %get3A_729 = arith.index_cast %add3A_728 : i32 to index
      %get3A_730 = tpu.vector_load %arg18[%get3A_729] {strides = array<i32>} : memref<36864xf32, #tpu.memory_space<vmem>>, vector<16xf32>,
      %add3A_731 = arith.constant 0 : i32
      %add3A_732 = arith.addi %squeeze3A_722, %add3A_731 : i32
      %get3A_733 = arith.index_cast %add3A_732 : i32 to index
      %get3A_734 = tpu.vector_load %arg18[%get3A_733] {strides = array<i32>} : memref<36864xf32, #tpu.memory_space<vmem>>, vector<16xf32>,
      %add3A_735 = arith.addf %get3A_730, %get3A_734 : vector<16xf32>
      %add3A_736 = arith.constant 0 : i32
      %add3A_737 = arith.addi %squeeze3A_724, %add3A_736 : i32
      %get3A_738 = arith.index_cast %add3A_737 : i32 to index
      %get3A_739 = tpu.vector_load %arg18[%get3A_738] {strides = array<i32>} : memref<36864xf32, #tpu.memory_space<vmem>>, vector<16xf32>,
      %add3A_740 = arith.addf %add3A_735, %get3A_739 : vector<16xf32>
      %add3A_741 = arith.constant 0 : i32
      %add3A_742 = arith.addi %squeeze3A_726, %add3A_741 : i32
      %get3A_743 = arith.index_cast %add3A_742 : i32 to index
      %get3A_744 = tpu.vector_load %arg18[%get3A_743] {strides = array<i32>} : memref<36864xf32, #tpu.memory_space<vmem>>, vector<16xf32>,
      %add3A_745 = arith.addf %add3A_740, %get3A_744 : vector<16xf32>
      %mul3A_746 = arith.constant 64 : i32
      %mul3A_747 = arith.muli %add3A_718, %mul3A_746 : i32
      %add3A_748 = arith.constant 0 : i32
      %add3A_749 = arith.addi %mul3A_747, %add3A_748 : i32
      %get3A_750 = arith.index_cast %add3A_749 : i32 to index
      %get3A_751 = tpu.vector_load %arg17[%get3A_750] {strides = array<i32>} : memref<32768xf32, #tpu.memory_space<vmem>>, vector<16xf32>,
      %mul3A_752 = arith.mulf %add3A_745, %get3A_751 : vector<16xf32>
      %mul3A_753 = arith.mulf %mul3A_752, %get3A_181 : vector<16xf32>
      %mul3A_754 = arith.mulf %mul3A_752, %get3A_197 : vector<16xf32>
      %add3A_755 = arith.constant 16 : i32
      %add3A_756 = arith.addi %squeeze3A_720, %add3A_755 : i32
      %get3A_757 = arith.index_cast %add3A_756 : i32 to index
      %get3A_758 = tpu.vector_load %arg18[%get3A_757] {strides = array<i32>} : memref<36864xf32, #tpu.memory_space<vmem>>, vector<16xf32>,
      %add3A_759 = arith.constant 16 : i32
      %add3A_760 = arith.addi %squeeze3A_722, %add3A_759 : i32
      %get3A_761 = arith.index_cast %add3A_760 : i32 to index
      %get3A_762 = tpu.vector_load %arg18[%get3A_761] {strides = array<i32>} : memref<36864xf32, #tpu.memory_space<vmem>>, vector<16xf32>,
      %add3A_763 = arith.addf %get3A_758, %get3A_762 : vector<16xf32>
      %add3A_764 = arith.constant 16 : i32
      %add3A_765 = arith.addi %squeeze3A_724, %add3A_764 : i32
      %get3A_766 = arith.index_cast %add3A_765 : i32 to index
      %get3A_767 = tpu.vector_load %arg18[%get3A_766] {strides = array<i32>} : memref<36864xf32, #tpu.memory_space<vmem>>, vector<16xf32>,
      %add3A_768 = arith.addf %add3A_763, %get3A_767 : vector<16xf32>
      %add3A_769 = arith.constant 16 : i32
      %add3A_770 = arith.addi %squeeze3A_726, %add3A_769 : i32
      %get3A_771 = arith.index_cast %add3A_770 : i32 to index
      %get3A_772 = tpu.vector_load %arg18[%get3A_771] {strides = array<i32>} : memref<36864xf32, #tpu.memory_space<vmem>>, vector<16xf32>,
      %add3A_773 = arith.addf %add3A_768, %get3A_772 : vector<16xf32>
      %mul3A_774 = arith.constant 64 : i32
      %mul3A_775 = arith.muli %add3A_718, %mul3A_774 : i32
      %add3A_776 = arith.constant 16 : i32
      %add3A_777 = arith.addi %mul3A_775, %add3A_776 : i32
      %get3A_778 = arith.index_cast %add3A_777 : i32 to index
      %get3A_779 = tpu.vector_load %arg17[%get3A_778] {strides = array<i32>} : memref<32768xf32, #tpu.memory_space<vmem>>, vector<16xf32>,
      %mul3A_780 = arith.mulf %add3A_773, %get3A_779 : vector<16xf32>
      %mul3A_781 = arith.mulf %mul3A_780, %get3A_185 : vector<16xf32>
      %mul3A_782 = arith.mulf %mul3A_780, %get3A_201 : vector<16xf32>
      %add3A_783 = arith.addf %mul3A_753, %mul3A_781 : vector<16xf32>
      %add3A_784 = arith.addf %mul3A_754, %mul3A_782 : vector<16xf32>
      %add3A_785 = arith.constant 32 : i32
      %add3A_786 = arith.addi %squeeze3A_720, %add3A_785 : i32
      %get3A_787 = arith.index_cast %add3A_786 : i32 to index
      %get3A_788 = tpu.vector_load %arg18[%get3A_787] {strides = array<i32>} : memref<36864xf32, #tpu.memory_space<vmem>>, vector<16xf32>,
      %add3A_789 = arith.constant 32 : i32
      %add3A_790 = arith.addi %squeeze3A_722, %add3A_789 : i32
      %get3A_791 = arith.index_cast %add3A_790 : i32 to index
      %get3A_792 = tpu.vector_load %arg18[%get3A_791] {strides = array<i32>} : memref<36864xf32, #tpu.memory_space<vmem>>, vector<16xf32>,
      %add3A_793 = arith.addf %get3A_788, %get3A_792 : vector<16xf32>
      %add3A_794 = arith.constant 32 : i32
      %add3A_795 = arith.addi %squeeze3A_724, %add3A_794 : i32
      %get3A_796 = arith.index_cast %add3A_795 : i32 to index
      %get3A_797 = tpu.vector_load %arg18[%get3A_796] {strides = array<i32>} : memref<36864xf32, #tpu.memory_space<vmem>>, vector<16xf32>,
      %add3A_798 = arith.addf %add3A_793, %get3A_797 : vector<16xf32>
      %add3A_799 = arith.constant 32 : i32
      %add3A_800 = arith.addi %squeeze3A_726, %add3A_799 : i32
      %get3A_801 = arith.index_cast %add3A_800 : i32 to index
      %get3A_802 = tpu.vector_load %arg18[%get3A_801] {strides = array<i32>} : memref<36864xf32, #tpu.memory_space<vmem>>, vector<16xf32>,
      %add3A_803 = arith.addf %add3A_798, %get3A_802 : vector<16xf32>
      %mul3A_804 = arith.constant 64 : i32
      %mul3A_805 = arith.muli %add3A_718, %mul3A_804 : i32
      %add3A_806 = arith.constant 32 : i32
      %add3A_807 = arith.addi %mul3A_805, %add3A_806 : i32
      %get3A_808 = arith.index_cast %add3A_807 : i32 to index
      %get3A_809 = tpu.vector_load %arg17[%get3A_808] {strides = array<i32>} : memref<32768xf32, #tpu.memory_space<vmem>>, vector<16xf32>,
      %mul3A_810 = arith.mulf %add3A_803, %get3A_809 : vector<16xf32>
      %mul3A_811 = arith.mulf %mul3A_810, %get3A_189 : vector<16xf32>
      %mul3A_812 = arith.mulf %mul3A_810, %get3A_205 : vector<16xf32>
      %add3A_813 = arith.addf %add3A_783, %mul3A_811 : vector<16xf32>
      %add3A_814 = arith.addf %add3A_784, %mul3A_812 : vector<16xf32>
      %add3A_815 = arith.constant 48 : i32
      %add3A_816 = arith.addi %squeeze3A_720, %add3A_815 : i32
      %get3A_817 = arith.index_cast %add3A_816 : i32 to index
      %get3A_818 = tpu.vector_load %arg18[%get3A_817] {strides = array<i32>} : memref<36864xf32, #tpu.memory_space<vmem>>, vector<16xf32>,
      %add3A_819 = arith.constant 48 : i32
      %add3A_820 = arith.addi %squeeze3A_722, %add3A_819 : i32
      %get3A_821 = arith.index_cast %add3A_820 : i32 to index
      %get3A_822 = tpu.vector_load %arg18[%get3A_821] {strides = array<i32>} : memref<36864xf32, #tpu.memory_space<vmem>>, vector<16xf32>,
      %add3A_823 = arith.addf %get3A_818, %get3A_822 : vector<16xf32>
      %add3A_824 = arith.constant 48 : i32
      %add3A_825 = arith.addi %squeeze3A_724, %add3A_824 : i32
      %get3A_826 = arith.index_cast %add3A_825 : i32 to index
      %get3A_827 = tpu.vector_load %arg18[%get3A_826] {strides = array<i32>} : memref<36864xf32, #tpu.memory_space<vmem>>, vector<16xf32>,
      %add3A_828 = arith.addf %add3A_823, %get3A_827 : vector<16xf32>
      %add3A_829 = arith.constant 48 : i32
      %add3A_830 = arith.addi %squeeze3A_726, %add3A_829 : i32
      %get3A_831 = arith.index_cast %add3A_830 : i32 to index
      %get3A_832 = tpu.vector_load %arg18[%get3A_831] {strides = array<i32>} : memref<36864xf32, #tpu.memory_space<vmem>>, vector<16xf32>,
      %add3A_833 = arith.addf %add3A_828, %get3A_832 : vector<16xf32>
      %mul3A_834 = arith.constant 64 : i32
      %mul3A_835 = arith.muli %add3A_718, %mul3A_834 : i32
      %add3A_836 = arith.constant 48 : i32
      %add3A_837 = arith.addi %mul3A_835, %add3A_836 : i32
      %get3A_838 = arith.index_cast %add3A_837 : i32 to index
      %get3A_839 = tpu.vector_load %arg17[%get3A_838] {strides = array<i32>} : memref<32768xf32, #tpu.memory_space<vmem>>, vector<16xf32>,
      %mul3A_840 = arith.mulf %add3A_833, %get3A_839 : vector<16xf32>
      %mul3A_841 = arith.mulf %mul3A_840, %get3A_193 : vector<16xf32>
      %mul3A_842 = arith.mulf %mul3A_840, %get3A_209 : vector<16xf32>
      %add3A_843 = arith.addf %add3A_813, %mul3A_841 : vector<16xf32>
      %add3A_844 = arith.addf %add3A_814, %mul3A_842 : vector<16xf32>
      %mul3A_845 = arith.constant 16 : i32
      %mul3A_846 = arith.muli %add3A_718, %mul3A_845 : i32
      %swap3A_847 = arith.index_cast %mul3A_846 : i32 to index
      %swap3A_848 = tpu.vector_load %arg22[%swap3A_847] {strides = array<i32>} : memref<8192xf32, #tpu.memory_space<vmem>>, vector<16xf32>,
      tpu.vector_store %arg22[%swap3A_847], %add3A_843 {strides = array<i32>} : memref<8192xf32, #tpu.memory_space<vmem>>, vector<16xf32>,
      %mul3A_849 = arith.constant 16 : i32
      %mul3A_850 = arith.muli %add3A_718, %mul3A_849 : i32
      %swap3A_851 = arith.index_cast %mul3A_850 : i32 to index
      %swap3A_852 = tpu.vector_load %arg23[%swap3A_851] {strides = array<i32>} : memref<8192xf32, #tpu.memory_space<vmem>>, vector<16xf32>,
      tpu.vector_store %arg23[%swap3A_851], %add3A_844 {strides = array<i32>} : memref<8192xf32, #tpu.memory_space<vmem>>, vector<16xf32>,
      %mul3A_853 = arith.constant 16 : i32
      %mul3A_854 = arith.muli %scan3A_215, %mul3A_853 : i32
      %add3A_855 = arith.constant 4 : i32
      %add3A_856 = arith.addi %mul3A_854, %add3A_855 : i32
      %slice3A_857 = vector.extract_strided_slice %mul3A_294 {offsets = [4], sizes = [1], strides = [1]} : vector<16xi32> to vector<1xi32>
      %squeeze3A_858 = vector.extract %slice3A_857[0] : i32 from vector<1xi32>
      %slice3A_859 = vector.extract_strided_slice %mul3A_297 {offsets = [4], sizes = [1], strides = [1]} : vector<16xi32> to vector<1xi32>
      %squeeze3A_860 = vector.extract %slice3A_859[0] : i32 from vector<1xi32>
      %slice3A_861 = vector.extract_strided_slice %mul3A_300 {offsets = [4], sizes = [1], strides = [1]} : vector<16xi32> to vector<1xi32>
      %squeeze3A_862 = vector.extract %slice3A_861[0] : i32 from vector<1xi32>
      %slice3A_863 = vector.extract_strided_slice %mul3A_303 {offsets = [4], sizes = [1], strides = [1]} : vector<16xi32> to vector<1xi32>
      %squeeze3A_864 = vector.extract %slice3A_863[0] : i32 from vector<1xi32>
      %add3A_865 = arith.constant 0 : i32
      %add3A_866 = arith.addi %squeeze3A_858, %add3A_865 : i32
      %get3A_867 = arith.index_cast %add3A_866 : i32 to index
      %get3A_868 = tpu.vector_load %arg18[%get3A_867] {strides = array<i32>} : memref<36864xf32, #tpu.memory_space<vmem>>, vector<16xf32>,
      %add3A_869 = arith.constant 0 : i32
      %add3A_870 = arith.addi %squeeze3A_860, %add3A_869 : i32
      %get3A_871 = arith.index_cast %add3A_870 : i32 to index
      %get3A_872 = tpu.vector_load %arg18[%get3A_871] {strides = array<i32>} : memref<36864xf32, #tpu.memory_space<vmem>>, vector<16xf32>,
      %add3A_873 = arith.addf %get3A_868, %get3A_872 : vector<16xf32>
      %add3A_874 = arith.constant 0 : i32
      %add3A_875 = arith.addi %squeeze3A_862, %add3A_874 : i32
      %get3A_876 = arith.index_cast %add3A_875 : i32 to index
      %get3A_877 = tpu.vector_load %arg18[%get3A_876] {strides = array<i32>} : memref<36864xf32, #tpu.memory_space<vmem>>, vector<16xf32>,
      %add3A_878 = arith.addf %add3A_873, %get3A_877 : vector<16xf32>
      %add3A_879 = arith.constant 0 : i32
      %add3A_880 = arith.addi %squeeze3A_864, %add3A_879 : i32
      %get3A_881 = arith.index_cast %add3A_880 : i32 to index
      %get3A_882 = tpu.vector_load %arg18[%get3A_881] {strides = array<i32>} : memref<36864xf32, #tpu.memory_space<vmem>>, vector<16xf32>,
      %add3A_883 = arith.addf %add3A_878, %get3A_882 : vector<16xf32>
      %mul3A_884 = arith.constant 64 : i32
      %mul3A_885 = arith.muli %add3A_856, %mul3A_884 : i32
      %add3A_886 = arith.constant 0 : i32
      %add3A_887 = arith.addi %mul3A_885, %add3A_886 : i32
      %get3A_888 = arith.index_cast %add3A_887 : i32 to index
      %get3A_889 = tpu.vector_load %arg17[%get3A_888] {strides = array<i32>} : memref<32768xf32, #tpu.memory_space<vmem>>, vector<16xf32>,
      %mul3A_890 = arith.mulf %add3A_883, %get3A_889 : vector<16xf32>
      %mul3A_891 = arith.mulf %mul3A_890, %get3A_181 : vector<16xf32>
      %mul3A_892 = arith.mulf %mul3A_890, %get3A_197 : vector<16xf32>
      %add3A_893 = arith.constant 16 : i32
      %add3A_894 = arith.addi %squeeze3A_858, %add3A_893 : i32
      %get3A_895 = arith.index_cast %add3A_894 : i32 to index
      %get3A_896 = tpu.vector_load %arg18[%get3A_895] {strides = array<i32>} : memref<36864xf32, #tpu.memory_space<vmem>>, vector<16xf32>,
      %add3A_897 = arith.constant 16 : i32
      %add3A_898 = arith.addi %squeeze3A_860, %add3A_897 : i32
      %get3A_899 = arith.index_cast %add3A_898 : i32 to index
      %get3A_900 = tpu.vector_load %arg18[%get3A_899] {strides = array<i32>} : memref<36864xf32, #tpu.memory_space<vmem>>, vector<16xf32>,
      %add3A_901 = arith.addf %get3A_896, %get3A_900 : vector<16xf32>
      %add3A_902 = arith.constant 16 : i32
      %add3A_903 = arith.addi %squeeze3A_862, %add3A_902 : i32
      %get3A_904 = arith.index_cast %add3A_903 : i32 to index
      %get3A_905 = tpu.vector_load %arg18[%get3A_904] {strides = array<i32>} : memref<36864xf32, #tpu.memory_space<vmem>>, vector<16xf32>,
      %add3A_906 = arith.addf %add3A_901, %get3A_905 : vector<16xf32>
      %add3A_907 = arith.constant 16 : i32
      %add3A_908 = arith.addi %squeeze3A_864, %add3A_907 : i32
      %get3A_909 = arith.index_cast %add3A_908 : i32 to index
      %get3A_910 = tpu.vector_load %arg18[%get3A_909] {strides = array<i32>} : memref<36864xf32, #tpu.memory_space<vmem>>, vector<16xf32>,
      %add3A_911 = arith.addf %add3A_906, %get3A_910 : vector<16xf32>
      %mul3A_912 = arith.constant 64 : i32
      %mul3A_913 = arith.muli %add3A_856, %mul3A_912 : i32
      %add3A_914 = arith.constant 16 : i32
      %add3A_915 = arith.addi %mul3A_913, %add3A_914 : i32
      %get3A_916 = arith.index_cast %add3A_915 : i32 to index
      %get3A_917 = tpu.vector_load %arg17[%get3A_916] {strides = array<i32>} : memref<32768xf32, #tpu.memory_space<vmem>>, vector<16xf32>,
      %mul3A_918 = arith.mulf %add3A_911, %get3A_917 : vector<16xf32>
      %mul3A_919 = arith.mulf %mul3A_918, %get3A_185 : vector<16xf32>
      %mul3A_920 = arith.mulf %mul3A_918, %get3A_201 : vector<16xf32>
      %add3A_921 = arith.addf %mul3A_891, %mul3A_919 : vector<16xf32>
      %add3A_922 = arith.addf %mul3A_892, %mul3A_920 : vector<16xf32>
      %add3A_923 = arith.constant 32 : i32
      %add3A_924 = arith.addi %squeeze3A_858, %add3A_923 : i32
      %get3A_925 = arith.index_cast %add3A_924 : i32 to index
      %get3A_926 = tpu.vector_load %arg18[%get3A_925] {strides = array<i32>} : memref<36864xf32, #tpu.memory_space<vmem>>, vector<16xf32>,
      %add3A_927 = arith.constant 32 : i32
      %add3A_928 = arith.addi %squeeze3A_860, %add3A_927 : i32
      %get3A_929 = arith.index_cast %add3A_928 : i32 to index
      %get3A_930 = tpu.vector_load %arg18[%get3A_929] {strides = array<i32>} : memref<36864xf32, #tpu.memory_space<vmem>>, vector<16xf32>,
      %add3A_931 = arith.addf %get3A_926, %get3A_930 : vector<16xf32>
      %add3A_932 = arith.constant 32 : i32
      %add3A_933 = arith.addi %squeeze3A_862, %add3A_932 : i32
      %get3A_934 = arith.index_cast %add3A_933 : i32 to index
      %get3A_935 = tpu.vector_load %arg18[%get3A_934] {strides = array<i32>} : memref<36864xf32, #tpu.memory_space<vmem>>, vector<16xf32>,
      %add3A_936 = arith.addf %add3A_931, %get3A_935 : vector<16xf32>
      %add3A_937 = arith.constant 32 : i32
      %add3A_938 = arith.addi %squeeze3A_864, %add3A_937 : i32
      %get3A_939 = arith.index_cast %add3A_938 : i32 to index
      %get3A_940 = tpu.vector_load %arg18[%get3A_939] {strides = array<i32>} : memref<36864xf32, #tpu.memory_space<vmem>>, vector<16xf32>,
      %add3A_941 = arith.addf %add3A_936, %get3A_940 : vector<16xf32>
      %mul3A_942 = arith.constant 64 : i32
      %mul3A_943 = arith.muli %add3A_856, %mul3A_942 : i32
      %add3A_944 = arith.constant 32 : i32
      %add3A_945 = arith.addi %mul3A_943, %add3A_944 : i32
      %get3A_946 = arith.index_cast %add3A_945 : i32 to index
      %get3A_947 = tpu.vector_load %arg17[%get3A_946] {strides = array<i32>} : memref<32768xf32, #tpu.memory_space<vmem>>, vector<16xf32>,
      %mul3A_948 = arith.mulf %add3A_941, %get3A_947 : vector<16xf32>
      %mul3A_949 = arith.mulf %mul3A_948, %get3A_189 : vector<16xf32>
      %mul3A_950 = arith.mulf %mul3A_948, %get3A_205 : vector<16xf32>
      %add3A_951 = arith.addf %add3A_921, %mul3A_949 : vector<16xf32>
      %add3A_952 = arith.addf %add3A_922, %mul3A_950 : vector<16xf32>
      %add3A_953 = arith.constant 48 : i32
      %add3A_954 = arith.addi %squeeze3A_858, %add3A_953 : i32
      %get3A_955 = arith.index_cast %add3A_954 : i32 to index
      %get3A_956 = tpu.vector_load %arg18[%get3A_955] {strides = array<i32>} : memref<36864xf32, #tpu.memory_space<vmem>>, vector<16xf32>,
      %add3A_957 = arith.constant 48 : i32
      %add3A_958 = arith.addi %squeeze3A_860, %add3A_957 : i32
      %get3A_959 = arith.index_cast %add3A_958 : i32 to index
      %get3A_960 = tpu.vector_load %arg18[%get3A_959] {strides = array<i32>} : memref<36864xf32, #tpu.memory_space<vmem>>, vector<16xf32>,
      %add3A_961 = arith.addf %get3A_956, %get3A_960 : vector<16xf32>
      %add3A_962 = arith.constant 48 : i32
      %add3A_963 = arith.addi %squeeze3A_862, %add3A_962 : i32
      %get3A_964 = arith.index_cast %add3A_963 : i32 to index
      %get3A_965 = tpu.vector_load %arg18[%get3A_964] {strides = array<i32>} : memref<36864xf32, #tpu.memory_space<vmem>>, vector<16xf32>,
      %add3A_966 = arith.addf %add3A_961, %get3A_965 : vector<16xf32>
      %add3A_967 = arith.constant 48 : i32
      %add3A_968 = arith.addi %squeeze3A_864, %add3A_967 : i32
      %get3A_969 = arith.index_cast %add3A_968 : i32 to index
      %get3A_970 = tpu.vector_load %arg18[%get3A_969] {strides = array<i32>} : memref<36864xf32, #tpu.memory_space<vmem>>, vector<16xf32>,
      %add3A_971 = arith.addf %add3A_966, %get3A_970 : vector<16xf32>
      %mul3A_972 = arith.constant 64 : i32
      %mul3A_973 = arith.muli %add3A_856, %mul3A_972 : i32
      %add3A_974 = arith.constant 48 : i32
      %add3A_975 = arith.addi %mul3A_973, %add3A_974 : i32
      %get3A_976 = arith.index_cast %add3A_975 : i32 to index
      %get3A_977 = tpu.vector_load %arg17[%get3A_976] {strides = array<i32>} : memref<32768xf32, #tpu.memory_space<vmem>>, vector<16xf32>,
      %mul3A_978 = arith.mulf %add3A_971, %get3A_977 : vector<16xf32>
      %mul3A_979 = arith.mulf %mul3A_978, %get3A_193 : vector<16xf32>
      %mul3A_980 = arith.mulf %mul3A_978, %get3A_209 : vector<16xf32>
      %add3A_981 = arith.addf %add3A_951, %mul3A_979 : vector<16xf32>
      %add3A_982 = arith.addf %add3A_952, %mul3A_980 : vector<16xf32>
      %mul3A_983 = arith.constant 16 : i32
      %mul3A_984 = arith.muli %add3A_856, %mul3A_983 : i32
      %swap3A_985 = arith.index_cast %mul3A_984 : i32 to index
      %swap3A_986 = tpu.vector_load %arg22[%swap3A_985] {strides = array<i32>} : memref<8192xf32, #tpu.memory_space<vmem>>, vector<16xf32>,
      tpu.vector_store %arg22[%swap3A_985], %add3A_981 {strides = array<i32>} : memref<8192xf32, #tpu.memory_space<vmem>>, vector<16xf32>,
      %mul3A_987 = arith.constant 16 : i32
      %mul3A_988 = arith.muli %add3A_856, %mul3A_987 : i32
      %swap3A_989 = arith.index_cast %mul3A_988 : i32 to index
      %swap3A_990 = tpu.vector_load %arg23[%swap3A_989] {strides = array<i32>} : memref<8192xf32, #tpu.memory_space<vmem>>, vector<16xf32>,
      tpu.vector_store %arg23[%swap3A_989], %add3A_982 {strides = array<i32>} : memref<8192xf32, #tpu.memory_space<vmem>>, vector<16xf32>,
      %mul3A_991 = arith.constant 16 : i32
      %mul3A_992 = arith.muli %scan3A_215, %mul3A_991 : i32
      %add3A_993 = arith.constant 5 : i32
      %add3A_994 = arith.addi %mul3A_992, %add3A_993 : i32
      %slice3A_995 = vector.extract_strided_slice %mul3A_294 {offsets = [5], sizes = [1], strides = [1]} : vector<16xi32> to vector<1xi32>
      %squeeze3A_996 = vector.extract %slice3A_995[0] : i32 from vector<1xi32>
      %slice3A_997 = vector.extract_strided_slice %mul3A_297 {offsets = [5], sizes = [1], strides = [1]} : vector<16xi32> to vector<1xi32>
      %squeeze3A_998 = vector.extract %slice3A_997[0] : i32 from vector<1xi32>
      %slice3A_999 = vector.extract_strided_slice %mul3A_300 {offsets = [5], sizes = [1], strides = [1]} : vector<16xi32> to vector<1xi32>
      %squeeze3A_1000 = vector.extract %slice3A_999[0] : i32 from vector<1xi32>
      %slice3A_1001 = vector.extract_strided_slice %mul3A_303 {offsets = [5], sizes = [1], strides = [1]} : vector<16xi32> to vector<1xi32>
      %squeeze3A_1002 = vector.extract %slice3A_1001[0] : i32 from vector<1xi32>
      %add3A_1003 = arith.constant 0 : i32
      %add3A_1004 = arith.addi %squeeze3A_996, %add3A_1003 : i32
      %get3A_1005 = arith.index_cast %add3A_1004 : i32 to index
      %get3A_1006 = tpu.vector_load %arg18[%get3A_1005] {strides = array<i32>} : memref<36864xf32, #tpu.memory_space<vmem>>, vector<16xf32>,
      %add3A_1007 = arith.constant 0 : i32
      %add3A_1008 = arith.addi %squeeze3A_998, %add3A_1007 : i32
      %get3A_1009 = arith.index_cast %add3A_1008 : i32 to index
      %get3A_1010 = tpu.vector_load %arg18[%get3A_1009] {strides = array<i32>} : memref<36864xf32, #tpu.memory_space<vmem>>, vector<16xf32>,
      %add3A_1011 = arith.addf %get3A_1006, %get3A_1010 : vector<16xf32>
      %add3A_1012 = arith.constant 0 : i32
      %add3A_1013 = arith.addi %squeeze3A_1000, %add3A_1012 : i32
      %get3A_1014 = arith.index_cast %add3A_1013 : i32 to index
      %get3A_1015 = tpu.vector_load %arg18[%get3A_1014] {strides = array<i32>} : memref<36864xf32, #tpu.memory_space<vmem>>, vector<16xf32>,
      %add3A_1016 = arith.addf %add3A_1011, %get3A_1015 : vector<16xf32>
      %add3A_1017 = arith.constant 0 : i32
      %add3A_1018 = arith.addi %squeeze3A_1002, %add3A_1017 : i32
      %get3A_1019 = arith.index_cast %add3A_1018 : i32 to index
      %get3A_1020 = tpu.vector_load %arg18[%get3A_1019] {strides = array<i32>} : memref<36864xf32, #tpu.memory_space<vmem>>, vector<16xf32>,
      %add3A_1021 = arith.addf %add3A_1016, %get3A_1020 : vector<16xf32>
      %mul3A_1022 = arith.constant 64 : i32
      %mul3A_1023 = arith.muli %add3A_994, %mul3A_1022 : i32
      %add3A_1024 = arith.constant 0 : i32
      %add3A_1025 = arith.addi %mul3A_1023, %add3A_1024 : i32
      %get3A_1026 = arith.index_cast %add3A_1025 : i32 to index
      %get3A_1027 = tpu.vector_load %arg17[%get3A_1026] {strides = array<i32>} : memref<32768xf32, #tpu.memory_space<vmem>>, vector<16xf32>,
      %mul3A_1028 = arith.mulf %add3A_1021, %get3A_1027 : vector<16xf32>
      %mul3A_1029 = arith.mulf %mul3A_1028, %get3A_181 : vector<16xf32>
      %mul3A_1030 = arith.mulf %mul3A_1028, %get3A_197 : vector<16xf32>
      %add3A_1031 = arith.constant 16 : i32
      %add3A_1032 = arith.addi %squeeze3A_996, %add3A_1031 : i32
      %get3A_1033 = arith.index_cast %add3A_1032 : i32 to index
      %get3A_1034 = tpu.vector_load %arg18[%get3A_1033] {strides = array<i32>} : memref<36864xf32, #tpu.memory_space<vmem>>, vector<16xf32>,
      %add3A_1035 = arith.constant 16 : i32
      %add3A_1036 = arith.addi %squeeze3A_998, %add3A_1035 : i32
      %get3A_1037 = arith.index_cast %add3A_1036 : i32 to index
      %get3A_1038 = tpu.vector_load %arg18[%get3A_1037] {strides = array<i32>} : memref<36864xf32, #tpu.memory_space<vmem>>, vector<16xf32>,
      %add3A_1039 = arith.addf %get3A_1034, %get3A_1038 : vector<16xf32>
      %add3A_1040 = arith.constant 16 : i32
      %add3A_1041 = arith.addi %squeeze3A_1000, %add3A_1040 : i32
      %get3A_1042 = arith.index_cast %add3A_1041 : i32 to index
      %get3A_1043 = tpu.vector_load %arg18[%get3A_1042] {strides = array<i32>} : memref<36864xf32, #tpu.memory_space<vmem>>, vector<16xf32>,
      %add3A_1044 = arith.addf %add3A_1039, %get3A_1043 : vector<16xf32>
      %add3A_1045 = arith.constant 16 : i32
      %add3A_1046 = arith.addi %squeeze3A_1002, %add3A_1045 : i32
      %get3A_1047 = arith.index_cast %add3A_1046 : i32 to index
      %get3A_1048 = tpu.vector_load %arg18[%get3A_1047] {strides = array<i32>} : memref<36864xf32, #tpu.memory_space<vmem>>, vector<16xf32>,
      %add3A_1049 = arith.addf %add3A_1044, %get3A_1048 : vector<16xf32>
      %mul3A_1050 = arith.constant 64 : i32
      %mul3A_1051 = arith.muli %add3A_994, %mul3A_1050 : i32
      %add3A_1052 = arith.constant 16 : i32
      %add3A_1053 = arith.addi %mul3A_1051, %add3A_1052 : i32
      %get3A_1054 = arith.index_cast %add3A_1053 : i32 to index
      %get3A_1055 = tpu.vector_load %arg17[%get3A_1054] {strides = array<i32>} : memref<32768xf32, #tpu.memory_space<vmem>>, vector<16xf32>,
      %mul3A_1056 = arith.mulf %add3A_1049, %get3A_1055 : vector<16xf32>
      %mul3A_1057 = arith.mulf %mul3A_1056, %get3A_185 : vector<16xf32>
      %mul3A_1058 = arith.mulf %mul3A_1056, %get3A_201 : vector<16xf32>
      %add3A_1059 = arith.addf %mul3A_1029, %mul3A_1057 : vector<16xf32>
      %add3A_1060 = arith.addf %mul3A_1030, %mul3A_1058 : vector<16xf32>
      %add3A_1061 = arith.constant 32 : i32
      %add3A_1062 = arith.addi %squeeze3A_996, %add3A_1061 : i32
      %get3A_1063 = arith.index_cast %add3A_1062 : i32 to index
      %get3A_1064 = tpu.vector_load %arg18[%get3A_1063] {strides = array<i32>} : memref<36864xf32, #tpu.memory_space<vmem>>, vector<16xf32>,
      %add3A_1065 = arith.constant 32 : i32
      %add3A_1066 = arith.addi %squeeze3A_998, %add3A_1065 : i32
      %get3A_1067 = arith.index_cast %add3A_1066 : i32 to index
      %get3A_1068 = tpu.vector_load %arg18[%get3A_1067] {strides = array<i32>} : memref<36864xf32, #tpu.memory_space<vmem>>, vector<16xf32>,
      %add3A_1069 = arith.addf %get3A_1064, %get3A_1068 : vector<16xf32>
      %add3A_1070 = arith.constant 32 : i32
      %add3A_1071 = arith.addi %squeeze3A_1000, %add3A_1070 : i32
      %get3A_1072 = arith.index_cast %add3A_1071 : i32 to index
      %get3A_1073 = tpu.vector_load %arg18[%get3A_1072] {strides = array<i32>} : memref<36864xf32, #tpu.memory_space<vmem>>, vector<16xf32>,
      %add3A_1074 = arith.addf %add3A_1069, %get3A_1073 : vector<16xf32>
      %add3A_1075 = arith.constant 32 : i32
      %add3A_1076 = arith.addi %squeeze3A_1002, %add3A_1075 : i32
      %get3A_1077 = arith.index_cast %add3A_1076 : i32 to index
      %get3A_1078 = tpu.vector_load %arg18[%get3A_1077] {strides = array<i32>} : memref<36864xf32, #tpu.memory_space<vmem>>, vector<16xf32>,
      %add3A_1079 = arith.addf %add3A_1074, %get3A_1078 : vector<16xf32>
      %mul3A_1080 = arith.constant 64 : i32
      %mul3A_1081 = arith.muli %add3A_994, %mul3A_1080 : i32
      %add3A_1082 = arith.constant 32 : i32
      %add3A_1083 = arith.addi %mul3A_1081, %add3A_1082 : i32
      %get3A_1084 = arith.index_cast %add3A_1083 : i32 to index
      %get3A_1085 = tpu.vector_load %arg17[%get3A_1084] {strides = array<i32>} : memref<32768xf32, #tpu.memory_space<vmem>>, vector<16xf32>,
      %mul3A_1086 = arith.mulf %add3A_1079, %get3A_1085 : vector<16xf32>
      %mul3A_1087 = arith.mulf %mul3A_1086, %get3A_189 : vector<16xf32>
      %mul3A_1088 = arith.mulf %mul3A_1086, %get3A_205 : vector<16xf32>
      %add3A_1089 = arith.addf %add3A_1059, %mul3A_1087 : vector<16xf32>
      %add3A_1090 = arith.addf %add3A_1060, %mul3A_1088 : vector<16xf32>
      %add3A_1091 = arith.constant 48 : i32
      %add3A_1092 = arith.addi %squeeze3A_996, %add3A_1091 : i32
      %get3A_1093 = arith.index_cast %add3A_1092 : i32 to index
      %get3A_1094 = tpu.vector_load %arg18[%get3A_1093] {strides = array<i32>} : memref<36864xf32, #tpu.memory_space<vmem>>, vector<16xf32>,
      %add3A_1095 = arith.constant 48 : i32
      %add3A_1096 = arith.addi %squeeze3A_998, %add3A_1095 : i32
      %get3A_1097 = arith.index_cast %add3A_1096 : i32 to index
      %get3A_1098 = tpu.vector_load %arg18[%get3A_1097] {strides = array<i32>} : memref<36864xf32, #tpu.memory_space<vmem>>, vector<16xf32>,
      %add3A_1099 = arith.addf %get3A_1094, %get3A_1098 : vector<16xf32>
      %add3A_1100 = arith.constant 48 : i32
      %add3A_1101 = arith.addi %squeeze3A_1000, %add3A_1100 : i32
      %get3A_1102 = arith.index_cast %add3A_1101 : i32 to index
      %get3A_1103 = tpu.vector_load %arg18[%get3A_1102] {strides = array<i32>} : memref<36864xf32, #tpu.memory_space<vmem>>, vector<16xf32>,
      %add3A_1104 = arith.addf %add3A_1099, %get3A_1103 : vector<16xf32>
      %add3A_1105 = arith.constant 48 : i32
      %add3A_1106 = arith.addi %squeeze3A_1002, %add3A_1105 : i32
      %get3A_1107 = arith.index_cast %add3A_1106 : i32 to index
      %get3A_1108 = tpu.vector_load %arg18[%get3A_1107] {strides = array<i32>} : memref<36864xf32, #tpu.memory_space<vmem>>, vector<16xf32>,
      %add3A_1109 = arith.addf %add3A_1104, %get3A_1108 : vector<16xf32>
      %mul3A_1110 = arith.constant 64 : i32
      %mul3A_1111 = arith.muli %add3A_994, %mul3A_1110 : i32
      %add3A_1112 = arith.constant 48 : i32
      %add3A_1113 = arith.addi %mul3A_1111, %add3A_1112 : i32
      %get3A_1114 = arith.index_cast %add3A_1113 : i32 to index
      %get3A_1115 = tpu.vector_load %arg17[%get3A_1114] {strides = array<i32>} : memref<32768xf32, #tpu.memory_space<vmem>>, vector<16xf32>,
      %mul3A_1116 = arith.mulf %add3A_1109, %get3A_1115 : vector<16xf32>
      %mul3A_1117 = arith.mulf %mul3A_1116, %get3A_193 : vector<16xf32>
      %mul3A_1118 = arith.mulf %mul3A_1116, %get3A_209 : vector<16xf32>
      %add3A_1119 = arith.addf %add3A_1089, %mul3A_1117 : vector<16xf32>
      %add3A_1120 = arith.addf %add3A_1090, %mul3A_1118 : vector<16xf32>
      %mul3A_1121 = arith.constant 16 : i32
      %mul3A_1122 = arith.muli %add3A_994, %mul3A_1121 : i32
      %swap3A_1123 = arith.index_cast %mul3A_1122 : i32 to index
      %swap3A_1124 = tpu.vector_load %arg22[%swap3A_1123] {strides = array<i32>} : memref<8192xf32, #tpu.memory_space<vmem>>, vector<16xf32>,
      tpu.vector_store %arg22[%swap3A_1123], %add3A_1119 {strides = array<i32>} : memref<8192xf32, #tpu.memory_space<vmem>>, vector<16xf32>,
      %mul3A_1125 = arith.constant 16 : i32
      %mul3A_1126 = arith.muli %add3A_994, %mul3A_1125 : i32
      %swap3A_1127 = arith.index_cast %mul3A_1126 : i32 to index
      %swap3A_1128 = tpu.vector_load %arg23[%swap3A_1127] {strides = array<i32>} : memref<8192xf32, #tpu.memory_space<vmem>>, vector<16xf32>,
      tpu.vector_store %arg23[%swap3A_1127], %add3A_1120 {strides = array<i32>} : memref<8192xf32, #tpu.memory_space<vmem>>, vector<16xf32>,
      %mul3A_1129 = arith.constant 16 : i32
      %mul3A_1130 = arith.muli %scan3A_215, %mul3A_1129 : i32
      %add3A_1131 = arith.constant 6 : i32
      %add3A_1132 = arith.addi %mul3A_1130, %add3A_1131 : i32
      %slice3A_1133 = vector.extract_strided_slice %mul3A_294 {offsets = [6], sizes = [1], strides = [1]} : vector<16xi32> to vector<1xi32>
      %squeeze3A_1134 = vector.extract %slice3A_1133[0] : i32 from vector<1xi32>
      %slice3A_1135 = vector.extract_strided_slice %mul3A_297 {offsets = [6], sizes = [1], strides = [1]} : vector<16xi32> to vector<1xi32>
      %squeeze3A_1136 = vector.extract %slice3A_1135[0] : i32 from vector<1xi32>
      %slice3A_1137 = vector.extract_strided_slice %mul3A_300 {offsets = [6], sizes = [1], strides = [1]} : vector<16xi32> to vector<1xi32>
      %squeeze3A_1138 = vector.extract %slice3A_1137[0] : i32 from vector<1xi32>
      %slice3A_1139 = vector.extract_strided_slice %mul3A_303 {offsets = [6], sizes = [1], strides = [1]} : vector<16xi32> to vector<1xi32>
      %squeeze3A_1140 = vector.extract %slice3A_1139[0] : i32 from vector<1xi32>
      %add3A_1141 = arith.constant 0 : i32
      %add3A_1142 = arith.addi %squeeze3A_1134, %add3A_1141 : i32
      %get3A_1143 = arith.index_cast %add3A_1142 : i32 to index
      %get3A_1144 = tpu.vector_load %arg18[%get3A_1143] {strides = array<i32>} : memref<36864xf32, #tpu.memory_space<vmem>>, vector<16xf32>,
      %add3A_1145 = arith.constant 0 : i32
      %add3A_1146 = arith.addi %squeeze3A_1136, %add3A_1145 : i32
      %get3A_1147 = arith.index_cast %add3A_1146 : i32 to index
      %get3A_1148 = tpu.vector_load %arg18[%get3A_1147] {strides = array<i32>} : memref<36864xf32, #tpu.memory_space<vmem>>, vector<16xf32>,
      %add3A_1149 = arith.addf %get3A_1144, %get3A_1148 : vector<16xf32>
      %add3A_1150 = arith.constant 0 : i32
      %add3A_1151 = arith.addi %squeeze3A_1138, %add3A_1150 : i32
      %get3A_1152 = arith.index_cast %add3A_1151 : i32 to index
      %get3A_1153 = tpu.vector_load %arg18[%get3A_1152] {strides = array<i32>} : memref<36864xf32, #tpu.memory_space<vmem>>, vector<16xf32>,
      %add3A_1154 = arith.addf %add3A_1149, %get3A_1153 : vector<16xf32>
      %add3A_1155 = arith.constant 0 : i32
      %add3A_1156 = arith.addi %squeeze3A_1140, %add3A_1155 : i32
      %get3A_1157 = arith.index_cast %add3A_1156 : i32 to index
      %get3A_1158 = tpu.vector_load %arg18[%get3A_1157] {strides = array<i32>} : memref<36864xf32, #tpu.memory_space<vmem>>, vector<16xf32>,
      %add3A_1159 = arith.addf %add3A_1154, %get3A_1158 : vector<16xf32>
      %mul3A_1160 = arith.constant 64 : i32
      %mul3A_1161 = arith.muli %add3A_1132, %mul3A_1160 : i32
      %add3A_1162 = arith.constant 0 : i32
      %add3A_1163 = arith.addi %mul3A_1161, %add3A_1162 : i32
      %get3A_1164 = arith.index_cast %add3A_1163 : i32 to index
      %get3A_1165 = tpu.vector_load %arg17[%get3A_1164] {strides = array<i32>} : memref<32768xf32, #tpu.memory_space<vmem>>, vector<16xf32>,
      %mul3A_1166 = arith.mulf %add3A_1159, %get3A_1165 : vector<16xf32>
      %mul3A_1167 = arith.mulf %mul3A_1166, %get3A_181 : vector<16xf32>
      %mul3A_1168 = arith.mulf %mul3A_1166, %get3A_197 : vector<16xf32>
      %add3A_1169 = arith.constant 16 : i32
      %add3A_1170 = arith.addi %squeeze3A_1134, %add3A_1169 : i32
      %get3A_1171 = arith.index_cast %add3A_1170 : i32 to index
      %get3A_1172 = tpu.vector_load %arg18[%get3A_1171] {strides = array<i32>} : memref<36864xf32, #tpu.memory_space<vmem>>, vector<16xf32>,
      %add3A_1173 = arith.constant 16 : i32
      %add3A_1174 = arith.addi %squeeze3A_1136, %add3A_1173 : i32
      %get3A_1175 = arith.index_cast %add3A_1174 : i32 to index
      %get3A_1176 = tpu.vector_load %arg18[%get3A_1175] {strides = array<i32>} : memref<36864xf32, #tpu.memory_space<vmem>>, vector<16xf32>,
      %add3A_1177 = arith.addf %get3A_1172, %get3A_1176 : vector<16xf32>
      %add3A_1178 = arith.constant 16 : i32
      %add3A_1179 = arith.addi %squeeze3A_1138, %add3A_1178 : i32
      %get3A_1180 = arith.index_cast %add3A_1179 : i32 to index
      %get3A_1181 = tpu.vector_load %arg18[%get3A_1180] {strides = array<i32>} : memref<36864xf32, #tpu.memory_space<vmem>>, vector<16xf32>,
      %add3A_1182 = arith.addf %add3A_1177, %get3A_1181 : vector<16xf32>
      %add3A_1183 = arith.constant 16 : i32
      %add3A_1184 = arith.addi %squeeze3A_1140, %add3A_1183 : i32
      %get3A_1185 = arith.index_cast %add3A_1184 : i32 to index
      %get3A_1186 = tpu.vector_load %arg18[%get3A_1185] {strides = array<i32>} : memref<36864xf32, #tpu.memory_space<vmem>>, vector<16xf32>,
      %add3A_1187 = arith.addf %add3A_1182, %get3A_1186 : vector<16xf32>
      %mul3A_1188 = arith.constant 64 : i32
      %mul3A_1189 = arith.muli %add3A_1132, %mul3A_1188 : i32
      %add3A_1190 = arith.constant 16 : i32
      %add3A_1191 = arith.addi %mul3A_1189, %add3A_1190 : i32
      %get3A_1192 = arith.index_cast %add3A_1191 : i32 to index
      %get3A_1193 = tpu.vector_load %arg17[%get3A_1192] {strides = array<i32>} : memref<32768xf32, #tpu.memory_space<vmem>>, vector<16xf32>,
      %mul3A_1194 = arith.mulf %add3A_1187, %get3A_1193 : vector<16xf32>
      %mul3A_1195 = arith.mulf %mul3A_1194, %get3A_185 : vector<16xf32>
      %mul3A_1196 = arith.mulf %mul3A_1194, %get3A_201 : vector<16xf32>
      %add3A_1197 = arith.addf %mul3A_1167, %mul3A_1195 : vector<16xf32>
      %add3A_1198 = arith.addf %mul3A_1168, %mul3A_1196 : vector<16xf32>
      %add3A_1199 = arith.constant 32 : i32
      %add3A_1200 = arith.addi %squeeze3A_1134, %add3A_1199 : i32
      %get3A_1201 = arith.index_cast %add3A_1200 : i32 to index
      %get3A_1202 = tpu.vector_load %arg18[%get3A_1201] {strides = array<i32>} : memref<36864xf32, #tpu.memory_space<vmem>>, vector<16xf32>,
      %add3A_1203 = arith.constant 32 : i32
      %add3A_1204 = arith.addi %squeeze3A_1136, %add3A_1203 : i32
      %get3A_1205 = arith.index_cast %add3A_1204 : i32 to index
      %get3A_1206 = tpu.vector_load %arg18[%get3A_1205] {strides = array<i32>} : memref<36864xf32, #tpu.memory_space<vmem>>, vector<16xf32>,
      %add3A_1207 = arith.addf %get3A_1202, %get3A_1206 : vector<16xf32>
      %add3A_1208 = arith.constant 32 : i32
      %add3A_1209 = arith.addi %squeeze3A_1138, %add3A_1208 : i32
      %get3A_1210 = arith.index_cast %add3A_1209 : i32 to index
      %get3A_1211 = tpu.vector_load %arg18[%get3A_1210] {strides = array<i32>} : memref<36864xf32, #tpu.memory_space<vmem>>, vector<16xf32>,
      %add3A_1212 = arith.addf %add3A_1207, %get3A_1211 : vector<16xf32>
      %add3A_1213 = arith.constant 32 : i32
      %add3A_1214 = arith.addi %squeeze3A_1140, %add3A_1213 : i32
      %get3A_1215 = arith.index_cast %add3A_1214 : i32 to index
      %get3A_1216 = tpu.vector_load %arg18[%get3A_1215] {strides = array<i32>} : memref<36864xf32, #tpu.memory_space<vmem>>, vector<16xf32>,
      %add3A_1217 = arith.addf %add3A_1212, %get3A_1216 : vector<16xf32>
      %mul3A_1218 = arith.constant 64 : i32
      %mul3A_1219 = arith.muli %add3A_1132, %mul3A_1218 : i32
      %add3A_1220 = arith.constant 32 : i32
      %add3A_1221 = arith.addi %mul3A_1219, %add3A_1220 : i32
      %get3A_1222 = arith.index_cast %add3A_1221 : i32 to index
      %get3A_1223 = tpu.vector_load %arg17[%get3A_1222] {strides = array<i32>} : memref<32768xf32, #tpu.memory_space<vmem>>, vector<16xf32>,
      %mul3A_1224 = arith.mulf %add3A_1217, %get3A_1223 : vector<16xf32>
      %mul3A_1225 = arith.mulf %mul3A_1224, %get3A_189 : vector<16xf32>
      %mul3A_1226 = arith.mulf %mul3A_1224, %get3A_205 : vector<16xf32>
      %add3A_1227 = arith.addf %add3A_1197, %mul3A_1225 : vector<16xf32>
      %add3A_1228 = arith.addf %add3A_1198, %mul3A_1226 : vector<16xf32>
      %add3A_1229 = arith.constant 48 : i32
      %add3A_1230 = arith.addi %squeeze3A_1134, %add3A_1229 : i32
      %get3A_1231 = arith.index_cast %add3A_1230 : i32 to index
      %get3A_1232 = tpu.vector_load %arg18[%get3A_1231] {strides = array<i32>} : memref<36864xf32, #tpu.memory_space<vmem>>, vector<16xf32>,
      %add3A_1233 = arith.constant 48 : i32
      %add3A_1234 = arith.addi %squeeze3A_1136, %add3A_1233 : i32
      %get3A_1235 = arith.index_cast %add3A_1234 : i32 to index
      %get3A_1236 = tpu.vector_load %arg18[%get3A_1235] {strides = array<i32>} : memref<36864xf32, #tpu.memory_space<vmem>>, vector<16xf32>,
      %add3A_1237 = arith.addf %get3A_1232, %get3A_1236 : vector<16xf32>
      %add3A_1238 = arith.constant 48 : i32
      %add3A_1239 = arith.addi %squeeze3A_1138, %add3A_1238 : i32
      %get3A_1240 = arith.index_cast %add3A_1239 : i32 to index
      %get3A_1241 = tpu.vector_load %arg18[%get3A_1240] {strides = array<i32>} : memref<36864xf32, #tpu.memory_space<vmem>>, vector<16xf32>,
      %add3A_1242 = arith.addf %add3A_1237, %get3A_1241 : vector<16xf32>
      %add3A_1243 = arith.constant 48 : i32
      %add3A_1244 = arith.addi %squeeze3A_1140, %add3A_1243 : i32
      %get3A_1245 = arith.index_cast %add3A_1244 : i32 to index
      %get3A_1246 = tpu.vector_load %arg18[%get3A_1245] {strides = array<i32>} : memref<36864xf32, #tpu.memory_space<vmem>>, vector<16xf32>,
      %add3A_1247 = arith.addf %add3A_1242, %get3A_1246 : vector<16xf32>
      %mul3A_1248 = arith.constant 64 : i32
      %mul3A_1249 = arith.muli %add3A_1132, %mul3A_1248 : i32
      %add3A_1250 = arith.constant 48 : i32
      %add3A_1251 = arith.addi %mul3A_1249, %add3A_1250 : i32
      %get3A_1252 = arith.index_cast %add3A_1251 : i32 to index
      %get3A_1253 = tpu.vector_load %arg17[%get3A_1252] {strides = array<i32>} : memref<32768xf32, #tpu.memory_space<vmem>>, vector<16xf32>,
      %mul3A_1254 = arith.mulf %add3A_1247, %get3A_1253 : vector<16xf32>
      %mul3A_1255 = arith.mulf %mul3A_1254, %get3A_193 : vector<16xf32>
      %mul3A_1256 = arith.mulf %mul3A_1254, %get3A_209 : vector<16xf32>
      %add3A_1257 = arith.addf %add3A_1227, %mul3A_1255 : vector<16xf32>
      %add3A_1258 = arith.addf %add3A_1228, %mul3A_1256 : vector<16xf32>
      %mul3A_1259 = arith.constant 16 : i32
      %mul3A_1260 = arith.muli %add3A_1132, %mul3A_1259 : i32
      %swap3A_1261 = arith.index_cast %mul3A_1260 : i32 to index
      %swap3A_1262 = tpu.vector_load %arg22[%swap3A_1261] {strides = array<i32>} : memref<8192xf32, #tpu.memory_space<vmem>>, vector<16xf32>,
      tpu.vector_store %arg22[%swap3A_1261], %add3A_1257 {strides = array<i32>} : memref<8192xf32, #tpu.memory_space<vmem>>, vector<16xf32>,
      %mul3A_1263 = arith.constant 16 : i32
      %mul3A_1264 = arith.muli %add3A_1132, %mul3A_1263 : i32
      %swap3A_1265 = arith.index_cast %mul3A_1264 : i32 to index
      %swap3A_1266 = tpu.vector_load %arg23[%swap3A_1265] {strides = array<i32>} : memref<8192xf32, #tpu.memory_space<vmem>>, vector<16xf32>,
      tpu.vector_store %arg23[%swap3A_1265], %add3A_1258 {strides = array<i32>} : memref<8192xf32, #tpu.memory_space<vmem>>, vector<16xf32>,
      %mul3A_1267 = arith.constant 16 : i32
      %mul3A_1268 = arith.muli %scan3A_215, %mul3A_1267 : i32
      %add3A_1269 = arith.constant 7 : i32
      %add3A_1270 = arith.addi %mul3A_1268, %add3A_1269 : i32
      %slice3A_1271 = vector.extract_strided_slice %mul3A_294 {offsets = [7], sizes = [1], strides = [1]} : vector<16xi32> to vector<1xi32>
      %squeeze3A_1272 = vector.extract %slice3A_1271[0] : i32 from vector<1xi32>
      %slice3A_1273 = vector.extract_strided_slice %mul3A_297 {offsets = [7], sizes = [1], strides = [1]} : vector<16xi32> to vector<1xi32>
      %squeeze3A_1274 = vector.extract %slice3A_1273[0] : i32 from vector<1xi32>
      %slice3A_1275 = vector.extract_strided_slice %mul3A_300 {offsets = [7], sizes = [1], strides = [1]} : vector<16xi32> to vector<1xi32>
      %squeeze3A_1276 = vector.extract %slice3A_1275[0] : i32 from vector<1xi32>
      %slice3A_1277 = vector.extract_strided_slice %mul3A_303 {offsets = [7], sizes = [1], strides = [1]} : vector<16xi32> to vector<1xi32>
      %squeeze3A_1278 = vector.extract %slice3A_1277[0] : i32 from vector<1xi32>
      %add3A_1279 = arith.constant 0 : i32
      %add3A_1280 = arith.addi %squeeze3A_1272, %add3A_1279 : i32
      %get3A_1281 = arith.index_cast %add3A_1280 : i32 to index
      %get3A_1282 = tpu.vector_load %arg18[%get3A_1281] {strides = array<i32>} : memref<36864xf32, #tpu.memory_space<vmem>>, vector<16xf32>,
      %add3A_1283 = arith.constant 0 : i32
      %add3A_1284 = arith.addi %squeeze3A_1274, %add3A_1283 : i32
      %get3A_1285 = arith.index_cast %add3A_1284 : i32 to index
      %get3A_1286 = tpu.vector_load %arg18[%get3A_1285] {strides = array<i32>} : memref<36864xf32, #tpu.memory_space<vmem>>, vector<16xf32>,
      %add3A_1287 = arith.addf %get3A_1282, %get3A_1286 : vector<16xf32>
      %add3A_1288 = arith.constant 0 : i32
      %add3A_1289 = arith.addi %squeeze3A_1276, %add3A_1288 : i32
      %get3A_1290 = arith.index_cast %add3A_1289 : i32 to index
      %get3A_1291 = tpu.vector_load %arg18[%get3A_1290] {strides = array<i32>} : memref<36864xf32, #tpu.memory_space<vmem>>, vector<16xf32>,
      %add3A_1292 = arith.addf %add3A_1287, %get3A_1291 : vector<16xf32>
      %add3A_1293 = arith.constant 0 : i32
      %add3A_1294 = arith.addi %squeeze3A_1278, %add3A_1293 : i32
      %get3A_1295 = arith.index_cast %add3A_1294 : i32 to index
      %get3A_1296 = tpu.vector_load %arg18[%get3A_1295] {strides = array<i32>} : memref<36864xf32, #tpu.memory_space<vmem>>, vector<16xf32>,
      %add3A_1297 = arith.addf %add3A_1292, %get3A_1296 : vector<16xf32>
      %mul3A_1298 = arith.constant 64 : i32
      %mul3A_1299 = arith.muli %add3A_1270, %mul3A_1298 : i32
      %add3A_1300 = arith.constant 0 : i32
      %add3A_1301 = arith.addi %mul3A_1299, %add3A_1300 : i32
      %get3A_1302 = arith.index_cast %add3A_1301 : i32 to index
      %get3A_1303 = tpu.vector_load %arg17[%get3A_1302] {strides = array<i32>} : memref<32768xf32, #tpu.memory_space<vmem>>, vector<16xf32>,
      %mul3A_1304 = arith.mulf %add3A_1297, %get3A_1303 : vector<16xf32>
      %mul3A_1305 = arith.mulf %mul3A_1304, %get3A_181 : vector<16xf32>
      %mul3A_1306 = arith.mulf %mul3A_1304, %get3A_197 : vector<16xf32>
      %add3A_1307 = arith.constant 16 : i32
      %add3A_1308 = arith.addi %squeeze3A_1272, %add3A_1307 : i32
      %get3A_1309 = arith.index_cast %add3A_1308 : i32 to index
      %get3A_1310 = tpu.vector_load %arg18[%get3A_1309] {strides = array<i32>} : memref<36864xf32, #tpu.memory_space<vmem>>, vector<16xf32>,
      %add3A_1311 = arith.constant 16 : i32
      %add3A_1312 = arith.addi %squeeze3A_1274, %add3A_1311 : i32
      %get3A_1313 = arith.index_cast %add3A_1312 : i32 to index
      %get3A_1314 = tpu.vector_load %arg18[%get3A_1313] {strides = array<i32>} : memref<36864xf32, #tpu.memory_space<vmem>>, vector<16xf32>,
      %add3A_1315 = arith.addf %get3A_1310, %get3A_1314 : vector<16xf32>
      %add3A_1316 = arith.constant 16 : i32
      %add3A_1317 = arith.addi %squeeze3A_1276, %add3A_1316 : i32
      %get3A_1318 = arith.index_cast %add3A_1317 : i32 to index
      %get3A_1319 = tpu.vector_load %arg18[%get3A_1318] {strides = array<i32>} : memref<36864xf32, #tpu.memory_space<vmem>>, vector<16xf32>,
      %add3A_1320 = arith.addf %add3A_1315, %get3A_1319 : vector<16xf32>
      %add3A_1321 = arith.constant 16 : i32
      %add3A_1322 = arith.addi %squeeze3A_1278, %add3A_1321 : i32
      %get3A_1323 = arith.index_cast %add3A_1322 : i32 to index
      %get3A_1324 = tpu.vector_load %arg18[%get3A_1323] {strides = array<i32>} : memref<36864xf32, #tpu.memory_space<vmem>>, vector<16xf32>,
      %add3A_1325 = arith.addf %add3A_1320, %get3A_1324 : vector<16xf32>
      %mul3A_1326 = arith.constant 64 : i32
      %mul3A_1327 = arith.muli %add3A_1270, %mul3A_1326 : i32
      %add3A_1328 = arith.constant 16 : i32
      %add3A_1329 = arith.addi %mul3A_1327, %add3A_1328 : i32
      %get3A_1330 = arith.index_cast %add3A_1329 : i32 to index
      %get3A_1331 = tpu.vector_load %arg17[%get3A_1330] {strides = array<i32>} : memref<32768xf32, #tpu.memory_space<vmem>>, vector<16xf32>,
      %mul3A_1332 = arith.mulf %add3A_1325, %get3A_1331 : vector<16xf32>
      %mul3A_1333 = arith.mulf %mul3A_1332, %get3A_185 : vector<16xf32>
      %mul3A_1334 = arith.mulf %mul3A_1332, %get3A_201 : vector<16xf32>
      %add3A_1335 = arith.addf %mul3A_1305, %mul3A_1333 : vector<16xf32>
      %add3A_1336 = arith.addf %mul3A_1306, %mul3A_1334 : vector<16xf32>
      %add3A_1337 = arith.constant 32 : i32
      %add3A_1338 = arith.addi %squeeze3A_1272, %add3A_1337 : i32
      %get3A_1339 = arith.index_cast %add3A_1338 : i32 to index
      %get3A_1340 = tpu.vector_load %arg18[%get3A_1339] {strides = array<i32>} : memref<36864xf32, #tpu.memory_space<vmem>>, vector<16xf32>,
      %add3A_1341 = arith.constant 32 : i32
      %add3A_1342 = arith.addi %squeeze3A_1274, %add3A_1341 : i32
      %get3A_1343 = arith.index_cast %add3A_1342 : i32 to index
      %get3A_1344 = tpu.vector_load %arg18[%get3A_1343] {strides = array<i32>} : memref<36864xf32, #tpu.memory_space<vmem>>, vector<16xf32>,
      %add3A_1345 = arith.addf %get3A_1340, %get3A_1344 : vector<16xf32>
      %add3A_1346 = arith.constant 32 : i32
      %add3A_1347 = arith.addi %squeeze3A_1276, %add3A_1346 : i32
      %get3A_1348 = arith.index_cast %add3A_1347 : i32 to index
      %get3A_1349 = tpu.vector_load %arg18[%get3A_1348] {strides = array<i32>} : memref<36864xf32, #tpu.memory_space<vmem>>, vector<16xf32>,
      %add3A_1350 = arith.addf %add3A_1345, %get3A_1349 : vector<16xf32>
      %add3A_1351 = arith.constant 32 : i32
      %add3A_1352 = arith.addi %squeeze3A_1278, %add3A_1351 : i32
      %get3A_1353 = arith.index_cast %add3A_1352 : i32 to index
      %get3A_1354 = tpu.vector_load %arg18[%get3A_1353] {strides = array<i32>} : memref<36864xf32, #tpu.memory_space<vmem>>, vector<16xf32>,
      %add3A_1355 = arith.addf %add3A_1350, %get3A_1354 : vector<16xf32>
      %mul3A_1356 = arith.constant 64 : i32
      %mul3A_1357 = arith.muli %add3A_1270, %mul3A_1356 : i32
      %add3A_1358 = arith.constant 32 : i32
      %add3A_1359 = arith.addi %mul3A_1357, %add3A_1358 : i32
      %get3A_1360 = arith.index_cast %add3A_1359 : i32 to index
      %get3A_1361 = tpu.vector_load %arg17[%get3A_1360] {strides = array<i32>} : memref<32768xf32, #tpu.memory_space<vmem>>, vector<16xf32>,
      %mul3A_1362 = arith.mulf %add3A_1355, %get3A_1361 : vector<16xf32>
      %mul3A_1363 = arith.mulf %mul3A_1362, %get3A_189 : vector<16xf32>
      %mul3A_1364 = arith.mulf %mul3A_1362, %get3A_205 : vector<16xf32>
      %add3A_1365 = arith.addf %add3A_1335, %mul3A_1363 : vector<16xf32>
      %add3A_1366 = arith.addf %add3A_1336, %mul3A_1364 : vector<16xf32>
      %add3A_1367 = arith.constant 48 : i32
      %add3A_1368 = arith.addi %squeeze3A_1272, %add3A_1367 : i32
      %get3A_1369 = arith.index_cast %add3A_1368 : i32 to index
      %get3A_1370 = tpu.vector_load %arg18[%get3A_1369] {strides = array<i32>} : memref<36864xf32, #tpu.memory_space<vmem>>, vector<16xf32>,
      %add3A_1371 = arith.constant 48 : i32
      %add3A_1372 = arith.addi %squeeze3A_1274, %add3A_1371 : i32
      %get3A_1373 = arith.index_cast %add3A_1372 : i32 to index
      %get3A_1374 = tpu.vector_load %arg18[%get3A_1373] {strides = array<i32>} : memref<36864xf32, #tpu.memory_space<vmem>>, vector<16xf32>,
      %add3A_1375 = arith.addf %get3A_1370, %get3A_1374 : vector<16xf32>
      %add3A_1376 = arith.constant 48 : i32
      %add3A_1377 = arith.addi %squeeze3A_1276, %add3A_1376 : i32
      %get3A_1378 = arith.index_cast %add3A_1377 : i32 to index
      %get3A_1379 = tpu.vector_load %arg18[%get3A_1378] {strides = array<i32>} : memref<36864xf32, #tpu.memory_space<vmem>>, vector<16xf32>,
      %add3A_1380 = arith.addf %add3A_1375, %get3A_1379 : vector<16xf32>
      %add3A_1381 = arith.constant 48 : i32
      %add3A_1382 = arith.addi %squeeze3A_1278, %add3A_1381 : i32
      %get3A_1383 = arith.index_cast %add3A_1382 : i32 to index
      %get3A_1384 = tpu.vector_load %arg18[%get3A_1383] {strides = array<i32>} : memref<36864xf32, #tpu.memory_space<vmem>>, vector<16xf32>,
      %add3A_1385 = arith.addf %add3A_1380, %get3A_1384 : vector<16xf32>
      %mul3A_1386 = arith.constant 64 : i32
      %mul3A_1387 = arith.muli %add3A_1270, %mul3A_1386 : i32
      %add3A_1388 = arith.constant 48 : i32
      %add3A_1389 = arith.addi %mul3A_1387, %add3A_1388 : i32
      %get3A_1390 = arith.index_cast %add3A_1389 : i32 to index
      %get3A_1391 = tpu.vector_load %arg17[%get3A_1390] {strides = array<i32>} : memref<32768xf32, #tpu.memory_space<vmem>>, vector<16xf32>,
      %mul3A_1392 = arith.mulf %add3A_1385, %get3A_1391 : vector<16xf32>
      %mul3A_1393 = arith.mulf %mul3A_1392, %get3A_193 : vector<16xf32>
      %mul3A_1394 = arith.mulf %mul3A_1392, %get3A_209 : vector<16xf32>
      %add3A_1395 = arith.addf %add3A_1365, %mul3A_1393 : vector<16xf32>
      %add3A_1396 = arith.addf %add3A_1366, %mul3A_1394 : vector<16xf32>
      %mul3A_1397 = arith.constant 16 : i32
      %mul3A_1398 = arith.muli %add3A_1270, %mul3A_1397 : i32
      %swap3A_1399 = arith.index_cast %mul3A_1398 : i32 to index
      %swap3A_1400 = tpu.vector_load %arg22[%swap3A_1399] {strides = array<i32>} : memref<8192xf32, #tpu.memory_space<vmem>>, vector<16xf32>,
      tpu.vector_store %arg22[%swap3A_1399], %add3A_1395 {strides = array<i32>} : memref<8192xf32, #tpu.memory_space<vmem>>, vector<16xf32>,
      %mul3A_1401 = arith.constant 16 : i32
      %mul3A_1402 = arith.muli %add3A_1270, %mul3A_1401 : i32
      %swap3A_1403 = arith.index_cast %mul3A_1402 : i32 to index
      %swap3A_1404 = tpu.vector_load %arg23[%swap3A_1403] {strides = array<i32>} : memref<8192xf32, #tpu.memory_space<vmem>>, vector<16xf32>,
      tpu.vector_store %arg23[%swap3A_1403], %add3A_1396 {strides = array<i32>} : memref<8192xf32, #tpu.memory_space<vmem>>, vector<16xf32>,
      %mul3A_1405 = arith.constant 16 : i32
      %mul3A_1406 = arith.muli %scan3A_215, %mul3A_1405 : i32
      %add3A_1407 = arith.constant 8 : i32
      %add3A_1408 = arith.addi %mul3A_1406, %add3A_1407 : i32
      %slice3A_1409 = vector.extract_strided_slice %mul3A_294 {offsets = [8], sizes = [1], strides = [1]} : vector<16xi32> to vector<1xi32>
      %squeeze3A_1410 = vector.extract %slice3A_1409[0] : i32 from vector<1xi32>
      %slice3A_1411 = vector.extract_strided_slice %mul3A_297 {offsets = [8], sizes = [1], strides = [1]} : vector<16xi32> to vector<1xi32>
      %squeeze3A_1412 = vector.extract %slice3A_1411[0] : i32 from vector<1xi32>
      %slice3A_1413 = vector.extract_strided_slice %mul3A_300 {offsets = [8], sizes = [1], strides = [1]} : vector<16xi32> to vector<1xi32>
      %squeeze3A_1414 = vector.extract %slice3A_1413[0] : i32 from vector<1xi32>
      %slice3A_1415 = vector.extract_strided_slice %mul3A_303 {offsets = [8], sizes = [1], strides = [1]} : vector<16xi32> to vector<1xi32>
      %squeeze3A_1416 = vector.extract %slice3A_1415[0] : i32 from vector<1xi32>
      %add3A_1417 = arith.constant 0 : i32
      %add3A_1418 = arith.addi %squeeze3A_1410, %add3A_1417 : i32
      %get3A_1419 = arith.index_cast %add3A_1418 : i32 to index
      %get3A_1420 = tpu.vector_load %arg18[%get3A_1419] {strides = array<i32>} : memref<36864xf32, #tpu.memory_space<vmem>>, vector<16xf32>,
      %add3A_1421 = arith.constant 0 : i32
      %add3A_1422 = arith.addi %squeeze3A_1412, %add3A_1421 : i32
      %get3A_1423 = arith.index_cast %add3A_1422 : i32 to index
      %get3A_1424 = tpu.vector_load %arg18[%get3A_1423] {strides = array<i32>} : memref<36864xf32, #tpu.memory_space<vmem>>, vector<16xf32>,
      %add3A_1425 = arith.addf %get3A_1420, %get3A_1424 : vector<16xf32>
      %add3A_1426 = arith.constant 0 : i32
      %add3A_1427 = arith.addi %squeeze3A_1414, %add3A_1426 : i32
      %get3A_1428 = arith.index_cast %add3A_1427 : i32 to index
      %get3A_1429 = tpu.vector_load %arg18[%get3A_1428] {strides = array<i32>} : memref<36864xf32, #tpu.memory_space<vmem>>, vector<16xf32>,
      %add3A_1430 = arith.addf %add3A_1425, %get3A_1429 : vector<16xf32>
      %add3A_1431 = arith.constant 0 : i32
      %add3A_1432 = arith.addi %squeeze3A_1416, %add3A_1431 : i32
      %get3A_1433 = arith.index_cast %add3A_1432 : i32 to index
      %get3A_1434 = tpu.vector_load %arg18[%get3A_1433] {strides = array<i32>} : memref<36864xf32, #tpu.memory_space<vmem>>, vector<16xf32>,
      %add3A_1435 = arith.addf %add3A_1430, %get3A_1434 : vector<16xf32>
      %mul3A_1436 = arith.constant 64 : i32
      %mul3A_1437 = arith.muli %add3A_1408, %mul3A_1436 : i32
      %add3A_1438 = arith.constant 0 : i32
      %add3A_1439 = arith.addi %mul3A_1437, %add3A_1438 : i32
      %get3A_1440 = arith.index_cast %add3A_1439 : i32 to index
      %get3A_1441 = tpu.vector_load %arg17[%get3A_1440] {strides = array<i32>} : memref<32768xf32, #tpu.memory_space<vmem>>, vector<16xf32>,
      %mul3A_1442 = arith.mulf %add3A_1435, %get3A_1441 : vector<16xf32>
      %mul3A_1443 = arith.mulf %mul3A_1442, %get3A_181 : vector<16xf32>
      %mul3A_1444 = arith.mulf %mul3A_1442, %get3A_197 : vector<16xf32>
      %add3A_1445 = arith.constant 16 : i32
      %add3A_1446 = arith.addi %squeeze3A_1410, %add3A_1445 : i32
      %get3A_1447 = arith.index_cast %add3A_1446 : i32 to index
      %get3A_1448 = tpu.vector_load %arg18[%get3A_1447] {strides = array<i32>} : memref<36864xf32, #tpu.memory_space<vmem>>, vector<16xf32>,
      %add3A_1449 = arith.constant 16 : i32
      %add3A_1450 = arith.addi %squeeze3A_1412, %add3A_1449 : i32
      %get3A_1451 = arith.index_cast %add3A_1450 : i32 to index
      %get3A_1452 = tpu.vector_load %arg18[%get3A_1451] {strides = array<i32>} : memref<36864xf32, #tpu.memory_space<vmem>>, vector<16xf32>,
      %add3A_1453 = arith.addf %get3A_1448, %get3A_1452 : vector<16xf32>
      %add3A_1454 = arith.constant 16 : i32
      %add3A_1455 = arith.addi %squeeze3A_1414, %add3A_1454 : i32
      %get3A_1456 = arith.index_cast %add3A_1455 : i32 to index
      %get3A_1457 = tpu.vector_load %arg18[%get3A_1456] {strides = array<i32>} : memref<36864xf32, #tpu.memory_space<vmem>>, vector<16xf32>,
      %add3A_1458 = arith.addf %add3A_1453, %get3A_1457 : vector<16xf32>
      %add3A_1459 = arith.constant 16 : i32
      %add3A_1460 = arith.addi %squeeze3A_1416, %add3A_1459 : i32
      %get3A_1461 = arith.index_cast %add3A_1460 : i32 to index
      %get3A_1462 = tpu.vector_load %arg18[%get3A_1461] {strides = array<i32>} : memref<36864xf32, #tpu.memory_space<vmem>>, vector<16xf32>,
      %add3A_1463 = arith.addf %add3A_1458, %get3A_1462 : vector<16xf32>
      %mul3A_1464 = arith.constant 64 : i32
      %mul3A_1465 = arith.muli %add3A_1408, %mul3A_1464 : i32
      %add3A_1466 = arith.constant 16 : i32
      %add3A_1467 = arith.addi %mul3A_1465, %add3A_1466 : i32
      %get3A_1468 = arith.index_cast %add3A_1467 : i32 to index
      %get3A_1469 = tpu.vector_load %arg17[%get3A_1468] {strides = array<i32>} : memref<32768xf32, #tpu.memory_space<vmem>>, vector<16xf32>,
      %mul3A_1470 = arith.mulf %add3A_1463, %get3A_1469 : vector<16xf32>
      %mul3A_1471 = arith.mulf %mul3A_1470, %get3A_185 : vector<16xf32>
      %mul3A_1472 = arith.mulf %mul3A_1470, %get3A_201 : vector<16xf32>
      %add3A_1473 = arith.addf %mul3A_1443, %mul3A_1471 : vector<16xf32>
      %add3A_1474 = arith.addf %mul3A_1444, %mul3A_1472 : vector<16xf32>
      %add3A_1475 = arith.constant 32 : i32
      %add3A_1476 = arith.addi %squeeze3A_1410, %add3A_1475 : i32
      %get3A_1477 = arith.index_cast %add3A_1476 : i32 to index
      %get3A_1478 = tpu.vector_load %arg18[%get3A_1477] {strides = array<i32>} : memref<36864xf32, #tpu.memory_space<vmem>>, vector<16xf32>,
      %add3A_1479 = arith.constant 32 : i32
      %add3A_1480 = arith.addi %squeeze3A_1412, %add3A_1479 : i32
      %get3A_1481 = arith.index_cast %add3A_1480 : i32 to index
      %get3A_1482 = tpu.vector_load %arg18[%get3A_1481] {strides = array<i32>} : memref<36864xf32, #tpu.memory_space<vmem>>, vector<16xf32>,
      %add3A_1483 = arith.addf %get3A_1478, %get3A_1482 : vector<16xf32>
      %add3A_1484 = arith.constant 32 : i32
      %add3A_1485 = arith.addi %squeeze3A_1414, %add3A_1484 : i32
      %get3A_1486 = arith.index_cast %add3A_1485 : i32 to index
      %get3A_1487 = tpu.vector_load %arg18[%get3A_1486] {strides = array<i32>} : memref<36864xf32, #tpu.memory_space<vmem>>, vector<16xf32>,
      %add3A_1488 = arith.addf %add3A_1483, %get3A_1487 : vector<16xf32>
      %add3A_1489 = arith.constant 32 : i32
      %add3A_1490 = arith.addi %squeeze3A_1416, %add3A_1489 : i32
      %get3A_1491 = arith.index_cast %add3A_1490 : i32 to index
      %get3A_1492 = tpu.vector_load %arg18[%get3A_1491] {strides = array<i32>} : memref<36864xf32, #tpu.memory_space<vmem>>, vector<16xf32>,
      %add3A_1493 = arith.addf %add3A_1488, %get3A_1492 : vector<16xf32>
      %mul3A_1494 = arith.constant 64 : i32
      %mul3A_1495 = arith.muli %add3A_1408, %mul3A_1494 : i32
      %add3A_1496 = arith.constant 32 : i32
      %add3A_1497 = arith.addi %mul3A_1495, %add3A_1496 : i32
      %get3A_1498 = arith.index_cast %add3A_1497 : i32 to index
      %get3A_1499 = tpu.vector_load %arg17[%get3A_1498] {strides = array<i32>} : memref<32768xf32, #tpu.memory_space<vmem>>, vector<16xf32>,
      %mul3A_1500 = arith.mulf %add3A_1493, %get3A_1499 : vector<16xf32>
      %mul3A_1501 = arith.mulf %mul3A_1500, %get3A_189 : vector<16xf32>
      %mul3A_1502 = arith.mulf %mul3A_1500, %get3A_205 : vector<16xf32>
      %add3A_1503 = arith.addf %add3A_1473, %mul3A_1501 : vector<16xf32>
      %add3A_1504 = arith.addf %add3A_1474, %mul3A_1502 : vector<16xf32>
      %add3A_1505 = arith.constant 48 : i32
      %add3A_1506 = arith.addi %squeeze3A_1410, %add3A_1505 : i32
      %get3A_1507 = arith.index_cast %add3A_1506 : i32 to index
      %get3A_1508 = tpu.vector_load %arg18[%get3A_1507] {strides = array<i32>} : memref<36864xf32, #tpu.memory_space<vmem>>, vector<16xf32>,
      %add3A_1509 = arith.constant 48 : i32
      %add3A_1510 = arith.addi %squeeze3A_1412, %add3A_1509 : i32
      %get3A_1511 = arith.index_cast %add3A_1510 : i32 to index
      %get3A_1512 = tpu.vector_load %arg18[%get3A_1511] {strides = array<i32>} : memref<36864xf32, #tpu.memory_space<vmem>>, vector<16xf32>,
      %add3A_1513 = arith.addf %get3A_1508, %get3A_1512 : vector<16xf32>
      %add3A_1514 = arith.constant 48 : i32
      %add3A_1515 = arith.addi %squeeze3A_1414, %add3A_1514 : i32
      %get3A_1516 = arith.index_cast %add3A_1515 : i32 to index
      %get3A_1517 = tpu.vector_load %arg18[%get3A_1516] {strides = array<i32>} : memref<36864xf32, #tpu.memory_space<vmem>>, vector<16xf32>,
      %add3A_1518 = arith.addf %add3A_1513, %get3A_1517 : vector<16xf32>
      %add3A_1519 = arith.constant 48 : i32
      %add3A_1520 = arith.addi %squeeze3A_1416, %add3A_1519 : i32
      %get3A_1521 = arith.index_cast %add3A_1520 : i32 to index
      %get3A_1522 = tpu.vector_load %arg18[%get3A_1521] {strides = array<i32>} : memref<36864xf32, #tpu.memory_space<vmem>>, vector<16xf32>,
      %add3A_1523 = arith.addf %add3A_1518, %get3A_1522 : vector<16xf32>
      %mul3A_1524 = arith.constant 64 : i32
      %mul3A_1525 = arith.muli %add3A_1408, %mul3A_1524 : i32
      %add3A_1526 = arith.constant 48 : i32
      %add3A_1527 = arith.addi %mul3A_1525, %add3A_1526 : i32
      %get3A_1528 = arith.index_cast %add3A_1527 : i32 to index
      %get3A_1529 = tpu.vector_load %arg17[%get3A_1528] {strides = array<i32>} : memref<32768xf32, #tpu.memory_space<vmem>>, vector<16xf32>,
      %mul3A_1530 = arith.mulf %add3A_1523, %get3A_1529 : vector<16xf32>
      %mul3A_1531 = arith.mulf %mul3A_1530, %get3A_193 : vector<16xf32>
      %mul3A_1532 = arith.mulf %mul3A_1530, %get3A_209 : vector<16xf32>
      %add3A_1533 = arith.addf %add3A_1503, %mul3A_1531 : vector<16xf32>
      %add3A_1534 = arith.addf %add3A_1504, %mul3A_1532 : vector<16xf32>
      %mul3A_1535 = arith.constant 16 : i32
      %mul3A_1536 = arith.muli %add3A_1408, %mul3A_1535 : i32
      %swap3A_1537 = arith.index_cast %mul3A_1536 : i32 to index
      %swap3A_1538 = tpu.vector_load %arg22[%swap3A_1537] {strides = array<i32>} : memref<8192xf32, #tpu.memory_space<vmem>>, vector<16xf32>,
      tpu.vector_store %arg22[%swap3A_1537], %add3A_1533 {strides = array<i32>} : memref<8192xf32, #tpu.memory_space<vmem>>, vector<16xf32>,
      %mul3A_1539 = arith.constant 16 : i32
      %mul3A_1540 = arith.muli %add3A_1408, %mul3A_1539 : i32
      %swap3A_1541 = arith.index_cast %mul3A_1540 : i32 to index
      %swap3A_1542 = tpu.vector_load %arg23[%swap3A_1541] {strides = array<i32>} : memref<8192xf32, #tpu.memory_space<vmem>>, vector<16xf32>,
      tpu.vector_store %arg23[%swap3A_1541], %add3A_1534 {strides = array<i32>} : memref<8192xf32, #tpu.memory_space<vmem>>, vector<16xf32>,
      %mul3A_1543 = arith.constant 16 : i32
      %mul3A_1544 = arith.muli %scan3A_215, %mul3A_1543 : i32
      %add3A_1545 = arith.constant 9 : i32
      %add3A_1546 = arith.addi %mul3A_1544, %add3A_1545 : i32
      %slice3A_1547 = vector.extract_strided_slice %mul3A_294 {offsets = [9], sizes = [1], strides = [1]} : vector<16xi32> to vector<1xi32>
      %squeeze3A_1548 = vector.extract %slice3A_1547[0] : i32 from vector<1xi32>
      %slice3A_1549 = vector.extract_strided_slice %mul3A_297 {offsets = [9], sizes = [1], strides = [1]} : vector<16xi32> to vector<1xi32>
      %squeeze3A_1550 = vector.extract %slice3A_1549[0] : i32 from vector<1xi32>
      %slice3A_1551 = vector.extract_strided_slice %mul3A_300 {offsets = [9], sizes = [1], strides = [1]} : vector<16xi32> to vector<1xi32>
      %squeeze3A_1552 = vector.extract %slice3A_1551[0] : i32 from vector<1xi32>
      %slice3A_1553 = vector.extract_strided_slice %mul3A_303 {offsets = [9], sizes = [1], strides = [1]} : vector<16xi32> to vector<1xi32>
      %squeeze3A_1554 = vector.extract %slice3A_1553[0] : i32 from vector<1xi32>
      %add3A_1555 = arith.constant 0 : i32
      %add3A_1556 = arith.addi %squeeze3A_1548, %add3A_1555 : i32
      %get3A_1557 = arith.index_cast %add3A_1556 : i32 to index
      %get3A_1558 = tpu.vector_load %arg18[%get3A_1557] {strides = array<i32>} : memref<36864xf32, #tpu.memory_space<vmem>>, vector<16xf32>,
      %add3A_1559 = arith.constant 0 : i32
      %add3A_1560 = arith.addi %squeeze3A_1550, %add3A_1559 : i32
      %get3A_1561 = arith.index_cast %add3A_1560 : i32 to index
      %get3A_1562 = tpu.vector_load %arg18[%get3A_1561] {strides = array<i32>} : memref<36864xf32, #tpu.memory_space<vmem>>, vector<16xf32>,
      %add3A_1563 = arith.addf %get3A_1558, %get3A_1562 : vector<16xf32>
      %add3A_1564 = arith.constant 0 : i32
      %add3A_1565 = arith.addi %squeeze3A_1552, %add3A_1564 : i32
      %get3A_1566 = arith.index_cast %add3A_1565 : i32 to index
      %get3A_1567 = tpu.vector_load %arg18[%get3A_1566] {strides = array<i32>} : memref<36864xf32, #tpu.memory_space<vmem>>, vector<16xf32>,
      %add3A_1568 = arith.addf %add3A_1563, %get3A_1567 : vector<16xf32>
      %add3A_1569 = arith.constant 0 : i32
      %add3A_1570 = arith.addi %squeeze3A_1554, %add3A_1569 : i32
      %get3A_1571 = arith.index_cast %add3A_1570 : i32 to index
      %get3A_1572 = tpu.vector_load %arg18[%get3A_1571] {strides = array<i32>} : memref<36864xf32, #tpu.memory_space<vmem>>, vector<16xf32>,
      %add3A_1573 = arith.addf %add3A_1568, %get3A_1572 : vector<16xf32>
      %mul3A_1574 = arith.constant 64 : i32
      %mul3A_1575 = arith.muli %add3A_1546, %mul3A_1574 : i32
      %add3A_1576 = arith.constant 0 : i32
      %add3A_1577 = arith.addi %mul3A_1575, %add3A_1576 : i32
      %get3A_1578 = arith.index_cast %add3A_1577 : i32 to index
      %get3A_1579 = tpu.vector_load %arg17[%get3A_1578] {strides = array<i32>} : memref<32768xf32, #tpu.memory_space<vmem>>, vector<16xf32>,
      %mul3A_1580 = arith.mulf %add3A_1573, %get3A_1579 : vector<16xf32>
      %mul3A_1581 = arith.mulf %mul3A_1580, %get3A_181 : vector<16xf32>
      %mul3A_1582 = arith.mulf %mul3A_1580, %get3A_197 : vector<16xf32>
      %add3A_1583 = arith.constant 16 : i32
      %add3A_1584 = arith.addi %squeeze3A_1548, %add3A_1583 : i32
      %get3A_1585 = arith.index_cast %add3A_1584 : i32 to index
      %get3A_1586 = tpu.vector_load %arg18[%get3A_1585] {strides = array<i32>} : memref<36864xf32, #tpu.memory_space<vmem>>, vector<16xf32>,
      %add3A_1587 = arith.constant 16 : i32
      %add3A_1588 = arith.addi %squeeze3A_1550, %add3A_1587 : i32
      %get3A_1589 = arith.index_cast %add3A_1588 : i32 to index
      %get3A_1590 = tpu.vector_load %arg18[%get3A_1589] {strides = array<i32>} : memref<36864xf32, #tpu.memory_space<vmem>>, vector<16xf32>,
      %add3A_1591 = arith.addf %get3A_1586, %get3A_1590 : vector<16xf32>
      %add3A_1592 = arith.constant 16 : i32
      %add3A_1593 = arith.addi %squeeze3A_1552, %add3A_1592 : i32
      %get3A_1594 = arith.index_cast %add3A_1593 : i32 to index
      %get3A_1595 = tpu.vector_load %arg18[%get3A_1594] {strides = array<i32>} : memref<36864xf32, #tpu.memory_space<vmem>>, vector<16xf32>,
      %add3A_1596 = arith.addf %add3A_1591, %get3A_1595 : vector<16xf32>
      %add3A_1597 = arith.constant 16 : i32
      %add3A_1598 = arith.addi %squeeze3A_1554, %add3A_1597 : i32
      %get3A_1599 = arith.index_cast %add3A_1598 : i32 to index
      %get3A_1600 = tpu.vector_load %arg18[%get3A_1599] {strides = array<i32>} : memref<36864xf32, #tpu.memory_space<vmem>>, vector<16xf32>,
      %add3A_1601 = arith.addf %add3A_1596, %get3A_1600 : vector<16xf32>
      %mul3A_1602 = arith.constant 64 : i32
      %mul3A_1603 = arith.muli %add3A_1546, %mul3A_1602 : i32
      %add3A_1604 = arith.constant 16 : i32
      %add3A_1605 = arith.addi %mul3A_1603, %add3A_1604 : i32
      %get3A_1606 = arith.index_cast %add3A_1605 : i32 to index
      %get3A_1607 = tpu.vector_load %arg17[%get3A_1606] {strides = array<i32>} : memref<32768xf32, #tpu.memory_space<vmem>>, vector<16xf32>,
      %mul3A_1608 = arith.mulf %add3A_1601, %get3A_1607 : vector<16xf32>
      %mul3A_1609 = arith.mulf %mul3A_1608, %get3A_185 : vector<16xf32>
      %mul3A_1610 = arith.mulf %mul3A_1608, %get3A_201 : vector<16xf32>
      %add3A_1611 = arith.addf %mul3A_1581, %mul3A_1609 : vector<16xf32>
      %add3A_1612 = arith.addf %mul3A_1582, %mul3A_1610 : vector<16xf32>
      %add3A_1613 = arith.constant 32 : i32
      %add3A_1614 = arith.addi %squeeze3A_1548, %add3A_1613 : i32
      %get3A_1615 = arith.index_cast %add3A_1614 : i32 to index
      %get3A_1616 = tpu.vector_load %arg18[%get3A_1615] {strides = array<i32>} : memref<36864xf32, #tpu.memory_space<vmem>>, vector<16xf32>,
      %add3A_1617 = arith.constant 32 : i32
      %add3A_1618 = arith.addi %squeeze3A_1550, %add3A_1617 : i32
      %get3A_1619 = arith.index_cast %add3A_1618 : i32 to index
      %get3A_1620 = tpu.vector_load %arg18[%get3A_1619] {strides = array<i32>} : memref<36864xf32, #tpu.memory_space<vmem>>, vector<16xf32>,
      %add3A_1621 = arith.addf %get3A_1616, %get3A_1620 : vector<16xf32>
      %add3A_1622 = arith.constant 32 : i32
      %add3A_1623 = arith.addi %squeeze3A_1552, %add3A_1622 : i32
      %get3A_1624 = arith.index_cast %add3A_1623 : i32 to index
      %get3A_1625 = tpu.vector_load %arg18[%get3A_1624] {strides = array<i32>} : memref<36864xf32, #tpu.memory_space<vmem>>, vector<16xf32>,
      %add3A_1626 = arith.addf %add3A_1621, %get3A_1625 : vector<16xf32>
      %add3A_1627 = arith.constant 32 : i32
      %add3A_1628 = arith.addi %squeeze3A_1554, %add3A_1627 : i32
      %get3A_1629 = arith.index_cast %add3A_1628 : i32 to index
      %get3A_1630 = tpu.vector_load %arg18[%get3A_1629] {strides = array<i32>} : memref<36864xf32, #tpu.memory_space<vmem>>, vector<16xf32>,
      %add3A_1631 = arith.addf %add3A_1626, %get3A_1630 : vector<16xf32>
      %mul3A_1632 = arith.constant 64 : i32
      %mul3A_1633 = arith.muli %add3A_1546, %mul3A_1632 : i32
      %add3A_1634 = arith.constant 32 : i32
      %add3A_1635 = arith.addi %mul3A_1633, %add3A_1634 : i32
      %get3A_1636 = arith.index_cast %add3A_1635 : i32 to index
      %get3A_1637 = tpu.vector_load %arg17[%get3A_1636] {strides = array<i32>} : memref<32768xf32, #tpu.memory_space<vmem>>, vector<16xf32>,
      %mul3A_1638 = arith.mulf %add3A_1631, %get3A_1637 : vector<16xf32>
      %mul3A_1639 = arith.mulf %mul3A_1638, %get3A_189 : vector<16xf32>
      %mul3A_1640 = arith.mulf %mul3A_1638, %get3A_205 : vector<16xf32>
      %add3A_1641 = arith.addf %add3A_1611, %mul3A_1639 : vector<16xf32>
      %add3A_1642 = arith.addf %add3A_1612, %mul3A_1640 : vector<16xf32>
      %add3A_1643 = arith.constant 48 : i32
      %add3A_1644 = arith.addi %squeeze3A_1548, %add3A_1643 : i32
      %get3A_1645 = arith.index_cast %add3A_1644 : i32 to index
      %get3A_1646 = tpu.vector_load %arg18[%get3A_1645] {strides = array<i32>} : memref<36864xf32, #tpu.memory_space<vmem>>, vector<16xf32>,
      %add3A_1647 = arith.constant 48 : i32
      %add3A_1648 = arith.addi %squeeze3A_1550, %add3A_1647 : i32
      %get3A_1649 = arith.index_cast %add3A_1648 : i32 to index
      %get3A_1650 = tpu.vector_load %arg18[%get3A_1649] {strides = array<i32>} : memref<36864xf32, #tpu.memory_space<vmem>>, vector<16xf32>,
      %add3A_1651 = arith.addf %get3A_1646, %get3A_1650 : vector<16xf32>
      %add3A_1652 = arith.constant 48 : i32
      %add3A_1653 = arith.addi %squeeze3A_1552, %add3A_1652 : i32
      %get3A_1654 = arith.index_cast %add3A_1653 : i32 to index
      %get3A_1655 = tpu.vector_load %arg18[%get3A_1654] {strides = array<i32>} : memref<36864xf32, #tpu.memory_space<vmem>>, vector<16xf32>,
      %add3A_1656 = arith.addf %add3A_1651, %get3A_1655 : vector<16xf32>
      %add3A_1657 = arith.constant 48 : i32
      %add3A_1658 = arith.addi %squeeze3A_1554, %add3A_1657 : i32
      %get3A_1659 = arith.index_cast %add3A_1658 : i32 to index
      %get3A_1660 = tpu.vector_load %arg18[%get3A_1659] {strides = array<i32>} : memref<36864xf32, #tpu.memory_space<vmem>>, vector<16xf32>,
      %add3A_1661 = arith.addf %add3A_1656, %get3A_1660 : vector<16xf32>
      %mul3A_1662 = arith.constant 64 : i32
      %mul3A_1663 = arith.muli %add3A_1546, %mul3A_1662 : i32
      %add3A_1664 = arith.constant 48 : i32
      %add3A_1665 = arith.addi %mul3A_1663, %add3A_1664 : i32
      %get3A_1666 = arith.index_cast %add3A_1665 : i32 to index
      %get3A_1667 = tpu.vector_load %arg17[%get3A_1666] {strides = array<i32>} : memref<32768xf32, #tpu.memory_space<vmem>>, vector<16xf32>,
      %mul3A_1668 = arith.mulf %add3A_1661, %get3A_1667 : vector<16xf32>
      %mul3A_1669 = arith.mulf %mul3A_1668, %get3A_193 : vector<16xf32>
      %mul3A_1670 = arith.mulf %mul3A_1668, %get3A_209 : vector<16xf32>
      %add3A_1671 = arith.addf %add3A_1641, %mul3A_1669 : vector<16xf32>
      %add3A_1672 = arith.addf %add3A_1642, %mul3A_1670 : vector<16xf32>
      %mul3A_1673 = arith.constant 16 : i32
      %mul3A_1674 = arith.muli %add3A_1546, %mul3A_1673 : i32
      %swap3A_1675 = arith.index_cast %mul3A_1674 : i32 to index
      %swap3A_1676 = tpu.vector_load %arg22[%swap3A_1675] {strides = array<i32>} : memref<8192xf32, #tpu.memory_space<vmem>>, vector<16xf32>,
      tpu.vector_store %arg22[%swap3A_1675], %add3A_1671 {strides = array<i32>} : memref<8192xf32, #tpu.memory_space<vmem>>, vector<16xf32>,
      %mul3A_1677 = arith.constant 16 : i32
      %mul3A_1678 = arith.muli %add3A_1546, %mul3A_1677 : i32
      %swap3A_1679 = arith.index_cast %mul3A_1678 : i32 to index
      %swap3A_1680 = tpu.vector_load %arg23[%swap3A_1679] {strides = array<i32>} : memref<8192xf32, #tpu.memory_space<vmem>>, vector<16xf32>,
      tpu.vector_store %arg23[%swap3A_1679], %add3A_1672 {strides = array<i32>} : memref<8192xf32, #tpu.memory_space<vmem>>, vector<16xf32>,
      %mul3A_1681 = arith.constant 16 : i32
      %mul3A_1682 = arith.muli %scan3A_215, %mul3A_1681 : i32
      %add3A_1683 = arith.constant 10 : i32
      %add3A_1684 = arith.addi %mul3A_1682, %add3A_1683 : i32
      %slice3A_1685 = vector.extract_strided_slice %mul3A_294 {offsets = [10], sizes = [1], strides = [1]} : vector<16xi32> to vector<1xi32>
      %squeeze3A_1686 = vector.extract %slice3A_1685[0] : i32 from vector<1xi32>
      %slice3A_1687 = vector.extract_strided_slice %mul3A_297 {offsets = [10], sizes = [1], strides = [1]} : vector<16xi32> to vector<1xi32>
      %squeeze3A_1688 = vector.extract %slice3A_1687[0] : i32 from vector<1xi32>
      %slice3A_1689 = vector.extract_strided_slice %mul3A_300 {offsets = [10], sizes = [1], strides = [1]} : vector<16xi32> to vector<1xi32>
      %squeeze3A_1690 = vector.extract %slice3A_1689[0] : i32 from vector<1xi32>
      %slice3A_1691 = vector.extract_strided_slice %mul3A_303 {offsets = [10], sizes = [1], strides = [1]} : vector<16xi32> to vector<1xi32>
      %squeeze3A_1692 = vector.extract %slice3A_1691[0] : i32 from vector<1xi32>
      %add3A_1693 = arith.constant 0 : i32
      %add3A_1694 = arith.addi %squeeze3A_1686, %add3A_1693 : i32
      %get3A_1695 = arith.index_cast %add3A_1694 : i32 to index
      %get3A_1696 = tpu.vector_load %arg18[%get3A_1695] {strides = array<i32>} : memref<36864xf32, #tpu.memory_space<vmem>>, vector<16xf32>,
      %add3A_1697 = arith.constant 0 : i32
      %add3A_1698 = arith.addi %squeeze3A_1688, %add3A_1697 : i32
      %get3A_1699 = arith.index_cast %add3A_1698 : i32 to index
      %get3A_1700 = tpu.vector_load %arg18[%get3A_1699] {strides = array<i32>} : memref<36864xf32, #tpu.memory_space<vmem>>, vector<16xf32>,
      %add3A_1701 = arith.addf %get3A_1696, %get3A_1700 : vector<16xf32>
      %add3A_1702 = arith.constant 0 : i32
      %add3A_1703 = arith.addi %squeeze3A_1690, %add3A_1702 : i32
      %get3A_1704 = arith.index_cast %add3A_1703 : i32 to index
      %get3A_1705 = tpu.vector_load %arg18[%get3A_1704] {strides = array<i32>} : memref<36864xf32, #tpu.memory_space<vmem>>, vector<16xf32>,
      %add3A_1706 = arith.addf %add3A_1701, %get3A_1705 : vector<16xf32>
      %add3A_1707 = arith.constant 0 : i32
      %add3A_1708 = arith.addi %squeeze3A_1692, %add3A_1707 : i32
      %get3A_1709 = arith.index_cast %add3A_1708 : i32 to index
      %get3A_1710 = tpu.vector_load %arg18[%get3A_1709] {strides = array<i32>} : memref<36864xf32, #tpu.memory_space<vmem>>, vector<16xf32>,
      %add3A_1711 = arith.addf %add3A_1706, %get3A_1710 : vector<16xf32>
      %mul3A_1712 = arith.constant 64 : i32
      %mul3A_1713 = arith.muli %add3A_1684, %mul3A_1712 : i32
      %add3A_1714 = arith.constant 0 : i32
      %add3A_1715 = arith.addi %mul3A_1713, %add3A_1714 : i32
      %get3A_1716 = arith.index_cast %add3A_1715 : i32 to index
      %get3A_1717 = tpu.vector_load %arg17[%get3A_1716] {strides = array<i32>} : memref<32768xf32, #tpu.memory_space<vmem>>, vector<16xf32>,
      %mul3A_1718 = arith.mulf %add3A_1711, %get3A_1717 : vector<16xf32>
      %mul3A_1719 = arith.mulf %mul3A_1718, %get3A_181 : vector<16xf32>
      %mul3A_1720 = arith.mulf %mul3A_1718, %get3A_197 : vector<16xf32>
      %add3A_1721 = arith.constant 16 : i32
      %add3A_1722 = arith.addi %squeeze3A_1686, %add3A_1721 : i32
      %get3A_1723 = arith.index_cast %add3A_1722 : i32 to index
      %get3A_1724 = tpu.vector_load %arg18[%get3A_1723] {strides = array<i32>} : memref<36864xf32, #tpu.memory_space<vmem>>, vector<16xf32>,
      %add3A_1725 = arith.constant 16 : i32
      %add3A_1726 = arith.addi %squeeze3A_1688, %add3A_1725 : i32
      %get3A_1727 = arith.index_cast %add3A_1726 : i32 to index
      %get3A_1728 = tpu.vector_load %arg18[%get3A_1727] {strides = array<i32>} : memref<36864xf32, #tpu.memory_space<vmem>>, vector<16xf32>,
      %add3A_1729 = arith.addf %get3A_1724, %get3A_1728 : vector<16xf32>
      %add3A_1730 = arith.constant 16 : i32
      %add3A_1731 = arith.addi %squeeze3A_1690, %add3A_1730 : i32
      %get3A_1732 = arith.index_cast %add3A_1731 : i32 to index
      %get3A_1733 = tpu.vector_load %arg18[%get3A_1732] {strides = array<i32>} : memref<36864xf32, #tpu.memory_space<vmem>>, vector<16xf32>,
      %add3A_1734 = arith.addf %add3A_1729, %get3A_1733 : vector<16xf32>
      %add3A_1735 = arith.constant 16 : i32
      %add3A_1736 = arith.addi %squeeze3A_1692, %add3A_1735 : i32
      %get3A_1737 = arith.index_cast %add3A_1736 : i32 to index
      %get3A_1738 = tpu.vector_load %arg18[%get3A_1737] {strides = array<i32>} : memref<36864xf32, #tpu.memory_space<vmem>>, vector<16xf32>,
      %add3A_1739 = arith.addf %add3A_1734, %get3A_1738 : vector<16xf32>
      %mul3A_1740 = arith.constant 64 : i32
      %mul3A_1741 = arith.muli %add3A_1684, %mul3A_1740 : i32
      %add3A_1742 = arith.constant 16 : i32
      %add3A_1743 = arith.addi %mul3A_1741, %add3A_1742 : i32
      %get3A_1744 = arith.index_cast %add3A_1743 : i32 to index
      %get3A_1745 = tpu.vector_load %arg17[%get3A_1744] {strides = array<i32>} : memref<32768xf32, #tpu.memory_space<vmem>>, vector<16xf32>,
      %mul3A_1746 = arith.mulf %add3A_1739, %get3A_1745 : vector<16xf32>
      %mul3A_1747 = arith.mulf %mul3A_1746, %get3A_185 : vector<16xf32>
      %mul3A_1748 = arith.mulf %mul3A_1746, %get3A_201 : vector<16xf32>
      %add3A_1749 = arith.addf %mul3A_1719, %mul3A_1747 : vector<16xf32>
      %add3A_1750 = arith.addf %mul3A_1720, %mul3A_1748 : vector<16xf32>
      %add3A_1751 = arith.constant 32 : i32
      %add3A_1752 = arith.addi %squeeze3A_1686, %add3A_1751 : i32
      %get3A_1753 = arith.index_cast %add3A_1752 : i32 to index
      %get3A_1754 = tpu.vector_load %arg18[%get3A_1753] {strides = array<i32>} : memref<36864xf32, #tpu.memory_space<vmem>>, vector<16xf32>,
      %add3A_1755 = arith.constant 32 : i32
      %add3A_1756 = arith.addi %squeeze3A_1688, %add3A_1755 : i32
      %get3A_1757 = arith.index_cast %add3A_1756 : i32 to index
      %get3A_1758 = tpu.vector_load %arg18[%get3A_1757] {strides = array<i32>} : memref<36864xf32, #tpu.memory_space<vmem>>, vector<16xf32>,
      %add3A_1759 = arith.addf %get3A_1754, %get3A_1758 : vector<16xf32>
      %add3A_1760 = arith.constant 32 : i32
      %add3A_1761 = arith.addi %squeeze3A_1690, %add3A_1760 : i32
      %get3A_1762 = arith.index_cast %add3A_1761 : i32 to index
      %get3A_1763 = tpu.vector_load %arg18[%get3A_1762] {strides = array<i32>} : memref<36864xf32, #tpu.memory_space<vmem>>, vector<16xf32>,
      %add3A_1764 = arith.addf %add3A_1759, %get3A_1763 : vector<16xf32>
      %add3A_1765 = arith.constant 32 : i32
      %add3A_1766 = arith.addi %squeeze3A_1692, %add3A_1765 : i32
      %get3A_1767 = arith.index_cast %add3A_1766 : i32 to index
      %get3A_1768 = tpu.vector_load %arg18[%get3A_1767] {strides = array<i32>} : memref<36864xf32, #tpu.memory_space<vmem>>, vector<16xf32>,
      %add3A_1769 = arith.addf %add3A_1764, %get3A_1768 : vector<16xf32>
      %mul3A_1770 = arith.constant 64 : i32
      %mul3A_1771 = arith.muli %add3A_1684, %mul3A_1770 : i32
      %add3A_1772 = arith.constant 32 : i32
      %add3A_1773 = arith.addi %mul3A_1771, %add3A_1772 : i32
      %get3A_1774 = arith.index_cast %add3A_1773 : i32 to index
      %get3A_1775 = tpu.vector_load %arg17[%get3A_1774] {strides = array<i32>} : memref<32768xf32, #tpu.memory_space<vmem>>, vector<16xf32>,
      %mul3A_1776 = arith.mulf %add3A_1769, %get3A_1775 : vector<16xf32>
      %mul3A_1777 = arith.mulf %mul3A_1776, %get3A_189 : vector<16xf32>
      %mul3A_1778 = arith.mulf %mul3A_1776, %get3A_205 : vector<16xf32>
      %add3A_1779 = arith.addf %add3A_1749, %mul3A_1777 : vector<16xf32>
      %add3A_1780 = arith.addf %add3A_1750, %mul3A_1778 : vector<16xf32>
      %add3A_1781 = arith.constant 48 : i32
      %add3A_1782 = arith.addi %squeeze3A_1686, %add3A_1781 : i32
      %get3A_1783 = arith.index_cast %add3A_1782 : i32 to index
      %get3A_1784 = tpu.vector_load %arg18[%get3A_1783] {strides = array<i32>} : memref<36864xf32, #tpu.memory_space<vmem>>, vector<16xf32>,
      %add3A_1785 = arith.constant 48 : i32
      %add3A_1786 = arith.addi %squeeze3A_1688, %add3A_1785 : i32
      %get3A_1787 = arith.index_cast %add3A_1786 : i32 to index
      %get3A_1788 = tpu.vector_load %arg18[%get3A_1787] {strides = array<i32>} : memref<36864xf32, #tpu.memory_space<vmem>>, vector<16xf32>,
      %add3A_1789 = arith.addf %get3A_1784, %get3A_1788 : vector<16xf32>
      %add3A_1790 = arith.constant 48 : i32
      %add3A_1791 = arith.addi %squeeze3A_1690, %add3A_1790 : i32
      %get3A_1792 = arith.index_cast %add3A_1791 : i32 to index
      %get3A_1793 = tpu.vector_load %arg18[%get3A_1792] {strides = array<i32>} : memref<36864xf32, #tpu.memory_space<vmem>>, vector<16xf32>,
      %add3A_1794 = arith.addf %add3A_1789, %get3A_1793 : vector<16xf32>
      %add3A_1795 = arith.constant 48 : i32
      %add3A_1796 = arith.addi %squeeze3A_1692, %add3A_1795 : i32
      %get3A_1797 = arith.index_cast %add3A_1796 : i32 to index
      %get3A_1798 = tpu.vector_load %arg18[%get3A_1797] {strides = array<i32>} : memref<36864xf32, #tpu.memory_space<vmem>>, vector<16xf32>,
      %add3A_1799 = arith.addf %add3A_1794, %get3A_1798 : vector<16xf32>
      %mul3A_1800 = arith.constant 64 : i32
      %mul3A_1801 = arith.muli %add3A_1684, %mul3A_1800 : i32
      %add3A_1802 = arith.constant 48 : i32
      %add3A_1803 = arith.addi %mul3A_1801, %add3A_1802 : i32
      %get3A_1804 = arith.index_cast %add3A_1803 : i32 to index
      %get3A_1805 = tpu.vector_load %arg17[%get3A_1804] {strides = array<i32>} : memref<32768xf32, #tpu.memory_space<vmem>>, vector<16xf32>,
      %mul3A_1806 = arith.mulf %add3A_1799, %get3A_1805 : vector<16xf32>
      %mul3A_1807 = arith.mulf %mul3A_1806, %get3A_193 : vector<16xf32>
      %mul3A_1808 = arith.mulf %mul3A_1806, %get3A_209 : vector<16xf32>
      %add3A_1809 = arith.addf %add3A_1779, %mul3A_1807 : vector<16xf32>
      %add3A_1810 = arith.addf %add3A_1780, %mul3A_1808 : vector<16xf32>
      %mul3A_1811 = arith.constant 16 : i32
      %mul3A_1812 = arith.muli %add3A_1684, %mul3A_1811 : i32
      %swap3A_1813 = arith.index_cast %mul3A_1812 : i32 to index
      %swap3A_1814 = tpu.vector_load %arg22[%swap3A_1813] {strides = array<i32>} : memref<8192xf32, #tpu.memory_space<vmem>>, vector<16xf32>,
      tpu.vector_store %arg22[%swap3A_1813], %add3A_1809 {strides = array<i32>} : memref<8192xf32, #tpu.memory_space<vmem>>, vector<16xf32>,
      %mul3A_1815 = arith.constant 16 : i32
      %mul3A_1816 = arith.muli %add3A_1684, %mul3A_1815 : i32
      %swap3A_1817 = arith.index_cast %mul3A_1816 : i32 to index
      %swap3A_1818 = tpu.vector_load %arg23[%swap3A_1817] {strides = array<i32>} : memref<8192xf32, #tpu.memory_space<vmem>>, vector<16xf32>,
      tpu.vector_store %arg23[%swap3A_1817], %add3A_1810 {strides = array<i32>} : memref<8192xf32, #tpu.memory_space<vmem>>, vector<16xf32>,
      %mul3A_1819 = arith.constant 16 : i32
      %mul3A_1820 = arith.muli %scan3A_215, %mul3A_1819 : i32
      %add3A_1821 = arith.constant 11 : i32
      %add3A_1822 = arith.addi %mul3A_1820, %add3A_1821 : i32
      %slice3A_1823 = vector.extract_strided_slice %mul3A_294 {offsets = [11], sizes = [1], strides = [1]} : vector<16xi32> to vector<1xi32>
      %squeeze3A_1824 = vector.extract %slice3A_1823[0] : i32 from vector<1xi32>
      %slice3A_1825 = vector.extract_strided_slice %mul3A_297 {offsets = [11], sizes = [1], strides = [1]} : vector<16xi32> to vector<1xi32>
      %squeeze3A_1826 = vector.extract %slice3A_1825[0] : i32 from vector<1xi32>
      %slice3A_1827 = vector.extract_strided_slice %mul3A_300 {offsets = [11], sizes = [1], strides = [1]} : vector<16xi32> to vector<1xi32>
      %squeeze3A_1828 = vector.extract %slice3A_1827[0] : i32 from vector<1xi32>
      %slice3A_1829 = vector.extract_strided_slice %mul3A_303 {offsets = [11], sizes = [1], strides = [1]} : vector<16xi32> to vector<1xi32>
      %squeeze3A_1830 = vector.extract %slice3A_1829[0] : i32 from vector<1xi32>
      %add3A_1831 = arith.constant 0 : i32
      %add3A_1832 = arith.addi %squeeze3A_1824, %add3A_1831 : i32
      %get3A_1833 = arith.index_cast %add3A_1832 : i32 to index
      %get3A_1834 = tpu.vector_load %arg18[%get3A_1833] {strides = array<i32>} : memref<36864xf32, #tpu.memory_space<vmem>>, vector<16xf32>,
      %add3A_1835 = arith.constant 0 : i32
      %add3A_1836 = arith.addi %squeeze3A_1826, %add3A_1835 : i32
      %get3A_1837 = arith.index_cast %add3A_1836 : i32 to index
      %get3A_1838 = tpu.vector_load %arg18[%get3A_1837] {strides = array<i32>} : memref<36864xf32, #tpu.memory_space<vmem>>, vector<16xf32>,
      %add3A_1839 = arith.addf %get3A_1834, %get3A_1838 : vector<16xf32>
      %add3A_1840 = arith.constant 0 : i32
      %add3A_1841 = arith.addi %squeeze3A_1828, %add3A_1840 : i32
      %get3A_1842 = arith.index_cast %add3A_1841 : i32 to index
      %get3A_1843 = tpu.vector_load %arg18[%get3A_1842] {strides = array<i32>} : memref<36864xf32, #tpu.memory_space<vmem>>, vector<16xf32>,
      %add3A_1844 = arith.addf %add3A_1839, %get3A_1843 : vector<16xf32>
      %add3A_1845 = arith.constant 0 : i32
      %add3A_1846 = arith.addi %squeeze3A_1830, %add3A_1845 : i32
      %get3A_1847 = arith.index_cast %add3A_1846 : i32 to index
      %get3A_1848 = tpu.vector_load %arg18[%get3A_1847] {strides = array<i32>} : memref<36864xf32, #tpu.memory_space<vmem>>, vector<16xf32>,
      %add3A_1849 = arith.addf %add3A_1844, %get3A_1848 : vector<16xf32>
      %mul3A_1850 = arith.constant 64 : i32
      %mul3A_1851 = arith.muli %add3A_1822, %mul3A_1850 : i32
      %add3A_1852 = arith.constant 0 : i32
      %add3A_1853 = arith.addi %mul3A_1851, %add3A_1852 : i32
      %get3A_1854 = arith.index_cast %add3A_1853 : i32 to index
      %get3A_1855 = tpu.vector_load %arg17[%get3A_1854] {strides = array<i32>} : memref<32768xf32, #tpu.memory_space<vmem>>, vector<16xf32>,
      %mul3A_1856 = arith.mulf %add3A_1849, %get3A_1855 : vector<16xf32>
      %mul3A_1857 = arith.mulf %mul3A_1856, %get3A_181 : vector<16xf32>
      %mul3A_1858 = arith.mulf %mul3A_1856, %get3A_197 : vector<16xf32>
      %add3A_1859 = arith.constant 16 : i32
      %add3A_1860 = arith.addi %squeeze3A_1824, %add3A_1859 : i32
      %get3A_1861 = arith.index_cast %add3A_1860 : i32 to index
      %get3A_1862 = tpu.vector_load %arg18[%get3A_1861] {strides = array<i32>} : memref<36864xf32, #tpu.memory_space<vmem>>, vector<16xf32>,
      %add3A_1863 = arith.constant 16 : i32
      %add3A_1864 = arith.addi %squeeze3A_1826, %add3A_1863 : i32
      %get3A_1865 = arith.index_cast %add3A_1864 : i32 to index
      %get3A_1866 = tpu.vector_load %arg18[%get3A_1865] {strides = array<i32>} : memref<36864xf32, #tpu.memory_space<vmem>>, vector<16xf32>,
      %add3A_1867 = arith.addf %get3A_1862, %get3A_1866 : vector<16xf32>
      %add3A_1868 = arith.constant 16 : i32
      %add3A_1869 = arith.addi %squeeze3A_1828, %add3A_1868 : i32
      %get3A_1870 = arith.index_cast %add3A_1869 : i32 to index
      %get3A_1871 = tpu.vector_load %arg18[%get3A_1870] {strides = array<i32>} : memref<36864xf32, #tpu.memory_space<vmem>>, vector<16xf32>,
      %add3A_1872 = arith.addf %add3A_1867, %get3A_1871 : vector<16xf32>
      %add3A_1873 = arith.constant 16 : i32
      %add3A_1874 = arith.addi %squeeze3A_1830, %add3A_1873 : i32
      %get3A_1875 = arith.index_cast %add3A_1874 : i32 to index
      %get3A_1876 = tpu.vector_load %arg18[%get3A_1875] {strides = array<i32>} : memref<36864xf32, #tpu.memory_space<vmem>>, vector<16xf32>,
      %add3A_1877 = arith.addf %add3A_1872, %get3A_1876 : vector<16xf32>
      %mul3A_1878 = arith.constant 64 : i32
      %mul3A_1879 = arith.muli %add3A_1822, %mul3A_1878 : i32
      %add3A_1880 = arith.constant 16 : i32
      %add3A_1881 = arith.addi %mul3A_1879, %add3A_1880 : i32
      %get3A_1882 = arith.index_cast %add3A_1881 : i32 to index
      %get3A_1883 = tpu.vector_load %arg17[%get3A_1882] {strides = array<i32>} : memref<32768xf32, #tpu.memory_space<vmem>>, vector<16xf32>,
      %mul3A_1884 = arith.mulf %add3A_1877, %get3A_1883 : vector<16xf32>
      %mul3A_1885 = arith.mulf %mul3A_1884, %get3A_185 : vector<16xf32>
      %mul3A_1886 = arith.mulf %mul3A_1884, %get3A_201 : vector<16xf32>
      %add3A_1887 = arith.addf %mul3A_1857, %mul3A_1885 : vector<16xf32>
      %add3A_1888 = arith.addf %mul3A_1858, %mul3A_1886 : vector<16xf32>
      %add3A_1889 = arith.constant 32 : i32
      %add3A_1890 = arith.addi %squeeze3A_1824, %add3A_1889 : i32
      %get3A_1891 = arith.index_cast %add3A_1890 : i32 to index
      %get3A_1892 = tpu.vector_load %arg18[%get3A_1891] {strides = array<i32>} : memref<36864xf32, #tpu.memory_space<vmem>>, vector<16xf32>,
      %add3A_1893 = arith.constant 32 : i32
      %add3A_1894 = arith.addi %squeeze3A_1826, %add3A_1893 : i32
      %get3A_1895 = arith.index_cast %add3A_1894 : i32 to index
      %get3A_1896 = tpu.vector_load %arg18[%get3A_1895] {strides = array<i32>} : memref<36864xf32, #tpu.memory_space<vmem>>, vector<16xf32>,
      %add3A_1897 = arith.addf %get3A_1892, %get3A_1896 : vector<16xf32>
      %add3A_1898 = arith.constant 32 : i32
      %add3A_1899 = arith.addi %squeeze3A_1828, %add3A_1898 : i32
      %get3A_1900 = arith.index_cast %add3A_1899 : i32 to index
      %get3A_1901 = tpu.vector_load %arg18[%get3A_1900] {strides = array<i32>} : memref<36864xf32, #tpu.memory_space<vmem>>, vector<16xf32>,
      %add3A_1902 = arith.addf %add3A_1897, %get3A_1901 : vector<16xf32>
      %add3A_1903 = arith.constant 32 : i32
      %add3A_1904 = arith.addi %squeeze3A_1830, %add3A_1903 : i32
      %get3A_1905 = arith.index_cast %add3A_1904 : i32 to index
      %get3A_1906 = tpu.vector_load %arg18[%get3A_1905] {strides = array<i32>} : memref<36864xf32, #tpu.memory_space<vmem>>, vector<16xf32>,
      %add3A_1907 = arith.addf %add3A_1902, %get3A_1906 : vector<16xf32>
      %mul3A_1908 = arith.constant 64 : i32
      %mul3A_1909 = arith.muli %add3A_1822, %mul3A_1908 : i32
      %add3A_1910 = arith.constant 32 : i32
      %add3A_1911 = arith.addi %mul3A_1909, %add3A_1910 : i32
      %get3A_1912 = arith.index_cast %add3A_1911 : i32 to index
      %get3A_1913 = tpu.vector_load %arg17[%get3A_1912] {strides = array<i32>} : memref<32768xf32, #tpu.memory_space<vmem>>, vector<16xf32>,
      %mul3A_1914 = arith.mulf %add3A_1907, %get3A_1913 : vector<16xf32>
      %mul3A_1915 = arith.mulf %mul3A_1914, %get3A_189 : vector<16xf32>
      %mul3A_1916 = arith.mulf %mul3A_1914, %get3A_205 : vector<16xf32>
      %add3A_1917 = arith.addf %add3A_1887, %mul3A_1915 : vector<16xf32>
      %add3A_1918 = arith.addf %add3A_1888, %mul3A_1916 : vector<16xf32>
      %add3A_1919 = arith.constant 48 : i32
      %add3A_1920 = arith.addi %squeeze3A_1824, %add3A_1919 : i32
      %get3A_1921 = arith.index_cast %add3A_1920 : i32 to index
      %get3A_1922 = tpu.vector_load %arg18[%get3A_1921] {strides = array<i32>} : memref<36864xf32, #tpu.memory_space<vmem>>, vector<16xf32>,
      %add3A_1923 = arith.constant 48 : i32
      %add3A_1924 = arith.addi %squeeze3A_1826, %add3A_1923 : i32
      %get3A_1925 = arith.index_cast %add3A_1924 : i32 to index
      %get3A_1926 = tpu.vector_load %arg18[%get3A_1925] {strides = array<i32>} : memref<36864xf32, #tpu.memory_space<vmem>>, vector<16xf32>,
      %add3A_1927 = arith.addf %get3A_1922, %get3A_1926 : vector<16xf32>
      %add3A_1928 = arith.constant 48 : i32
      %add3A_1929 = arith.addi %squeeze3A_1828, %add3A_1928 : i32
      %get3A_1930 = arith.index_cast %add3A_1929 : i32 to index
      %get3A_1931 = tpu.vector_load %arg18[%get3A_1930] {strides = array<i32>} : memref<36864xf32, #tpu.memory_space<vmem>>, vector<16xf32>,
      %add3A_1932 = arith.addf %add3A_1927, %get3A_1931 : vector<16xf32>
      %add3A_1933 = arith.constant 48 : i32
      %add3A_1934 = arith.addi %squeeze3A_1830, %add3A_1933 : i32
      %get3A_1935 = arith.index_cast %add3A_1934 : i32 to index
      %get3A_1936 = tpu.vector_load %arg18[%get3A_1935] {strides = array<i32>} : memref<36864xf32, #tpu.memory_space<vmem>>, vector<16xf32>,
      %add3A_1937 = arith.addf %add3A_1932, %get3A_1936 : vector<16xf32>
      %mul3A_1938 = arith.constant 64 : i32
      %mul3A_1939 = arith.muli %add3A_1822, %mul3A_1938 : i32
      %add3A_1940 = arith.constant 48 : i32
      %add3A_1941 = arith.addi %mul3A_1939, %add3A_1940 : i32
      %get3A_1942 = arith.index_cast %add3A_1941 : i32 to index
      %get3A_1943 = tpu.vector_load %arg17[%get3A_1942] {strides = array<i32>} : memref<32768xf32, #tpu.memory_space<vmem>>, vector<16xf32>,
      %mul3A_1944 = arith.mulf %add3A_1937, %get3A_1943 : vector<16xf32>
      %mul3A_1945 = arith.mulf %mul3A_1944, %get3A_193 : vector<16xf32>
      %mul3A_1946 = arith.mulf %mul3A_1944, %get3A_209 : vector<16xf32>
      %add3A_1947 = arith.addf %add3A_1917, %mul3A_1945 : vector<16xf32>
      %add3A_1948 = arith.addf %add3A_1918, %mul3A_1946 : vector<16xf32>
      %mul3A_1949 = arith.constant 16 : i32
      %mul3A_1950 = arith.muli %add3A_1822, %mul3A_1949 : i32
      %swap3A_1951 = arith.index_cast %mul3A_1950 : i32 to index
      %swap3A_1952 = tpu.vector_load %arg22[%swap3A_1951] {strides = array<i32>} : memref<8192xf32, #tpu.memory_space<vmem>>, vector<16xf32>,
      tpu.vector_store %arg22[%swap3A_1951], %add3A_1947 {strides = array<i32>} : memref<8192xf32, #tpu.memory_space<vmem>>, vector<16xf32>,
      %mul3A_1953 = arith.constant 16 : i32
      %mul3A_1954 = arith.muli %add3A_1822, %mul3A_1953 : i32
      %swap3A_1955 = arith.index_cast %mul3A_1954 : i32 to index
      %swap3A_1956 = tpu.vector_load %arg23[%swap3A_1955] {strides = array<i32>} : memref<8192xf32, #tpu.memory_space<vmem>>, vector<16xf32>,
      tpu.vector_store %arg23[%swap3A_1955], %add3A_1948 {strides = array<i32>} : memref<8192xf32, #tpu.memory_space<vmem>>, vector<16xf32>,
      %mul3A_1957 = arith.constant 16 : i32
      %mul3A_1958 = arith.muli %scan3A_215, %mul3A_1957 : i32
      %add3A_1959 = arith.constant 12 : i32
      %add3A_1960 = arith.addi %mul3A_1958, %add3A_1959 : i32
      %slice3A_1961 = vector.extract_strided_slice %mul3A_294 {offsets = [12], sizes = [1], strides = [1]} : vector<16xi32> to vector<1xi32>
      %squeeze3A_1962 = vector.extract %slice3A_1961[0] : i32 from vector<1xi32>
      %slice3A_1963 = vector.extract_strided_slice %mul3A_297 {offsets = [12], sizes = [1], strides = [1]} : vector<16xi32> to vector<1xi32>
      %squeeze3A_1964 = vector.extract %slice3A_1963[0] : i32 from vector<1xi32>
      %slice3A_1965 = vector.extract_strided_slice %mul3A_300 {offsets = [12], sizes = [1], strides = [1]} : vector<16xi32> to vector<1xi32>
      %squeeze3A_1966 = vector.extract %slice3A_1965[0] : i32 from vector<1xi32>
      %slice3A_1967 = vector.extract_strided_slice %mul3A_303 {offsets = [12], sizes = [1], strides = [1]} : vector<16xi32> to vector<1xi32>
      %squeeze3A_1968 = vector.extract %slice3A_1967[0] : i32 from vector<1xi32>
      %add3A_1969 = arith.constant 0 : i32
      %add3A_1970 = arith.addi %squeeze3A_1962, %add3A_1969 : i32
      %get3A_1971 = arith.index_cast %add3A_1970 : i32 to index
      %get3A_1972 = tpu.vector_load %arg18[%get3A_1971] {strides = array<i32>} : memref<36864xf32, #tpu.memory_space<vmem>>, vector<16xf32>,
      %add3A_1973 = arith.constant 0 : i32
      %add3A_1974 = arith.addi %squeeze3A_1964, %add3A_1973 : i32
      %get3A_1975 = arith.index_cast %add3A_1974 : i32 to index
      %get3A_1976 = tpu.vector_load %arg18[%get3A_1975] {strides = array<i32>} : memref<36864xf32, #tpu.memory_space<vmem>>, vector<16xf32>,
      %add3A_1977 = arith.addf %get3A_1972, %get3A_1976 : vector<16xf32>
      %add3A_1978 = arith.constant 0 : i32
      %add3A_1979 = arith.addi %squeeze3A_1966, %add3A_1978 : i32
      %get3A_1980 = arith.index_cast %add3A_1979 : i32 to index
      %get3A_1981 = tpu.vector_load %arg18[%get3A_1980] {strides = array<i32>} : memref<36864xf32, #tpu.memory_space<vmem>>, vector<16xf32>,
      %add3A_1982 = arith.addf %add3A_1977, %get3A_1981 : vector<16xf32>
      %add3A_1983 = arith.constant 0 : i32
      %add3A_1984 = arith.addi %squeeze3A_1968, %add3A_1983 : i32
      %get3A_1985 = arith.index_cast %add3A_1984 : i32 to index
      %get3A_1986 = tpu.vector_load %arg18[%get3A_1985] {strides = array<i32>} : memref<36864xf32, #tpu.memory_space<vmem>>, vector<16xf32>,
      %add3A_1987 = arith.addf %add3A_1982, %get3A_1986 : vector<16xf32>
      %mul3A_1988 = arith.constant 64 : i32
      %mul3A_1989 = arith.muli %add3A_1960, %mul3A_1988 : i32
      %add3A_1990 = arith.constant 0 : i32
      %add3A_1991 = arith.addi %mul3A_1989, %add3A_1990 : i32
      %get3A_1992 = arith.index_cast %add3A_1991 : i32 to index
      %get3A_1993 = tpu.vector_load %arg17[%get3A_1992] {strides = array<i32>} : memref<32768xf32, #tpu.memory_space<vmem>>, vector<16xf32>,
      %mul3A_1994 = arith.mulf %add3A_1987, %get3A_1993 : vector<16xf32>
      %mul3A_1995 = arith.mulf %mul3A_1994, %get3A_181 : vector<16xf32>
      %mul3A_1996 = arith.mulf %mul3A_1994, %get3A_197 : vector<16xf32>
      %add3A_1997 = arith.constant 16 : i32
      %add3A_1998 = arith.addi %squeeze3A_1962, %add3A_1997 : i32
      %get3A_1999 = arith.index_cast %add3A_1998 : i32 to index
      %get3A_2000 = tpu.vector_load %arg18[%get3A_1999] {strides = array<i32>} : memref<36864xf32, #tpu.memory_space<vmem>>, vector<16xf32>,
      %add3A_2001 = arith.constant 16 : i32
      %add3A_2002 = arith.addi %squeeze3A_1964, %add3A_2001 : i32
      %get3A_2003 = arith.index_cast %add3A_2002 : i32 to index
      %get3A_2004 = tpu.vector_load %arg18[%get3A_2003] {strides = array<i32>} : memref<36864xf32, #tpu.memory_space<vmem>>, vector<16xf32>,
      %add3A_2005 = arith.addf %get3A_2000, %get3A_2004 : vector<16xf32>
      %add3A_2006 = arith.constant 16 : i32
      %add3A_2007 = arith.addi %squeeze3A_1966, %add3A_2006 : i32
      %get3A_2008 = arith.index_cast %add3A_2007 : i32 to index
      %get3A_2009 = tpu.vector_load %arg18[%get3A_2008] {strides = array<i32>} : memref<36864xf32, #tpu.memory_space<vmem>>, vector<16xf32>,
      %add3A_2010 = arith.addf %add3A_2005, %get3A_2009 : vector<16xf32>
      %add3A_2011 = arith.constant 16 : i32
      %add3A_2012 = arith.addi %squeeze3A_1968, %add3A_2011 : i32
      %get3A_2013 = arith.index_cast %add3A_2012 : i32 to index
      %get3A_2014 = tpu.vector_load %arg18[%get3A_2013] {strides = array<i32>} : memref<36864xf32, #tpu.memory_space<vmem>>, vector<16xf32>,
      %add3A_2015 = arith.addf %add3A_2010, %get3A_2014 : vector<16xf32>
      %mul3A_2016 = arith.constant 64 : i32
      %mul3A_2017 = arith.muli %add3A_1960, %mul3A_2016 : i32
      %add3A_2018 = arith.constant 16 : i32
      %add3A_2019 = arith.addi %mul3A_2017, %add3A_2018 : i32
      %get3A_2020 = arith.index_cast %add3A_2019 : i32 to index
      %get3A_2021 = tpu.vector_load %arg17[%get3A_2020] {strides = array<i32>} : memref<32768xf32, #tpu.memory_space<vmem>>, vector<16xf32>,
      %mul3A_2022 = arith.mulf %add3A_2015, %get3A_2021 : vector<16xf32>
      %mul3A_2023 = arith.mulf %mul3A_2022, %get3A_185 : vector<16xf32>
      %mul3A_2024 = arith.mulf %mul3A_2022, %get3A_201 : vector<16xf32>
      %add3A_2025 = arith.addf %mul3A_1995, %mul3A_2023 : vector<16xf32>
      %add3A_2026 = arith.addf %mul3A_1996, %mul3A_2024 : vector<16xf32>
      %add3A_2027 = arith.constant 32 : i32
      %add3A_2028 = arith.addi %squeeze3A_1962, %add3A_2027 : i32
      %get3A_2029 = arith.index_cast %add3A_2028 : i32 to index
      %get3A_2030 = tpu.vector_load %arg18[%get3A_2029] {strides = array<i32>} : memref<36864xf32, #tpu.memory_space<vmem>>, vector<16xf32>,
      %add3A_2031 = arith.constant 32 : i32
      %add3A_2032 = arith.addi %squeeze3A_1964, %add3A_2031 : i32
      %get3A_2033 = arith.index_cast %add3A_2032 : i32 to index
      %get3A_2034 = tpu.vector_load %arg18[%get3A_2033] {strides = array<i32>} : memref<36864xf32, #tpu.memory_space<vmem>>, vector<16xf32>,
      %add3A_2035 = arith.addf %get3A_2030, %get3A_2034 : vector<16xf32>
      %add3A_2036 = arith.constant 32 : i32
      %add3A_2037 = arith.addi %squeeze3A_1966, %add3A_2036 : i32
      %get3A_2038 = arith.index_cast %add3A_2037 : i32 to index
      %get3A_2039 = tpu.vector_load %arg18[%get3A_2038] {strides = array<i32>} : memref<36864xf32, #tpu.memory_space<vmem>>, vector<16xf32>,
      %add3A_2040 = arith.addf %add3A_2035, %get3A_2039 : vector<16xf32>
      %add3A_2041 = arith.constant 32 : i32
      %add3A_2042 = arith.addi %squeeze3A_1968, %add3A_2041 : i32
      %get3A_2043 = arith.index_cast %add3A_2042 : i32 to index
      %get3A_2044 = tpu.vector_load %arg18[%get3A_2043] {strides = array<i32>} : memref<36864xf32, #tpu.memory_space<vmem>>, vector<16xf32>,
      %add3A_2045 = arith.addf %add3A_2040, %get3A_2044 : vector<16xf32>
      %mul3A_2046 = arith.constant 64 : i32
      %mul3A_2047 = arith.muli %add3A_1960, %mul3A_2046 : i32
      %add3A_2048 = arith.constant 32 : i32
      %add3A_2049 = arith.addi %mul3A_2047, %add3A_2048 : i32
      %get3A_2050 = arith.index_cast %add3A_2049 : i32 to index
      %get3A_2051 = tpu.vector_load %arg17[%get3A_2050] {strides = array<i32>} : memref<32768xf32, #tpu.memory_space<vmem>>, vector<16xf32>,
      %mul3A_2052 = arith.mulf %add3A_2045, %get3A_2051 : vector<16xf32>
      %mul3A_2053 = arith.mulf %mul3A_2052, %get3A_189 : vector<16xf32>
      %mul3A_2054 = arith.mulf %mul3A_2052, %get3A_205 : vector<16xf32>
      %add3A_2055 = arith.addf %add3A_2025, %mul3A_2053 : vector<16xf32>
      %add3A_2056 = arith.addf %add3A_2026, %mul3A_2054 : vector<16xf32>
      %add3A_2057 = arith.constant 48 : i32
      %add3A_2058 = arith.addi %squeeze3A_1962, %add3A_2057 : i32
      %get3A_2059 = arith.index_cast %add3A_2058 : i32 to index
      %get3A_2060 = tpu.vector_load %arg18[%get3A_2059] {strides = array<i32>} : memref<36864xf32, #tpu.memory_space<vmem>>, vector<16xf32>,
      %add3A_2061 = arith.constant 48 : i32
      %add3A_2062 = arith.addi %squeeze3A_1964, %add3A_2061 : i32
      %get3A_2063 = arith.index_cast %add3A_2062 : i32 to index
      %get3A_2064 = tpu.vector_load %arg18[%get3A_2063] {strides = array<i32>} : memref<36864xf32, #tpu.memory_space<vmem>>, vector<16xf32>,
      %add3A_2065 = arith.addf %get3A_2060, %get3A_2064 : vector<16xf32>
      %add3A_2066 = arith.constant 48 : i32
      %add3A_2067 = arith.addi %squeeze3A_1966, %add3A_2066 : i32
      %get3A_2068 = arith.index_cast %add3A_2067 : i32 to index
      %get3A_2069 = tpu.vector_load %arg18[%get3A_2068] {strides = array<i32>} : memref<36864xf32, #tpu.memory_space<vmem>>, vector<16xf32>,
      %add3A_2070 = arith.addf %add3A_2065, %get3A_2069 : vector<16xf32>
      %add3A_2071 = arith.constant 48 : i32
      %add3A_2072 = arith.addi %squeeze3A_1968, %add3A_2071 : i32
      %get3A_2073 = arith.index_cast %add3A_2072 : i32 to index
      %get3A_2074 = tpu.vector_load %arg18[%get3A_2073] {strides = array<i32>} : memref<36864xf32, #tpu.memory_space<vmem>>, vector<16xf32>,
      %add3A_2075 = arith.addf %add3A_2070, %get3A_2074 : vector<16xf32>
      %mul3A_2076 = arith.constant 64 : i32
      %mul3A_2077 = arith.muli %add3A_1960, %mul3A_2076 : i32
      %add3A_2078 = arith.constant 48 : i32
      %add3A_2079 = arith.addi %mul3A_2077, %add3A_2078 : i32
      %get3A_2080 = arith.index_cast %add3A_2079 : i32 to index
      %get3A_2081 = tpu.vector_load %arg17[%get3A_2080] {strides = array<i32>} : memref<32768xf32, #tpu.memory_space<vmem>>, vector<16xf32>,
      %mul3A_2082 = arith.mulf %add3A_2075, %get3A_2081 : vector<16xf32>
      %mul3A_2083 = arith.mulf %mul3A_2082, %get3A_193 : vector<16xf32>
      %mul3A_2084 = arith.mulf %mul3A_2082, %get3A_209 : vector<16xf32>
      %add3A_2085 = arith.addf %add3A_2055, %mul3A_2083 : vector<16xf32>
      %add3A_2086 = arith.addf %add3A_2056, %mul3A_2084 : vector<16xf32>
      %mul3A_2087 = arith.constant 16 : i32
      %mul3A_2088 = arith.muli %add3A_1960, %mul3A_2087 : i32
      %swap3A_2089 = arith.index_cast %mul3A_2088 : i32 to index
      %swap3A_2090 = tpu.vector_load %arg22[%swap3A_2089] {strides = array<i32>} : memref<8192xf32, #tpu.memory_space<vmem>>, vector<16xf32>,
      tpu.vector_store %arg22[%swap3A_2089], %add3A_2085 {strides = array<i32>} : memref<8192xf32, #tpu.memory_space<vmem>>, vector<16xf32>,
      %mul3A_2091 = arith.constant 16 : i32
      %mul3A_2092 = arith.muli %add3A_1960, %mul3A_2091 : i32
      %swap3A_2093 = arith.index_cast %mul3A_2092 : i32 to index
      %swap3A_2094 = tpu.vector_load %arg23[%swap3A_2093] {strides = array<i32>} : memref<8192xf32, #tpu.memory_space<vmem>>, vector<16xf32>,
      tpu.vector_store %arg23[%swap3A_2093], %add3A_2086 {strides = array<i32>} : memref<8192xf32, #tpu.memory_space<vmem>>, vector<16xf32>,
      %mul3A_2095 = arith.constant 16 : i32
      %mul3A_2096 = arith.muli %scan3A_215, %mul3A_2095 : i32
      %add3A_2097 = arith.constant 13 : i32
      %add3A_2098 = arith.addi %mul3A_2096, %add3A_2097 : i32
      %slice3A_2099 = vector.extract_strided_slice %mul3A_294 {offsets = [13], sizes = [1], strides = [1]} : vector<16xi32> to vector<1xi32>
      %squeeze3A_2100 = vector.extract %slice3A_2099[0] : i32 from vector<1xi32>
      %slice3A_2101 = vector.extract_strided_slice %mul3A_297 {offsets = [13], sizes = [1], strides = [1]} : vector<16xi32> to vector<1xi32>
      %squeeze3A_2102 = vector.extract %slice3A_2101[0] : i32 from vector<1xi32>
      %slice3A_2103 = vector.extract_strided_slice %mul3A_300 {offsets = [13], sizes = [1], strides = [1]} : vector<16xi32> to vector<1xi32>
      %squeeze3A_2104 = vector.extract %slice3A_2103[0] : i32 from vector<1xi32>
      %slice3A_2105 = vector.extract_strided_slice %mul3A_303 {offsets = [13], sizes = [1], strides = [1]} : vector<16xi32> to vector<1xi32>
      %squeeze3A_2106 = vector.extract %slice3A_2105[0] : i32 from vector<1xi32>
      %add3A_2107 = arith.constant 0 : i32
      %add3A_2108 = arith.addi %squeeze3A_2100, %add3A_2107 : i32
      %get3A_2109 = arith.index_cast %add3A_2108 : i32 to index
      %get3A_2110 = tpu.vector_load %arg18[%get3A_2109] {strides = array<i32>} : memref<36864xf32, #tpu.memory_space<vmem>>, vector<16xf32>,
      %add3A_2111 = arith.constant 0 : i32
      %add3A_2112 = arith.addi %squeeze3A_2102, %add3A_2111 : i32
      %get3A_2113 = arith.index_cast %add3A_2112 : i32 to index
      %get3A_2114 = tpu.vector_load %arg18[%get3A_2113] {strides = array<i32>} : memref<36864xf32, #tpu.memory_space<vmem>>, vector<16xf32>,
      %add3A_2115 = arith.addf %get3A_2110, %get3A_2114 : vector<16xf32>
      %add3A_2116 = arith.constant 0 : i32
      %add3A_2117 = arith.addi %squeeze3A_2104, %add3A_2116 : i32
      %get3A_2118 = arith.index_cast %add3A_2117 : i32 to index
      %get3A_2119 = tpu.vector_load %arg18[%get3A_2118] {strides = array<i32>} : memref<36864xf32, #tpu.memory_space<vmem>>, vector<16xf32>,
      %add3A_2120 = arith.addf %add3A_2115, %get3A_2119 : vector<16xf32>
      %add3A_2121 = arith.constant 0 : i32
      %add3A_2122 = arith.addi %squeeze3A_2106, %add3A_2121 : i32
      %get3A_2123 = arith.index_cast %add3A_2122 : i32 to index
      %get3A_2124 = tpu.vector_load %arg18[%get3A_2123] {strides = array<i32>} : memref<36864xf32, #tpu.memory_space<vmem>>, vector<16xf32>,
      %add3A_2125 = arith.addf %add3A_2120, %get3A_2124 : vector<16xf32>
      %mul3A_2126 = arith.constant 64 : i32
      %mul3A_2127 = arith.muli %add3A_2098, %mul3A_2126 : i32
      %add3A_2128 = arith.constant 0 : i32
      %add3A_2129 = arith.addi %mul3A_2127, %add3A_2128 : i32
      %get3A_2130 = arith.index_cast %add3A_2129 : i32 to index
      %get3A_2131 = tpu.vector_load %arg17[%get3A_2130] {strides = array<i32>} : memref<32768xf32, #tpu.memory_space<vmem>>, vector<16xf32>,
      %mul3A_2132 = arith.mulf %add3A_2125, %get3A_2131 : vector<16xf32>
      %mul3A_2133 = arith.mulf %mul3A_2132, %get3A_181 : vector<16xf32>
      %mul3A_2134 = arith.mulf %mul3A_2132, %get3A_197 : vector<16xf32>
      %add3A_2135 = arith.constant 16 : i32
      %add3A_2136 = arith.addi %squeeze3A_2100, %add3A_2135 : i32
      %get3A_2137 = arith.index_cast %add3A_2136 : i32 to index
      %get3A_2138 = tpu.vector_load %arg18[%get3A_2137] {strides = array<i32>} : memref<36864xf32, #tpu.memory_space<vmem>>, vector<16xf32>,
      %add3A_2139 = arith.constant 16 : i32
      %add3A_2140 = arith.addi %squeeze3A_2102, %add3A_2139 : i32
      %get3A_2141 = arith.index_cast %add3A_2140 : i32 to index
      %get3A_2142 = tpu.vector_load %arg18[%get3A_2141] {strides = array<i32>} : memref<36864xf32, #tpu.memory_space<vmem>>, vector<16xf32>,
      %add3A_2143 = arith.addf %get3A_2138, %get3A_2142 : vector<16xf32>
      %add3A_2144 = arith.constant 16 : i32
      %add3A_2145 = arith.addi %squeeze3A_2104, %add3A_2144 : i32
      %get3A_2146 = arith.index_cast %add3A_2145 : i32 to index
      %get3A_2147 = tpu.vector_load %arg18[%get3A_2146] {strides = array<i32>} : memref<36864xf32, #tpu.memory_space<vmem>>, vector<16xf32>,
      %add3A_2148 = arith.addf %add3A_2143, %get3A_2147 : vector<16xf32>
      %add3A_2149 = arith.constant 16 : i32
      %add3A_2150 = arith.addi %squeeze3A_2106, %add3A_2149 : i32
      %get3A_2151 = arith.index_cast %add3A_2150 : i32 to index
      %get3A_2152 = tpu.vector_load %arg18[%get3A_2151] {strides = array<i32>} : memref<36864xf32, #tpu.memory_space<vmem>>, vector<16xf32>,
      %add3A_2153 = arith.addf %add3A_2148, %get3A_2152 : vector<16xf32>
      %mul3A_2154 = arith.constant 64 : i32
      %mul3A_2155 = arith.muli %add3A_2098, %mul3A_2154 : i32
      %add3A_2156 = arith.constant 16 : i32
      %add3A_2157 = arith.addi %mul3A_2155, %add3A_2156 : i32
      %get3A_2158 = arith.index_cast %add3A_2157 : i32 to index
      %get3A_2159 = tpu.vector_load %arg17[%get3A_2158] {strides = array<i32>} : memref<32768xf32, #tpu.memory_space<vmem>>, vector<16xf32>,
      %mul3A_2160 = arith.mulf %add3A_2153, %get3A_2159 : vector<16xf32>
      %mul3A_2161 = arith.mulf %mul3A_2160, %get3A_185 : vector<16xf32>
      %mul3A_2162 = arith.mulf %mul3A_2160, %get3A_201 : vector<16xf32>
      %add3A_2163 = arith.addf %mul3A_2133, %mul3A_2161 : vector<16xf32>
      %add3A_2164 = arith.addf %mul3A_2134, %mul3A_2162 : vector<16xf32>
      %add3A_2165 = arith.constant 32 : i32
      %add3A_2166 = arith.addi %squeeze3A_2100, %add3A_2165 : i32
      %get3A_2167 = arith.index_cast %add3A_2166 : i32 to index
      %get3A_2168 = tpu.vector_load %arg18[%get3A_2167] {strides = array<i32>} : memref<36864xf32, #tpu.memory_space<vmem>>, vector<16xf32>,
      %add3A_2169 = arith.constant 32 : i32
      %add3A_2170 = arith.addi %squeeze3A_2102, %add3A_2169 : i32
      %get3A_2171 = arith.index_cast %add3A_2170 : i32 to index
      %get3A_2172 = tpu.vector_load %arg18[%get3A_2171] {strides = array<i32>} : memref<36864xf32, #tpu.memory_space<vmem>>, vector<16xf32>,
      %add3A_2173 = arith.addf %get3A_2168, %get3A_2172 : vector<16xf32>
      %add3A_2174 = arith.constant 32 : i32
      %add3A_2175 = arith.addi %squeeze3A_2104, %add3A_2174 : i32
      %get3A_2176 = arith.index_cast %add3A_2175 : i32 to index
      %get3A_2177 = tpu.vector_load %arg18[%get3A_2176] {strides = array<i32>} : memref<36864xf32, #tpu.memory_space<vmem>>, vector<16xf32>,
      %add3A_2178 = arith.addf %add3A_2173, %get3A_2177 : vector<16xf32>
      %add3A_2179 = arith.constant 32 : i32
      %add3A_2180 = arith.addi %squeeze3A_2106, %add3A_2179 : i32
      %get3A_2181 = arith.index_cast %add3A_2180 : i32 to index
      %get3A_2182 = tpu.vector_load %arg18[%get3A_2181] {strides = array<i32>} : memref<36864xf32, #tpu.memory_space<vmem>>, vector<16xf32>,
      %add3A_2183 = arith.addf %add3A_2178, %get3A_2182 : vector<16xf32>
      %mul3A_2184 = arith.constant 64 : i32
      %mul3A_2185 = arith.muli %add3A_2098, %mul3A_2184 : i32
      %add3A_2186 = arith.constant 32 : i32
      %add3A_2187 = arith.addi %mul3A_2185, %add3A_2186 : i32
      %get3A_2188 = arith.index_cast %add3A_2187 : i32 to index
      %get3A_2189 = tpu.vector_load %arg17[%get3A_2188] {strides = array<i32>} : memref<32768xf32, #tpu.memory_space<vmem>>, vector<16xf32>,
      %mul3A_2190 = arith.mulf %add3A_2183, %get3A_2189 : vector<16xf32>
      %mul3A_2191 = arith.mulf %mul3A_2190, %get3A_189 : vector<16xf32>
      %mul3A_2192 = arith.mulf %mul3A_2190, %get3A_205 : vector<16xf32>
      %add3A_2193 = arith.addf %add3A_2163, %mul3A_2191 : vector<16xf32>
      %add3A_2194 = arith.addf %add3A_2164, %mul3A_2192 : vector<16xf32>
      %add3A_2195 = arith.constant 48 : i32
      %add3A_2196 = arith.addi %squeeze3A_2100, %add3A_2195 : i32
      %get3A_2197 = arith.index_cast %add3A_2196 : i32 to index
      %get3A_2198 = tpu.vector_load %arg18[%get3A_2197] {strides = array<i32>} : memref<36864xf32, #tpu.memory_space<vmem>>, vector<16xf32>,
      %add3A_2199 = arith.constant 48 : i32
      %add3A_2200 = arith.addi %squeeze3A_2102, %add3A_2199 : i32
      %get3A_2201 = arith.index_cast %add3A_2200 : i32 to index
      %get3A_2202 = tpu.vector_load %arg18[%get3A_2201] {strides = array<i32>} : memref<36864xf32, #tpu.memory_space<vmem>>, vector<16xf32>,
      %add3A_2203 = arith.addf %get3A_2198, %get3A_2202 : vector<16xf32>
      %add3A_2204 = arith.constant 48 : i32
      %add3A_2205 = arith.addi %squeeze3A_2104, %add3A_2204 : i32
      %get3A_2206 = arith.index_cast %add3A_2205 : i32 to index
      %get3A_2207 = tpu.vector_load %arg18[%get3A_2206] {strides = array<i32>} : memref<36864xf32, #tpu.memory_space<vmem>>, vector<16xf32>,
      %add3A_2208 = arith.addf %add3A_2203, %get3A_2207 : vector<16xf32>
      %add3A_2209 = arith.constant 48 : i32
      %add3A_2210 = arith.addi %squeeze3A_2106, %add3A_2209 : i32
      %get3A_2211 = arith.index_cast %add3A_2210 : i32 to index
      %get3A_2212 = tpu.vector_load %arg18[%get3A_2211] {strides = array<i32>} : memref<36864xf32, #tpu.memory_space<vmem>>, vector<16xf32>,
      %add3A_2213 = arith.addf %add3A_2208, %get3A_2212 : vector<16xf32>
      %mul3A_2214 = arith.constant 64 : i32
      %mul3A_2215 = arith.muli %add3A_2098, %mul3A_2214 : i32
      %add3A_2216 = arith.constant 48 : i32
      %add3A_2217 = arith.addi %mul3A_2215, %add3A_2216 : i32
      %get3A_2218 = arith.index_cast %add3A_2217 : i32 to index
      %get3A_2219 = tpu.vector_load %arg17[%get3A_2218] {strides = array<i32>} : memref<32768xf32, #tpu.memory_space<vmem>>, vector<16xf32>,
      %mul3A_2220 = arith.mulf %add3A_2213, %get3A_2219 : vector<16xf32>
      %mul3A_2221 = arith.mulf %mul3A_2220, %get3A_193 : vector<16xf32>
      %mul3A_2222 = arith.mulf %mul3A_2220, %get3A_209 : vector<16xf32>
      %add3A_2223 = arith.addf %add3A_2193, %mul3A_2221 : vector<16xf32>
      %add3A_2224 = arith.addf %add3A_2194, %mul3A_2222 : vector<16xf32>
      %mul3A_2225 = arith.constant 16 : i32
      %mul3A_2226 = arith.muli %add3A_2098, %mul3A_2225 : i32
      %swap3A_2227 = arith.index_cast %mul3A_2226 : i32 to index
      %swap3A_2228 = tpu.vector_load %arg22[%swap3A_2227] {strides = array<i32>} : memref<8192xf32, #tpu.memory_space<vmem>>, vector<16xf32>,
      tpu.vector_store %arg22[%swap3A_2227], %add3A_2223 {strides = array<i32>} : memref<8192xf32, #tpu.memory_space<vmem>>, vector<16xf32>,
      %mul3A_2229 = arith.constant 16 : i32
      %mul3A_2230 = arith.muli %add3A_2098, %mul3A_2229 : i32
      %swap3A_2231 = arith.index_cast %mul3A_2230 : i32 to index
      %swap3A_2232 = tpu.vector_load %arg23[%swap3A_2231] {strides = array<i32>} : memref<8192xf32, #tpu.memory_space<vmem>>, vector<16xf32>,
      tpu.vector_store %arg23[%swap3A_2231], %add3A_2224 {strides = array<i32>} : memref<8192xf32, #tpu.memory_space<vmem>>, vector<16xf32>,
      %mul3A_2233 = arith.constant 16 : i32
      %mul3A_2234 = arith.muli %scan3A_215, %mul3A_2233 : i32
      %add3A_2235 = arith.constant 14 : i32
      %add3A_2236 = arith.addi %mul3A_2234, %add3A_2235 : i32
      %slice3A_2237 = vector.extract_strided_slice %mul3A_294 {offsets = [14], sizes = [1], strides = [1]} : vector<16xi32> to vector<1xi32>
      %squeeze3A_2238 = vector.extract %slice3A_2237[0] : i32 from vector<1xi32>
      %slice3A_2239 = vector.extract_strided_slice %mul3A_297 {offsets = [14], sizes = [1], strides = [1]} : vector<16xi32> to vector<1xi32>
      %squeeze3A_2240 = vector.extract %slice3A_2239[0] : i32 from vector<1xi32>
      %slice3A_2241 = vector.extract_strided_slice %mul3A_300 {offsets = [14], sizes = [1], strides = [1]} : vector<16xi32> to vector<1xi32>
      %squeeze3A_2242 = vector.extract %slice3A_2241[0] : i32 from vector<1xi32>
      %slice3A_2243 = vector.extract_strided_slice %mul3A_303 {offsets = [14], sizes = [1], strides = [1]} : vector<16xi32> to vector<1xi32>
      %squeeze3A_2244 = vector.extract %slice3A_2243[0] : i32 from vector<1xi32>
      %add3A_2245 = arith.constant 0 : i32
      %add3A_2246 = arith.addi %squeeze3A_2238, %add3A_2245 : i32
      %get3A_2247 = arith.index_cast %add3A_2246 : i32 to index
      %get3A_2248 = tpu.vector_load %arg18[%get3A_2247] {strides = array<i32>} : memref<36864xf32, #tpu.memory_space<vmem>>, vector<16xf32>,
      %add3A_2249 = arith.constant 0 : i32
      %add3A_2250 = arith.addi %squeeze3A_2240, %add3A_2249 : i32
      %get3A_2251 = arith.index_cast %add3A_2250 : i32 to index
      %get3A_2252 = tpu.vector_load %arg18[%get3A_2251] {strides = array<i32>} : memref<36864xf32, #tpu.memory_space<vmem>>, vector<16xf32>,
      %add3A_2253 = arith.addf %get3A_2248, %get3A_2252 : vector<16xf32>
      %add3A_2254 = arith.constant 0 : i32
      %add3A_2255 = arith.addi %squeeze3A_2242, %add3A_2254 : i32
      %get3A_2256 = arith.index_cast %add3A_2255 : i32 to index
      %get3A_2257 = tpu.vector_load %arg18[%get3A_2256] {strides = array<i32>} : memref<36864xf32, #tpu.memory_space<vmem>>, vector<16xf32>,
      %add3A_2258 = arith.addf %add3A_2253, %get3A_2257 : vector<16xf32>
      %add3A_2259 = arith.constant 0 : i32
      %add3A_2260 = arith.addi %squeeze3A_2244, %add3A_2259 : i32
      %get3A_2261 = arith.index_cast %add3A_2260 : i32 to index
      %get3A_2262 = tpu.vector_load %arg18[%get3A_2261] {strides = array<i32>} : memref<36864xf32, #tpu.memory_space<vmem>>, vector<16xf32>,
      %add3A_2263 = arith.addf %add3A_2258, %get3A_2262 : vector<16xf32>
      %mul3A_2264 = arith.constant 64 : i32
      %mul3A_2265 = arith.muli %add3A_2236, %mul3A_2264 : i32
      %add3A_2266 = arith.constant 0 : i32
      %add3A_2267 = arith.addi %mul3A_2265, %add3A_2266 : i32
      %get3A_2268 = arith.index_cast %add3A_2267 : i32 to index
      %get3A_2269 = tpu.vector_load %arg17[%get3A_2268] {strides = array<i32>} : memref<32768xf32, #tpu.memory_space<vmem>>, vector<16xf32>,
      %mul3A_2270 = arith.mulf %add3A_2263, %get3A_2269 : vector<16xf32>
      %mul3A_2271 = arith.mulf %mul3A_2270, %get3A_181 : vector<16xf32>
      %mul3A_2272 = arith.mulf %mul3A_2270, %get3A_197 : vector<16xf32>
      %add3A_2273 = arith.constant 16 : i32
      %add3A_2274 = arith.addi %squeeze3A_2238, %add3A_2273 : i32
      %get3A_2275 = arith.index_cast %add3A_2274 : i32 to index
      %get3A_2276 = tpu.vector_load %arg18[%get3A_2275] {strides = array<i32>} : memref<36864xf32, #tpu.memory_space<vmem>>, vector<16xf32>,
      %add3A_2277 = arith.constant 16 : i32
      %add3A_2278 = arith.addi %squeeze3A_2240, %add3A_2277 : i32
      %get3A_2279 = arith.index_cast %add3A_2278 : i32 to index
      %get3A_2280 = tpu.vector_load %arg18[%get3A_2279] {strides = array<i32>} : memref<36864xf32, #tpu.memory_space<vmem>>, vector<16xf32>,
      %add3A_2281 = arith.addf %get3A_2276, %get3A_2280 : vector<16xf32>
      %add3A_2282 = arith.constant 16 : i32
      %add3A_2283 = arith.addi %squeeze3A_2242, %add3A_2282 : i32
      %get3A_2284 = arith.index_cast %add3A_2283 : i32 to index
      %get3A_2285 = tpu.vector_load %arg18[%get3A_2284] {strides = array<i32>} : memref<36864xf32, #tpu.memory_space<vmem>>, vector<16xf32>,
      %add3A_2286 = arith.addf %add3A_2281, %get3A_2285 : vector<16xf32>
      %add3A_2287 = arith.constant 16 : i32
      %add3A_2288 = arith.addi %squeeze3A_2244, %add3A_2287 : i32
      %get3A_2289 = arith.index_cast %add3A_2288 : i32 to index
      %get3A_2290 = tpu.vector_load %arg18[%get3A_2289] {strides = array<i32>} : memref<36864xf32, #tpu.memory_space<vmem>>, vector<16xf32>,
      %add3A_2291 = arith.addf %add3A_2286, %get3A_2290 : vector<16xf32>
      %mul3A_2292 = arith.constant 64 : i32
      %mul3A_2293 = arith.muli %add3A_2236, %mul3A_2292 : i32
      %add3A_2294 = arith.constant 16 : i32
      %add3A_2295 = arith.addi %mul3A_2293, %add3A_2294 : i32
      %get3A_2296 = arith.index_cast %add3A_2295 : i32 to index
      %get3A_2297 = tpu.vector_load %arg17[%get3A_2296] {strides = array<i32>} : memref<32768xf32, #tpu.memory_space<vmem>>, vector<16xf32>,
      %mul3A_2298 = arith.mulf %add3A_2291, %get3A_2297 : vector<16xf32>
      %mul3A_2299 = arith.mulf %mul3A_2298, %get3A_185 : vector<16xf32>
      %mul3A_2300 = arith.mulf %mul3A_2298, %get3A_201 : vector<16xf32>
      %add3A_2301 = arith.addf %mul3A_2271, %mul3A_2299 : vector<16xf32>
      %add3A_2302 = arith.addf %mul3A_2272, %mul3A_2300 : vector<16xf32>
      %add3A_2303 = arith.constant 32 : i32
      %add3A_2304 = arith.addi %squeeze3A_2238, %add3A_2303 : i32
      %get3A_2305 = arith.index_cast %add3A_2304 : i32 to index
      %get3A_2306 = tpu.vector_load %arg18[%get3A_2305] {strides = array<i32>} : memref<36864xf32, #tpu.memory_space<vmem>>, vector<16xf32>,
      %add3A_2307 = arith.constant 32 : i32
      %add3A_2308 = arith.addi %squeeze3A_2240, %add3A_2307 : i32
      %get3A_2309 = arith.index_cast %add3A_2308 : i32 to index
      %get3A_2310 = tpu.vector_load %arg18[%get3A_2309] {strides = array<i32>} : memref<36864xf32, #tpu.memory_space<vmem>>, vector<16xf32>,
      %add3A_2311 = arith.addf %get3A_2306, %get3A_2310 : vector<16xf32>
      %add3A_2312 = arith.constant 32 : i32
      %add3A_2313 = arith.addi %squeeze3A_2242, %add3A_2312 : i32
      %get3A_2314 = arith.index_cast %add3A_2313 : i32 to index
      %get3A_2315 = tpu.vector_load %arg18[%get3A_2314] {strides = array<i32>} : memref<36864xf32, #tpu.memory_space<vmem>>, vector<16xf32>,
      %add3A_2316 = arith.addf %add3A_2311, %get3A_2315 : vector<16xf32>
      %add3A_2317 = arith.constant 32 : i32
      %add3A_2318 = arith.addi %squeeze3A_2244, %add3A_2317 : i32
      %get3A_2319 = arith.index_cast %add3A_2318 : i32 to index
      %get3A_2320 = tpu.vector_load %arg18[%get3A_2319] {strides = array<i32>} : memref<36864xf32, #tpu.memory_space<vmem>>, vector<16xf32>,
      %add3A_2321 = arith.addf %add3A_2316, %get3A_2320 : vector<16xf32>
      %mul3A_2322 = arith.constant 64 : i32
      %mul3A_2323 = arith.muli %add3A_2236, %mul3A_2322 : i32
      %add3A_2324 = arith.constant 32 : i32
      %add3A_2325 = arith.addi %mul3A_2323, %add3A_2324 : i32
      %get3A_2326 = arith.index_cast %add3A_2325 : i32 to index
      %get3A_2327 = tpu.vector_load %arg17[%get3A_2326] {strides = array<i32>} : memref<32768xf32, #tpu.memory_space<vmem>>, vector<16xf32>,
      %mul3A_2328 = arith.mulf %add3A_2321, %get3A_2327 : vector<16xf32>
      %mul3A_2329 = arith.mulf %mul3A_2328, %get3A_189 : vector<16xf32>
      %mul3A_2330 = arith.mulf %mul3A_2328, %get3A_205 : vector<16xf32>
      %add3A_2331 = arith.addf %add3A_2301, %mul3A_2329 : vector<16xf32>
      %add3A_2332 = arith.addf %add3A_2302, %mul3A_2330 : vector<16xf32>
      %add3A_2333 = arith.constant 48 : i32
      %add3A_2334 = arith.addi %squeeze3A_2238, %add3A_2333 : i32
      %get3A_2335 = arith.index_cast %add3A_2334 : i32 to index
      %get3A_2336 = tpu.vector_load %arg18[%get3A_2335] {strides = array<i32>} : memref<36864xf32, #tpu.memory_space<vmem>>, vector<16xf32>,
      %add3A_2337 = arith.constant 48 : i32
      %add3A_2338 = arith.addi %squeeze3A_2240, %add3A_2337 : i32
      %get3A_2339 = arith.index_cast %add3A_2338 : i32 to index
      %get3A_2340 = tpu.vector_load %arg18[%get3A_2339] {strides = array<i32>} : memref<36864xf32, #tpu.memory_space<vmem>>, vector<16xf32>,
      %add3A_2341 = arith.addf %get3A_2336, %get3A_2340 : vector<16xf32>
      %add3A_2342 = arith.constant 48 : i32
      %add3A_2343 = arith.addi %squeeze3A_2242, %add3A_2342 : i32
      %get3A_2344 = arith.index_cast %add3A_2343 : i32 to index
      %get3A_2345 = tpu.vector_load %arg18[%get3A_2344] {strides = array<i32>} : memref<36864xf32, #tpu.memory_space<vmem>>, vector<16xf32>,
      %add3A_2346 = arith.addf %add3A_2341, %get3A_2345 : vector<16xf32>
      %add3A_2347 = arith.constant 48 : i32
      %add3A_2348 = arith.addi %squeeze3A_2244, %add3A_2347 : i32
      %get3A_2349 = arith.index_cast %add3A_2348 : i32 to index
      %get3A_2350 = tpu.vector_load %arg18[%get3A_2349] {strides = array<i32>} : memref<36864xf32, #tpu.memory_space<vmem>>, vector<16xf32>,
      %add3A_2351 = arith.addf %add3A_2346, %get3A_2350 : vector<16xf32>
      %mul3A_2352 = arith.constant 64 : i32
      %mul3A_2353 = arith.muli %add3A_2236, %mul3A_2352 : i32
      %add3A_2354 = arith.constant 48 : i32
      %add3A_2355 = arith.addi %mul3A_2353, %add3A_2354 : i32
      %get3A_2356 = arith.index_cast %add3A_2355 : i32 to index
      %get3A_2357 = tpu.vector_load %arg17[%get3A_2356] {strides = array<i32>} : memref<32768xf32, #tpu.memory_space<vmem>>, vector<16xf32>,
      %mul3A_2358 = arith.mulf %add3A_2351, %get3A_2357 : vector<16xf32>
      %mul3A_2359 = arith.mulf %mul3A_2358, %get3A_193 : vector<16xf32>
      %mul3A_2360 = arith.mulf %mul3A_2358, %get3A_209 : vector<16xf32>
      %add3A_2361 = arith.addf %add3A_2331, %mul3A_2359 : vector<16xf32>
      %add3A_2362 = arith.addf %add3A_2332, %mul3A_2360 : vector<16xf32>
      %mul3A_2363 = arith.constant 16 : i32
      %mul3A_2364 = arith.muli %add3A_2236, %mul3A_2363 : i32
      %swap3A_2365 = arith.index_cast %mul3A_2364 : i32 to index
      %swap3A_2366 = tpu.vector_load %arg22[%swap3A_2365] {strides = array<i32>} : memref<8192xf32, #tpu.memory_space<vmem>>, vector<16xf32>,
      tpu.vector_store %arg22[%swap3A_2365], %add3A_2361 {strides = array<i32>} : memref<8192xf32, #tpu.memory_space<vmem>>, vector<16xf32>,
      %mul3A_2367 = arith.constant 16 : i32
      %mul3A_2368 = arith.muli %add3A_2236, %mul3A_2367 : i32
      %swap3A_2369 = arith.index_cast %mul3A_2368 : i32 to index
      %swap3A_2370 = tpu.vector_load %arg23[%swap3A_2369] {strides = array<i32>} : memref<8192xf32, #tpu.memory_space<vmem>>, vector<16xf32>,
      tpu.vector_store %arg23[%swap3A_2369], %add3A_2362 {strides = array<i32>} : memref<8192xf32, #tpu.memory_space<vmem>>, vector<16xf32>,
      %mul3A_2371 = arith.constant 16 : i32
      %mul3A_2372 = arith.muli %scan3A_215, %mul3A_2371 : i32
      %add3A_2373 = arith.constant 15 : i32
      %add3A_2374 = arith.addi %mul3A_2372, %add3A_2373 : i32
      %slice3A_2375 = vector.extract_strided_slice %mul3A_294 {offsets = [15], sizes = [1], strides = [1]} : vector<16xi32> to vector<1xi32>
      %squeeze3A_2376 = vector.extract %slice3A_2375[0] : i32 from vector<1xi32>
      %slice3A_2377 = vector.extract_strided_slice %mul3A_297 {offsets = [15], sizes = [1], strides = [1]} : vector<16xi32> to vector<1xi32>
      %squeeze3A_2378 = vector.extract %slice3A_2377[0] : i32 from vector<1xi32>
      %slice3A_2379 = vector.extract_strided_slice %mul3A_300 {offsets = [15], sizes = [1], strides = [1]} : vector<16xi32> to vector<1xi32>
      %squeeze3A_2380 = vector.extract %slice3A_2379[0] : i32 from vector<1xi32>
      %slice3A_2381 = vector.extract_strided_slice %mul3A_303 {offsets = [15], sizes = [1], strides = [1]} : vector<16xi32> to vector<1xi32>
      %squeeze3A_2382 = vector.extract %slice3A_2381[0] : i32 from vector<1xi32>
      %add3A_2383 = arith.constant 0 : i32
      %add3A_2384 = arith.addi %squeeze3A_2376, %add3A_2383 : i32
      %get3A_2385 = arith.index_cast %add3A_2384 : i32 to index
      %get3A_2386 = tpu.vector_load %arg18[%get3A_2385] {strides = array<i32>} : memref<36864xf32, #tpu.memory_space<vmem>>, vector<16xf32>,
      %add3A_2387 = arith.constant 0 : i32
      %add3A_2388 = arith.addi %squeeze3A_2378, %add3A_2387 : i32
      %get3A_2389 = arith.index_cast %add3A_2388 : i32 to index
      %get3A_2390 = tpu.vector_load %arg18[%get3A_2389] {strides = array<i32>} : memref<36864xf32, #tpu.memory_space<vmem>>, vector<16xf32>,
      %add3A_2391 = arith.addf %get3A_2386, %get3A_2390 : vector<16xf32>
      %add3A_2392 = arith.constant 0 : i32
      %add3A_2393 = arith.addi %squeeze3A_2380, %add3A_2392 : i32
      %get3A_2394 = arith.index_cast %add3A_2393 : i32 to index
      %get3A_2395 = tpu.vector_load %arg18[%get3A_2394] {strides = array<i32>} : memref<36864xf32, #tpu.memory_space<vmem>>, vector<16xf32>,
      %add3A_2396 = arith.addf %add3A_2391, %get3A_2395 : vector<16xf32>
      %add3A_2397 = arith.constant 0 : i32
      %add3A_2398 = arith.addi %squeeze3A_2382, %add3A_2397 : i32
      %get3A_2399 = arith.index_cast %add3A_2398 : i32 to index
      %get3A_2400 = tpu.vector_load %arg18[%get3A_2399] {strides = array<i32>} : memref<36864xf32, #tpu.memory_space<vmem>>, vector<16xf32>,
      %add3A_2401 = arith.addf %add3A_2396, %get3A_2400 : vector<16xf32>
      %mul3A_2402 = arith.constant 64 : i32
      %mul3A_2403 = arith.muli %add3A_2374, %mul3A_2402 : i32
      %add3A_2404 = arith.constant 0 : i32
      %add3A_2405 = arith.addi %mul3A_2403, %add3A_2404 : i32
      %get3A_2406 = arith.index_cast %add3A_2405 : i32 to index
      %get3A_2407 = tpu.vector_load %arg17[%get3A_2406] {strides = array<i32>} : memref<32768xf32, #tpu.memory_space<vmem>>, vector<16xf32>,
      %mul3A_2408 = arith.mulf %add3A_2401, %get3A_2407 : vector<16xf32>
      %mul3A_2409 = arith.mulf %mul3A_2408, %get3A_181 : vector<16xf32>
      %mul3A_2410 = arith.mulf %mul3A_2408, %get3A_197 : vector<16xf32>
      %add3A_2411 = arith.constant 16 : i32
      %add3A_2412 = arith.addi %squeeze3A_2376, %add3A_2411 : i32
      %get3A_2413 = arith.index_cast %add3A_2412 : i32 to index
      %get3A_2414 = tpu.vector_load %arg18[%get3A_2413] {strides = array<i32>} : memref<36864xf32, #tpu.memory_space<vmem>>, vector<16xf32>,
      %add3A_2415 = arith.constant 16 : i32
      %add3A_2416 = arith.addi %squeeze3A_2378, %add3A_2415 : i32
      %get3A_2417 = arith.index_cast %add3A_2416 : i32 to index
      %get3A_2418 = tpu.vector_load %arg18[%get3A_2417] {strides = array<i32>} : memref<36864xf32, #tpu.memory_space<vmem>>, vector<16xf32>,
      %add3A_2419 = arith.addf %get3A_2414, %get3A_2418 : vector<16xf32>
      %add3A_2420 = arith.constant 16 : i32
      %add3A_2421 = arith.addi %squeeze3A_2380, %add3A_2420 : i32
      %get3A_2422 = arith.index_cast %add3A_2421 : i32 to index
      %get3A_2423 = tpu.vector_load %arg18[%get3A_2422] {strides = array<i32>} : memref<36864xf32, #tpu.memory_space<vmem>>, vector<16xf32>,
      %add3A_2424 = arith.addf %add3A_2419, %get3A_2423 : vector<16xf32>
      %add3A_2425 = arith.constant 16 : i32
      %add3A_2426 = arith.addi %squeeze3A_2382, %add3A_2425 : i32
      %get3A_2427 = arith.index_cast %add3A_2426 : i32 to index
      %get3A_2428 = tpu.vector_load %arg18[%get3A_2427] {strides = array<i32>} : memref<36864xf32, #tpu.memory_space<vmem>>, vector<16xf32>,
      %add3A_2429 = arith.addf %add3A_2424, %get3A_2428 : vector<16xf32>
      %mul3A_2430 = arith.constant 64 : i32
      %mul3A_2431 = arith.muli %add3A_2374, %mul3A_2430 : i32
      %add3A_2432 = arith.constant 16 : i32
      %add3A_2433 = arith.addi %mul3A_2431, %add3A_2432 : i32
      %get3A_2434 = arith.index_cast %add3A_2433 : i32 to index
      %get3A_2435 = tpu.vector_load %arg17[%get3A_2434] {strides = array<i32>} : memref<32768xf32, #tpu.memory_space<vmem>>, vector<16xf32>,
      %mul3A_2436 = arith.mulf %add3A_2429, %get3A_2435 : vector<16xf32>
      %mul3A_2437 = arith.mulf %mul3A_2436, %get3A_185 : vector<16xf32>
      %mul3A_2438 = arith.mulf %mul3A_2436, %get3A_201 : vector<16xf32>
      %add3A_2439 = arith.addf %mul3A_2409, %mul3A_2437 : vector<16xf32>
      %add3A_2440 = arith.addf %mul3A_2410, %mul3A_2438 : vector<16xf32>
      %add3A_2441 = arith.constant 32 : i32
      %add3A_2442 = arith.addi %squeeze3A_2376, %add3A_2441 : i32
      %get3A_2443 = arith.index_cast %add3A_2442 : i32 to index
      %get3A_2444 = tpu.vector_load %arg18[%get3A_2443] {strides = array<i32>} : memref<36864xf32, #tpu.memory_space<vmem>>, vector<16xf32>,
      %add3A_2445 = arith.constant 32 : i32
      %add3A_2446 = arith.addi %squeeze3A_2378, %add3A_2445 : i32
      %get3A_2447 = arith.index_cast %add3A_2446 : i32 to index
      %get3A_2448 = tpu.vector_load %arg18[%get3A_2447] {strides = array<i32>} : memref<36864xf32, #tpu.memory_space<vmem>>, vector<16xf32>,
      %add3A_2449 = arith.addf %get3A_2444, %get3A_2448 : vector<16xf32>
      %add3A_2450 = arith.constant 32 : i32
      %add3A_2451 = arith.addi %squeeze3A_2380, %add3A_2450 : i32
      %get3A_2452 = arith.index_cast %add3A_2451 : i32 to index
      %get3A_2453 = tpu.vector_load %arg18[%get3A_2452] {strides = array<i32>} : memref<36864xf32, #tpu.memory_space<vmem>>, vector<16xf32>,
      %add3A_2454 = arith.addf %add3A_2449, %get3A_2453 : vector<16xf32>
      %add3A_2455 = arith.constant 32 : i32
      %add3A_2456 = arith.addi %squeeze3A_2382, %add3A_2455 : i32
      %get3A_2457 = arith.index_cast %add3A_2456 : i32 to index
      %get3A_2458 = tpu.vector_load %arg18[%get3A_2457] {strides = array<i32>} : memref<36864xf32, #tpu.memory_space<vmem>>, vector<16xf32>,
      %add3A_2459 = arith.addf %add3A_2454, %get3A_2458 : vector<16xf32>
      %mul3A_2460 = arith.constant 64 : i32
      %mul3A_2461 = arith.muli %add3A_2374, %mul3A_2460 : i32
      %add3A_2462 = arith.constant 32 : i32
      %add3A_2463 = arith.addi %mul3A_2461, %add3A_2462 : i32
      %get3A_2464 = arith.index_cast %add3A_2463 : i32 to index
      %get3A_2465 = tpu.vector_load %arg17[%get3A_2464] {strides = array<i32>} : memref<32768xf32, #tpu.memory_space<vmem>>, vector<16xf32>,
      %mul3A_2466 = arith.mulf %add3A_2459, %get3A_2465 : vector<16xf32>
      %mul3A_2467 = arith.mulf %mul3A_2466, %get3A_189 : vector<16xf32>
      %mul3A_2468 = arith.mulf %mul3A_2466, %get3A_205 : vector<16xf32>
      %add3A_2469 = arith.addf %add3A_2439, %mul3A_2467 : vector<16xf32>
      %add3A_2470 = arith.addf %add3A_2440, %mul3A_2468 : vector<16xf32>
      %add3A_2471 = arith.constant 48 : i32
      %add3A_2472 = arith.addi %squeeze3A_2376, %add3A_2471 : i32
      %get3A_2473 = arith.index_cast %add3A_2472 : i32 to index
      %get3A_2474 = tpu.vector_load %arg18[%get3A_2473] {strides = array<i32>} : memref<36864xf32, #tpu.memory_space<vmem>>, vector<16xf32>,
      %add3A_2475 = arith.constant 48 : i32
      %add3A_2476 = arith.addi %squeeze3A_2378, %add3A_2475 : i32
      %get3A_2477 = arith.index_cast %add3A_2476 : i32 to index
      %get3A_2478 = tpu.vector_load %arg18[%get3A_2477] {strides = array<i32>} : memref<36864xf32, #tpu.memory_space<vmem>>, vector<16xf32>,
      %add3A_2479 = arith.addf %get3A_2474, %get3A_2478 : vector<16xf32>
      %add3A_2480 = arith.constant 48 : i32
      %add3A_2481 = arith.addi %squeeze3A_2380, %add3A_2480 : i32
      %get3A_2482 = arith.index_cast %add3A_2481 : i32 to index
      %get3A_2483 = tpu.vector_load %arg18[%get3A_2482] {strides = array<i32>} : memref<36864xf32, #tpu.memory_space<vmem>>, vector<16xf32>,
      %add3A_2484 = arith.addf %add3A_2479, %get3A_2483 : vector<16xf32>
      %add3A_2485 = arith.constant 48 : i32
      %add3A_2486 = arith.addi %squeeze3A_2382, %add3A_2485 : i32
      %get3A_2487 = arith.index_cast %add3A_2486 : i32 to index
      %get3A_2488 = tpu.vector_load %arg18[%get3A_2487] {strides = array<i32>} : memref<36864xf32, #tpu.memory_space<vmem>>, vector<16xf32>,
      %add3A_2489 = arith.addf %add3A_2484, %get3A_2488 : vector<16xf32>
      %mul3A_2490 = arith.constant 64 : i32
      %mul3A_2491 = arith.muli %add3A_2374, %mul3A_2490 : i32
      %add3A_2492 = arith.constant 48 : i32
      %add3A_2493 = arith.addi %mul3A_2491, %add3A_2492 : i32
      %get3A_2494 = arith.index_cast %add3A_2493 : i32 to index
      %get3A_2495 = tpu.vector_load %arg17[%get3A_2494] {strides = array<i32>} : memref<32768xf32, #tpu.memory_space<vmem>>, vector<16xf32>,
      %mul3A_2496 = arith.mulf %add3A_2489, %get3A_2495 : vector<16xf32>
      %mul3A_2497 = arith.mulf %mul3A_2496, %get3A_193 : vector<16xf32>
      %mul3A_2498 = arith.mulf %mul3A_2496, %get3A_209 : vector<16xf32>
      %add3A_2499 = arith.addf %add3A_2469, %mul3A_2497 : vector<16xf32>
      %add3A_2500 = arith.addf %add3A_2470, %mul3A_2498 : vector<16xf32>
      %mul3A_2501 = arith.constant 16 : i32
      %mul3A_2502 = arith.muli %add3A_2374, %mul3A_2501 : i32
      %swap3A_2503 = arith.index_cast %mul3A_2502 : i32 to index
      %swap3A_2504 = tpu.vector_load %arg22[%swap3A_2503] {strides = array<i32>} : memref<8192xf32, #tpu.memory_space<vmem>>, vector<16xf32>,
      tpu.vector_store %arg22[%swap3A_2503], %add3A_2499 {strides = array<i32>} : memref<8192xf32, #tpu.memory_space<vmem>>, vector<16xf32>,
      %mul3A_2505 = arith.constant 16 : i32
      %mul3A_2506 = arith.muli %add3A_2374, %mul3A_2505 : i32
      %swap3A_2507 = arith.index_cast %mul3A_2506 : i32 to index
      %swap3A_2508 = tpu.vector_load %arg23[%swap3A_2507] {strides = array<i32>} : memref<8192xf32, #tpu.memory_space<vmem>>, vector<16xf32>,
      tpu.vector_store %arg23[%swap3A_2507], %add3A_2500 {strides = array<i32>} : memref<8192xf32, #tpu.memory_space<vmem>>, vector<16xf32>,
      %mul3A_2509 = arith.constant 16 : i32
      %mul3A_2510 = arith.muli %scan3A_215, %mul3A_2509 : i32
      %add3A_2511 = vector.broadcast %mul3A_2510 : i32 to vector<16xi32>
      %add3A_2512 = arith.addi %add3A_2511, %iota3A : vector<16xi32>
      %mul3A_2513 = arith.constant 16 : i32
      %mul3A_2514 = vector.broadcast %mul3A_2513 : i32 to vector<16xi32>
      %mul3A_2515 = arith.muli %add3A_2512, %mul3A_2514 : vector<16xi32>
      %gather3A = tpu.vector_load_idx %arg22[%mul3A_2515] : memref<8192xf32, #tpu.memory_space<vmem>>[vector<16xi32>], vector<16xf32>,
      %gather3A_2516 = tpu.vector_load_idx %arg23[%mul3A_2515] : memref<8192xf32, #tpu.memory_space<vmem>>[vector<16xi32>], vector<16xf32>,
      %add3A_2517 = arith.constant 1 : i32
      %add3A_2518 = vector.broadcast %add3A_2517 : i32 to vector<16xi32>
      %add3A_2519 = arith.addi %mul3A_2515, %add3A_2518 : vector<16xi32>
      %gather3A_2520 = tpu.vector_load_idx %arg22[%add3A_2519] : memref<8192xf32, #tpu.memory_space<vmem>>[vector<16xi32>], vector<16xf32>,
      %add3A_2521 = arith.addf %gather3A, %gather3A_2520 : vector<16xf32>
      %add3A_2522 = arith.constant 1 : i32
      %add3A_2523 = vector.broadcast %add3A_2522 : i32 to vector<16xi32>
      %add3A_2524 = arith.addi %mul3A_2515, %add3A_2523 : vector<16xi32>
      %gather3A_2525 = tpu.vector_load_idx %arg23[%add3A_2524] : memref<8192xf32, #tpu.memory_space<vmem>>[vector<16xi32>], vector<16xf32>,
      %add3A_2526 = arith.addf %gather3A_2516, %gather3A_2525 : vector<16xf32>
      %add3A_2527 = arith.constant 2 : i32
      %add3A_2528 = vector.broadcast %add3A_2527 : i32 to vector<16xi32>
      %add3A_2529 = arith.addi %mul3A_2515, %add3A_2528 : vector<16xi32>
      %gather3A_2530 = tpu.vector_load_idx %arg22[%add3A_2529] : memref<8192xf32, #tpu.memory_space<vmem>>[vector<16xi32>], vector<16xf32>,
      %add3A_2531 = arith.addf %add3A_2521, %gather3A_2530 : vector<16xf32>
      %add3A_2532 = arith.constant 2 : i32
      %add3A_2533 = vector.broadcast %add3A_2532 : i32 to vector<16xi32>
      %add3A_2534 = arith.addi %mul3A_2515, %add3A_2533 : vector<16xi32>
      %gather3A_2535 = tpu.vector_load_idx %arg23[%add3A_2534] : memref<8192xf32, #tpu.memory_space<vmem>>[vector<16xi32>], vector<16xf32>,
      %add3A_2536 = arith.addf %add3A_2526, %gather3A_2535 : vector<16xf32>
      %add3A_2537 = arith.constant 3 : i32
      %add3A_2538 = vector.broadcast %add3A_2537 : i32 to vector<16xi32>
      %add3A_2539 = arith.addi %mul3A_2515, %add3A_2538 : vector<16xi32>
      %gather3A_2540 = tpu.vector_load_idx %arg22[%add3A_2539] : memref<8192xf32, #tpu.memory_space<vmem>>[vector<16xi32>], vector<16xf32>,
      %add3A_2541 = arith.addf %add3A_2531, %gather3A_2540 : vector<16xf32>
      %add3A_2542 = arith.constant 3 : i32
      %add3A_2543 = vector.broadcast %add3A_2542 : i32 to vector<16xi32>
      %add3A_2544 = arith.addi %mul3A_2515, %add3A_2543 : vector<16xi32>
      %gather3A_2545 = tpu.vector_load_idx %arg23[%add3A_2544] : memref<8192xf32, #tpu.memory_space<vmem>>[vector<16xi32>], vector<16xf32>,
      %add3A_2546 = arith.addf %add3A_2536, %gather3A_2545 : vector<16xf32>
      %add3A_2547 = arith.constant 4 : i32
      %add3A_2548 = vector.broadcast %add3A_2547 : i32 to vector<16xi32>
      %add3A_2549 = arith.addi %mul3A_2515, %add3A_2548 : vector<16xi32>
      %gather3A_2550 = tpu.vector_load_idx %arg22[%add3A_2549] : memref<8192xf32, #tpu.memory_space<vmem>>[vector<16xi32>], vector<16xf32>,
      %add3A_2551 = arith.addf %add3A_2541, %gather3A_2550 : vector<16xf32>
      %add3A_2552 = arith.constant 4 : i32
      %add3A_2553 = vector.broadcast %add3A_2552 : i32 to vector<16xi32>
      %add3A_2554 = arith.addi %mul3A_2515, %add3A_2553 : vector<16xi32>
      %gather3A_2555 = tpu.vector_load_idx %arg23[%add3A_2554] : memref<8192xf32, #tpu.memory_space<vmem>>[vector<16xi32>], vector<16xf32>,
      %add3A_2556 = arith.addf %add3A_2546, %gather3A_2555 : vector<16xf32>
      %add3A_2557 = arith.constant 5 : i32
      %add3A_2558 = vector.broadcast %add3A_2557 : i32 to vector<16xi32>
      %add3A_2559 = arith.addi %mul3A_2515, %add3A_2558 : vector<16xi32>
      %gather3A_2560 = tpu.vector_load_idx %arg22[%add3A_2559] : memref<8192xf32, #tpu.memory_space<vmem>>[vector<16xi32>], vector<16xf32>,
      %add3A_2561 = arith.addf %add3A_2551, %gather3A_2560 : vector<16xf32>
      %add3A_2562 = arith.constant 5 : i32
      %add3A_2563 = vector.broadcast %add3A_2562 : i32 to vector<16xi32>
      %add3A_2564 = arith.addi %mul3A_2515, %add3A_2563 : vector<16xi32>
      %gather3A_2565 = tpu.vector_load_idx %arg23[%add3A_2564] : memref<8192xf32, #tpu.memory_space<vmem>>[vector<16xi32>], vector<16xf32>,
      %add3A_2566 = arith.addf %add3A_2556, %gather3A_2565 : vector<16xf32>
      %add3A_2567 = arith.constant 6 : i32
      %add3A_2568 = vector.broadcast %add3A_2567 : i32 to vector<16xi32>
      %add3A_2569 = arith.addi %mul3A_2515, %add3A_2568 : vector<16xi32>
      %gather3A_2570 = tpu.vector_load_idx %arg22[%add3A_2569] : memref<8192xf32, #tpu.memory_space<vmem>>[vector<16xi32>], vector<16xf32>,
      %add3A_2571 = arith.addf %add3A_2561, %gather3A_2570 : vector<16xf32>
      %add3A_2572 = arith.constant 6 : i32
      %add3A_2573 = vector.broadcast %add3A_2572 : i32 to vector<16xi32>
      %add3A_2574 = arith.addi %mul3A_2515, %add3A_2573 : vector<16xi32>
      %gather3A_2575 = tpu.vector_load_idx %arg23[%add3A_2574] : memref<8192xf32, #tpu.memory_space<vmem>>[vector<16xi32>], vector<16xf32>,
      %add3A_2576 = arith.addf %add3A_2566, %gather3A_2575 : vector<16xf32>
      %add3A_2577 = arith.constant 7 : i32
      %add3A_2578 = vector.broadcast %add3A_2577 : i32 to vector<16xi32>
      %add3A_2579 = arith.addi %mul3A_2515, %add3A_2578 : vector<16xi32>
      %gather3A_2580 = tpu.vector_load_idx %arg22[%add3A_2579] : memref<8192xf32, #tpu.memory_space<vmem>>[vector<16xi32>], vector<16xf32>,
      %add3A_2581 = arith.addf %add3A_2571, %gather3A_2580 : vector<16xf32>
      %add3A_2582 = arith.constant 7 : i32
      %add3A_2583 = vector.broadcast %add3A_2582 : i32 to vector<16xi32>
      %add3A_2584 = arith.addi %mul3A_2515, %add3A_2583 : vector<16xi32>
      %gather3A_2585 = tpu.vector_load_idx %arg23[%add3A_2584] : memref<8192xf32, #tpu.memory_space<vmem>>[vector<16xi32>], vector<16xf32>,
      %add3A_2586 = arith.addf %add3A_2576, %gather3A_2585 : vector<16xf32>
      %add3A_2587 = arith.constant 8 : i32
      %add3A_2588 = vector.broadcast %add3A_2587 : i32 to vector<16xi32>
      %add3A_2589 = arith.addi %mul3A_2515, %add3A_2588 : vector<16xi32>
      %gather3A_2590 = tpu.vector_load_idx %arg22[%add3A_2589] : memref<8192xf32, #tpu.memory_space<vmem>>[vector<16xi32>], vector<16xf32>,
      %add3A_2591 = arith.addf %add3A_2581, %gather3A_2590 : vector<16xf32>
      %add3A_2592 = arith.constant 8 : i32
      %add3A_2593 = vector.broadcast %add3A_2592 : i32 to vector<16xi32>
      %add3A_2594 = arith.addi %mul3A_2515, %add3A_2593 : vector<16xi32>
      %gather3A_2595 = tpu.vector_load_idx %arg23[%add3A_2594] : memref<8192xf32, #tpu.memory_space<vmem>>[vector<16xi32>], vector<16xf32>,
      %add3A_2596 = arith.addf %add3A_2586, %gather3A_2595 : vector<16xf32>
      %add3A_2597 = arith.constant 9 : i32
      %add3A_2598 = vector.broadcast %add3A_2597 : i32 to vector<16xi32>
      %add3A_2599 = arith.addi %mul3A_2515, %add3A_2598 : vector<16xi32>
      %gather3A_2600 = tpu.vector_load_idx %arg22[%add3A_2599] : memref<8192xf32, #tpu.memory_space<vmem>>[vector<16xi32>], vector<16xf32>,
      %add3A_2601 = arith.addf %add3A_2591, %gather3A_2600 : vector<16xf32>
      %add3A_2602 = arith.constant 9 : i32
      %add3A_2603 = vector.broadcast %add3A_2602 : i32 to vector<16xi32>
      %add3A_2604 = arith.addi %mul3A_2515, %add3A_2603 : vector<16xi32>
      %gather3A_2605 = tpu.vector_load_idx %arg23[%add3A_2604] : memref<8192xf32, #tpu.memory_space<vmem>>[vector<16xi32>], vector<16xf32>,
      %add3A_2606 = arith.addf %add3A_2596, %gather3A_2605 : vector<16xf32>
      %add3A_2607 = arith.constant 10 : i32
      %add3A_2608 = vector.broadcast %add3A_2607 : i32 to vector<16xi32>
      %add3A_2609 = arith.addi %mul3A_2515, %add3A_2608 : vector<16xi32>
      %gather3A_2610 = tpu.vector_load_idx %arg22[%add3A_2609] : memref<8192xf32, #tpu.memory_space<vmem>>[vector<16xi32>], vector<16xf32>,
      %add3A_2611 = arith.addf %add3A_2601, %gather3A_2610 : vector<16xf32>
      %add3A_2612 = arith.constant 10 : i32
      %add3A_2613 = vector.broadcast %add3A_2612 : i32 to vector<16xi32>
      %add3A_2614 = arith.addi %mul3A_2515, %add3A_2613 : vector<16xi32>
      %gather3A_2615 = tpu.vector_load_idx %arg23[%add3A_2614] : memref<8192xf32, #tpu.memory_space<vmem>>[vector<16xi32>], vector<16xf32>,
      %add3A_2616 = arith.addf %add3A_2606, %gather3A_2615 : vector<16xf32>
      %add3A_2617 = arith.constant 11 : i32
      %add3A_2618 = vector.broadcast %add3A_2617 : i32 to vector<16xi32>
      %add3A_2619 = arith.addi %mul3A_2515, %add3A_2618 : vector<16xi32>
      %gather3A_2620 = tpu.vector_load_idx %arg22[%add3A_2619] : memref<8192xf32, #tpu.memory_space<vmem>>[vector<16xi32>], vector<16xf32>,
      %add3A_2621 = arith.addf %add3A_2611, %gather3A_2620 : vector<16xf32>
      %add3A_2622 = arith.constant 11 : i32
      %add3A_2623 = vector.broadcast %add3A_2622 : i32 to vector<16xi32>
      %add3A_2624 = arith.addi %mul3A_2515, %add3A_2623 : vector<16xi32>
      %gather3A_2625 = tpu.vector_load_idx %arg23[%add3A_2624] : memref<8192xf32, #tpu.memory_space<vmem>>[vector<16xi32>], vector<16xf32>,
      %add3A_2626 = arith.addf %add3A_2616, %gather3A_2625 : vector<16xf32>
      %add3A_2627 = arith.constant 12 : i32
      %add3A_2628 = vector.broadcast %add3A_2627 : i32 to vector<16xi32>
      %add3A_2629 = arith.addi %mul3A_2515, %add3A_2628 : vector<16xi32>
      %gather3A_2630 = tpu.vector_load_idx %arg22[%add3A_2629] : memref<8192xf32, #tpu.memory_space<vmem>>[vector<16xi32>], vector<16xf32>,
      %add3A_2631 = arith.addf %add3A_2621, %gather3A_2630 : vector<16xf32>
      %add3A_2632 = arith.constant 12 : i32
      %add3A_2633 = vector.broadcast %add3A_2632 : i32 to vector<16xi32>
      %add3A_2634 = arith.addi %mul3A_2515, %add3A_2633 : vector<16xi32>
      %gather3A_2635 = tpu.vector_load_idx %arg23[%add3A_2634] : memref<8192xf32, #tpu.memory_space<vmem>>[vector<16xi32>], vector<16xf32>,
      %add3A_2636 = arith.addf %add3A_2626, %gather3A_2635 : vector<16xf32>
      %add3A_2637 = arith.constant 13 : i32
      %add3A_2638 = vector.broadcast %add3A_2637 : i32 to vector<16xi32>
      %add3A_2639 = arith.addi %mul3A_2515, %add3A_2638 : vector<16xi32>
      %gather3A_2640 = tpu.vector_load_idx %arg22[%add3A_2639] : memref<8192xf32, #tpu.memory_space<vmem>>[vector<16xi32>], vector<16xf32>,
      %add3A_2641 = arith.addf %add3A_2631, %gather3A_2640 : vector<16xf32>
      %add3A_2642 = arith.constant 13 : i32
      %add3A_2643 = vector.broadcast %add3A_2642 : i32 to vector<16xi32>
      %add3A_2644 = arith.addi %mul3A_2515, %add3A_2643 : vector<16xi32>
      %gather3A_2645 = tpu.vector_load_idx %arg23[%add3A_2644] : memref<8192xf32, #tpu.memory_space<vmem>>[vector<16xi32>], vector<16xf32>,
      %add3A_2646 = arith.addf %add3A_2636, %gather3A_2645 : vector<16xf32>
      %add3A_2647 = arith.constant 14 : i32
      %add3A_2648 = vector.broadcast %add3A_2647 : i32 to vector<16xi32>
      %add3A_2649 = arith.addi %mul3A_2515, %add3A_2648 : vector<16xi32>
      %gather3A_2650 = tpu.vector_load_idx %arg22[%add3A_2649] : memref<8192xf32, #tpu.memory_space<vmem>>[vector<16xi32>], vector<16xf32>,
      %add3A_2651 = arith.addf %add3A_2641, %gather3A_2650 : vector<16xf32>
      %add3A_2652 = arith.constant 14 : i32
      %add3A_2653 = vector.broadcast %add3A_2652 : i32 to vector<16xi32>
      %add3A_2654 = arith.addi %mul3A_2515, %add3A_2653 : vector<16xi32>
      %gather3A_2655 = tpu.vector_load_idx %arg23[%add3A_2654] : memref<8192xf32, #tpu.memory_space<vmem>>[vector<16xi32>], vector<16xf32>,
      %add3A_2656 = arith.addf %add3A_2646, %gather3A_2655 : vector<16xf32>
      %add3A_2657 = arith.constant 15 : i32
      %add3A_2658 = vector.broadcast %add3A_2657 : i32 to vector<16xi32>
      %add3A_2659 = arith.addi %mul3A_2515, %add3A_2658 : vector<16xi32>
      %gather3A_2660 = tpu.vector_load_idx %arg22[%add3A_2659] : memref<8192xf32, #tpu.memory_space<vmem>>[vector<16xi32>], vector<16xf32>,
      %add3A_2661 = arith.addf %add3A_2651, %gather3A_2660 : vector<16xf32>
      %add3A_2662 = arith.constant 15 : i32
      %add3A_2663 = vector.broadcast %add3A_2662 : i32 to vector<16xi32>
      %add3A_2664 = arith.addi %mul3A_2515, %add3A_2663 : vector<16xi32>
      %gather3A_2665 = tpu.vector_load_idx %arg23[%add3A_2664] : memref<8192xf32, #tpu.memory_space<vmem>>[vector<16xi32>], vector<16xf32>,
      %add3A_2666 = arith.addf %add3A_2656, %gather3A_2665 : vector<16xf32>
      %gather3A_2667 = tpu.vector_load_idx %arg19[%add3A_270] : memref<576xf32, #tpu.memory_space<vmem>>[vector<16xi32>], vector<16xf32>,
      %add3A_2668 = arith.addf %add3A_2661, %gather3A_2667 : vector<16xf32>
      %gather3A_2669 = tpu.vector_load_idx %arg20[%add3A_270] : memref<576xf32, #tpu.memory_space<vmem>>[vector<16xi32>], vector<16xf32>,
      %add3A_2670 = arith.addf %add3A_2666, %gather3A_2669 : vector<16xf32>
      %gather3A_2671 = tpu.vector_load_idx %arg19[%add3A_277] : memref<576xf32, #tpu.memory_space<vmem>>[vector<16xi32>], vector<16xf32>,
      %add3A_2672 = arith.addf %add3A_2668, %gather3A_2671 : vector<16xf32>
      %gather3A_2673 = tpu.vector_load_idx %arg20[%add3A_277] : memref<576xf32, #tpu.memory_space<vmem>>[vector<16xi32>], vector<16xf32>,
      %add3A_2674 = arith.addf %add3A_2670, %gather3A_2673 : vector<16xf32>
      %gather3A_2675 = tpu.vector_load_idx %arg19[%add3A_284] : memref<576xf32, #tpu.memory_space<vmem>>[vector<16xi32>], vector<16xf32>,
      %add3A_2676 = arith.addf %add3A_2672, %gather3A_2675 : vector<16xf32>
      %gather3A_2677 = tpu.vector_load_idx %arg20[%add3A_284] : memref<576xf32, #tpu.memory_space<vmem>>[vector<16xi32>], vector<16xf32>,
      %add3A_2678 = arith.addf %add3A_2674, %gather3A_2677 : vector<16xf32>
      %gather3A_2679 = tpu.vector_load_idx %arg19[%add3A_291] : memref<576xf32, #tpu.memory_space<vmem>>[vector<16xi32>], vector<16xf32>,
      %add3A_2680 = arith.addf %add3A_2676, %gather3A_2679 : vector<16xf32>
      %gather3A_2681 = tpu.vector_load_idx %arg20[%add3A_291] : memref<576xf32, #tpu.memory_space<vmem>>[vector<16xi32>], vector<16xf32>,
      %add3A_2682 = arith.addf %add3A_2678, %gather3A_2681 : vector<16xf32>
      %mul3A_2683 = arith.constant 16 : i32
      %mul3A_2684 = arith.muli %scan3A_215, %mul3A_2683 : i32
      %swap3A_2685 = arith.index_cast %mul3A_2684 : i32 to index
      %swap3A_2686 = tpu.vector_load %arg24[%swap3A_2685] {strides = array<i32>} : memref<512xf32, #tpu.memory_space<vmem>>, vector<16xf32>,
      tpu.vector_store %arg24[%swap3A_2685], %add3A_2680 {strides = array<i32>} : memref<512xf32, #tpu.memory_space<vmem>>, vector<16xf32>,
      %mul3A_2687 = arith.constant 16 : i32
      %mul3A_2688 = arith.muli %scan3A_215, %mul3A_2687 : i32
      %swap3A_2689 = arith.index_cast %mul3A_2688 : i32 to index
      %swap3A_2690 = tpu.vector_load %arg25[%swap3A_2689] {strides = array<i32>} : memref<512xf32, #tpu.memory_space<vmem>>, vector<16xf32>,
      tpu.vector_store %arg25[%swap3A_2689], %add3A_2682 {strides = array<i32>} : memref<512xf32, #tpu.memory_space<vmem>>, vector<16xf32>,
    }
    %scan3A_214 = arith.constant 32 : i32
    "tpu.region"() ({
      %run_scoped3A = tpu.sem_alloc : memref<!tpu.dma_semaphore, #tpu.memory_space<semaphore_mem>>
      %dma_start3A_215 = tpu.memref_slice %arg14[%mul3A_2] : memref<16384xf32, #tpu.memory_space<hbm>> -> memref<512xf32, #tpu.memory_space<hbm>>
      %dma_start3A_216 = tpu.memref_slice %arg14[%mul3A_2] : memref<16384xf32, #tpu.memory_space<hbm>> -> memref<512xf32, #tpu.memory_space<hbm>>
      tpu.enqueue_dma source(%arg24 : memref<512xf32, #tpu.memory_space<vmem>>) target(%dma_start3A_216 : memref<512xf32, #tpu.memory_space<hbm>>) target_semaphore(%run_scoped3A : memref<!tpu.dma_semaphore, #tpu.memory_space<semaphore_mem>>)
      %dma_wait3A_217 = tpu.memref_slice %arg14[%mul3A_2] : memref<16384xf32, #tpu.memory_space<hbm>> -> memref<512xf32, #tpu.memory_space<hbm>>
      %dma_wait3A_218 = tpu.memref_slice %arg14[%mul3A_2] : memref<16384xf32, #tpu.memory_space<hbm>> -> memref<512xf32, #tpu.memory_space<hbm>>
      tpu.wait_dma2 semaphore(%run_scoped3A : memref<!tpu.dma_semaphore, #tpu.memory_space<semaphore_mem>>) src(%arg24 : memref<512xf32, #tpu.memory_space<vmem>>) dst(%dma_wait3A_218 : memref<512xf32, #tpu.memory_space<hbm>>)
      tpu.yield
    }) : () -> ()
    "tpu.region"() ({
      %run_scoped3A = tpu.sem_alloc : memref<!tpu.dma_semaphore, #tpu.memory_space<semaphore_mem>>
      %dma_start3A_215 = tpu.memref_slice %arg15[%mul3A_2] : memref<16384xf32, #tpu.memory_space<hbm>> -> memref<512xf32, #tpu.memory_space<hbm>>
      %dma_start3A_216 = tpu.memref_slice %arg15[%mul3A_2] : memref<16384xf32, #tpu.memory_space<hbm>> -> memref<512xf32, #tpu.memory_space<hbm>>
      tpu.enqueue_dma source(%arg25 : memref<512xf32, #tpu.memory_space<vmem>>) target(%dma_start3A_216 : memref<512xf32, #tpu.memory_space<hbm>>) target_semaphore(%run_scoped3A : memref<!tpu.dma_semaphore, #tpu.memory_space<semaphore_mem>>)
      %dma_wait3A_217 = tpu.memref_slice %arg15[%mul3A_2] : memref<16384xf32, #tpu.memory_space<hbm>> -> memref<512xf32, #tpu.memory_space<hbm>>
      %dma_wait3A_218 = tpu.memref_slice %arg15[%mul3A_2] : memref<16384xf32, #tpu.memory_space<hbm>> -> memref<512xf32, #tpu.memory_space<hbm>>
      tpu.wait_dma2 semaphore(%run_scoped3A : memref<!tpu.dma_semaphore, #tpu.memory_space<semaphore_mem>>) src(%arg25 : memref<512xf32, #tpu.memory_space<vmem>>) dst(%dma_wait3A_218 : memref<512xf32, #tpu.memory_space<hbm>>)
      tpu.yield
    }) : () -> ()
    return
  }
}

module attributes {stable_mosaic.version = 14 : i64} {
  func.func @_prep_body(%arg0: memref<96x64xf32, #tpu.memory_space<vmem>>, %arg1: memref<96x64xf32, #tpu.memory_space<vmem>>, %arg2: memref<2x64xf32, #tpu.memory_space<vmem>>, %arg3: memref<576x64xf32, #tpu.memory_space<vmem>>, %arg4: memref<2x576xf32, #tpu.memory_space<vmem>>) attributes {dimension_semantics = [], scalar_prefetch = 0 : i64, scratch_operands = 0 : i64, tpu.core_type = #tpu.core_type<tc>} {
    %get3A = arith.constant 0 : index
    %get3A_0 = arith.constant 0 : index
    %get3A_1 = vector.load %arg1[%get3A, %get3A_0] : memref<96x64xf32, #tpu.memory_space<vmem>>, vector<96x64xf32>
    %exp3A = math.exp %get3A_1 : vector<96x64xf32>
    %add3A = arith.constant 1.000000e+00 : f32
    %add3A_2 = vector.broadcast %add3A : f32 to vector<96x64xf32>
    %add3A_3 = arith.addf %add3A_2, %exp3A : vector<96x64xf32>
    %log3A = math.log %add3A_3 : vector<96x64xf32>
    %mul3A = arith.constant 0.00999999977 : f32
    %mul3A_4 = vector.broadcast %mul3A : f32 to vector<96x64xf32>
    %mul3A_5 = arith.mulf %mul3A_4, %log3A : vector<96x64xf32>
    %get3A_6 = arith.constant 0 : index
    %get3A_7 = arith.constant 0 : index
    %get3A_8 = vector.load %arg2[%get3A_6, %get3A_7] : memref<2x64xf32, #tpu.memory_space<vmem>>, vector<2x64xf32>
    %get3A_9 = arith.constant 0 : index
    %get3A_10 = arith.constant 0 : index
    %get3A_11 = vector.load %arg0[%get3A_9, %get3A_10] : memref<96x64xf32, #tpu.memory_space<vmem>>, vector<96x64xf32>
    %dot_general3A = arith.constant dense<0.000000e+00> : vector<2x96xf32>
    %dot_general3A_12 = tpu.matmul %get3A_8, %get3A_11, %dot_general3A {dimension_numbers = #tpu.dot_dimension_numbers<[1], [1], [0], [0], [0, 0, 1, 0], [], []>, transpose_lhs_hint = false} : vector<2x64xf32>, vector<96x64xf32>, vector<2x96xf32> -> vector<2x96xf32>
    %slice3A = vector.extract_strided_slice %mul3A_5 {offsets = [0, 0], sizes = [12, 64], strides = [1, 1]} : vector<96x64xf32> to vector<12x64xf32>
    %slice3A_13 = vector.extract_strided_slice %mul3A_5 {offsets = [12, 0], sizes = [12, 64], strides = [1, 1]} : vector<96x64xf32> to vector<12x64xf32>
    %broadcast_in_dim3A = vector.shape_cast %slice3A : vector<12x64xf32> to vector<12x1x64xf32>
    %broadcast_in_dim3A_14 = vector.shape_cast %slice3A_13 : vector<12x64xf32> to vector<1x12x64xf32>
    %add3A_15 = vector.broadcast %broadcast_in_dim3A : vector<12x1x64xf32> to vector<12x12x64xf32>
    %add3A_16 = vector.broadcast %broadcast_in_dim3A_14 : vector<1x12x64xf32> to vector<12x12x64xf32>
    %add3A_17 = arith.addf %add3A_15, %add3A_16 : vector<12x12x64xf32>
    %reshape3A = vector.shape_cast %add3A_17 : vector<12x12x64xf32> to vector<144x64xf32>
    %swap3A = arith.constant 0 : index
    %swap3A_18 = arith.constant 0 : index
    %swap3A_19 = vector.load %arg3[%swap3A, %swap3A_18] : memref<576x64xf32, #tpu.memory_space<vmem>>, vector<144x64xf32>
    tpu.vector_store %arg3[%swap3A, %swap3A_18], %reshape3A {strides = array<i32>} : memref<576x64xf32, #tpu.memory_space<vmem>>, vector<144x64xf32>,
    %slice3A_20 = vector.extract_strided_slice %dot_general3A_12 {offsets = [0, 0], sizes = [2, 12], strides = [1, 1]} : vector<2x96xf32> to vector<2x12xf32>
    %slice3A_21 = vector.extract_strided_slice %dot_general3A_12 {offsets = [0, 12], sizes = [2, 12], strides = [1, 1]} : vector<2x96xf32> to vector<2x12xf32>
    %broadcast_in_dim3A_22 = vector.shape_cast %slice3A_20 : vector<2x12xf32> to vector<2x12x1xf32>
    %broadcast_in_dim3A_23 = vector.shape_cast %slice3A_21 : vector<2x12xf32> to vector<2x1x12xf32>
    %add3A_24 = vector.broadcast %broadcast_in_dim3A_22 : vector<2x12x1xf32> to vector<2x12x12xf32>
    %add3A_25 = vector.broadcast %broadcast_in_dim3A_23 : vector<2x1x12xf32> to vector<2x12x12xf32>
    %add3A_26 = arith.addf %add3A_24, %add3A_25 : vector<2x12x12xf32>
    %reshape3A_27 = vector.shape_cast %add3A_26 : vector<2x12x12xf32> to vector<2x144xf32>
    %swap3A_28 = arith.constant 0 : index
    %swap3A_29 = arith.constant 0 : index
    %swap3A_30 = vector.load %arg4[%swap3A_28, %swap3A_29] : memref<2x576xf32, #tpu.memory_space<vmem>>, vector<2x144xf32>
    tpu.vector_store %arg4[%swap3A_28, %swap3A_29], %reshape3A_27 {strides = array<i32>} : memref<2x576xf32, #tpu.memory_space<vmem>>, vector<2x144xf32>,
    %slice3A_31 = vector.extract_strided_slice %mul3A_5 {offsets = [24, 0], sizes = [12, 64], strides = [1, 1]} : vector<96x64xf32> to vector<12x64xf32>
    %slice3A_32 = vector.extract_strided_slice %mul3A_5 {offsets = [36, 0], sizes = [12, 64], strides = [1, 1]} : vector<96x64xf32> to vector<12x64xf32>
    %broadcast_in_dim3A_33 = vector.shape_cast %slice3A_31 : vector<12x64xf32> to vector<12x1x64xf32>
    %broadcast_in_dim3A_34 = vector.shape_cast %slice3A_32 : vector<12x64xf32> to vector<1x12x64xf32>
    %add3A_35 = vector.broadcast %broadcast_in_dim3A_33 : vector<12x1x64xf32> to vector<12x12x64xf32>
    %add3A_36 = vector.broadcast %broadcast_in_dim3A_34 : vector<1x12x64xf32> to vector<12x12x64xf32>
    %add3A_37 = arith.addf %add3A_35, %add3A_36 : vector<12x12x64xf32>
    %reshape3A_38 = vector.shape_cast %add3A_37 : vector<12x12x64xf32> to vector<144x64xf32>
    %swap3A_39 = arith.constant 144 : index
    %swap3A_40 = arith.constant 0 : index
    %swap3A_41 = vector.load %arg3[%swap3A_39, %swap3A_40] : memref<576x64xf32, #tpu.memory_space<vmem>>, vector<144x64xf32>
    tpu.vector_store %arg3[%swap3A_39, %swap3A_40], %reshape3A_38 {strides = array<i32>} : memref<576x64xf32, #tpu.memory_space<vmem>>, vector<144x64xf32>,
    %slice3A_42 = vector.extract_strided_slice %dot_general3A_12 {offsets = [0, 24], sizes = [2, 12], strides = [1, 1]} : vector<2x96xf32> to vector<2x12xf32>
    %slice3A_43 = vector.extract_strided_slice %dot_general3A_12 {offsets = [0, 36], sizes = [2, 12], strides = [1, 1]} : vector<2x96xf32> to vector<2x12xf32>
    %broadcast_in_dim3A_44 = vector.shape_cast %slice3A_42 : vector<2x12xf32> to vector<2x12x1xf32>
    %broadcast_in_dim3A_45 = vector.shape_cast %slice3A_43 : vector<2x12xf32> to vector<2x1x12xf32>
    %add3A_46 = vector.broadcast %broadcast_in_dim3A_44 : vector<2x12x1xf32> to vector<2x12x12xf32>
    %add3A_47 = vector.broadcast %broadcast_in_dim3A_45 : vector<2x1x12xf32> to vector<2x12x12xf32>
    %add3A_48 = arith.addf %add3A_46, %add3A_47 : vector<2x12x12xf32>
    %reshape3A_49 = vector.shape_cast %add3A_48 : vector<2x12x12xf32> to vector<2x144xf32>
    %swap3A_50 = arith.constant 0 : index
    %swap3A_51 = arith.constant 144 : index
    %swap3A_52 = vector.load %arg4[%swap3A_50, %swap3A_51] : memref<2x576xf32, #tpu.memory_space<vmem>>, vector<2x144xf32>
    tpu.vector_store %arg4[%swap3A_50, %swap3A_51], %reshape3A_49 {strides = array<i32>} : memref<2x576xf32, #tpu.memory_space<vmem>>, vector<2x144xf32>,
    %slice3A_53 = vector.extract_strided_slice %mul3A_5 {offsets = [48, 0], sizes = [12, 64], strides = [1, 1]} : vector<96x64xf32> to vector<12x64xf32>
    %slice3A_54 = vector.extract_strided_slice %mul3A_5 {offsets = [60, 0], sizes = [12, 64], strides = [1, 1]} : vector<96x64xf32> to vector<12x64xf32>
    %broadcast_in_dim3A_55 = vector.shape_cast %slice3A_53 : vector<12x64xf32> to vector<12x1x64xf32>
    %broadcast_in_dim3A_56 = vector.shape_cast %slice3A_54 : vector<12x64xf32> to vector<1x12x64xf32>
    %add3A_57 = vector.broadcast %broadcast_in_dim3A_55 : vector<12x1x64xf32> to vector<12x12x64xf32>
    %add3A_58 = vector.broadcast %broadcast_in_dim3A_56 : vector<1x12x64xf32> to vector<12x12x64xf32>
    %add3A_59 = arith.addf %add3A_57, %add3A_58 : vector<12x12x64xf32>
    %reshape3A_60 = vector.shape_cast %add3A_59 : vector<12x12x64xf32> to vector<144x64xf32>
    %swap3A_61 = arith.constant 288 : index
    %swap3A_62 = arith.constant 0 : index
    %swap3A_63 = vector.load %arg3[%swap3A_61, %swap3A_62] : memref<576x64xf32, #tpu.memory_space<vmem>>, vector<144x64xf32>
    tpu.vector_store %arg3[%swap3A_61, %swap3A_62], %reshape3A_60 {strides = array<i32>} : memref<576x64xf32, #tpu.memory_space<vmem>>, vector<144x64xf32>,
    %slice3A_64 = vector.extract_strided_slice %dot_general3A_12 {offsets = [0, 48], sizes = [2, 12], strides = [1, 1]} : vector<2x96xf32> to vector<2x12xf32>
    %slice3A_65 = vector.extract_strided_slice %dot_general3A_12 {offsets = [0, 60], sizes = [2, 12], strides = [1, 1]} : vector<2x96xf32> to vector<2x12xf32>
    %broadcast_in_dim3A_66 = vector.shape_cast %slice3A_64 : vector<2x12xf32> to vector<2x12x1xf32>
    %broadcast_in_dim3A_67 = vector.shape_cast %slice3A_65 : vector<2x12xf32> to vector<2x1x12xf32>
    %add3A_68 = vector.broadcast %broadcast_in_dim3A_66 : vector<2x12x1xf32> to vector<2x12x12xf32>
    %add3A_69 = vector.broadcast %broadcast_in_dim3A_67 : vector<2x1x12xf32> to vector<2x12x12xf32>
    %add3A_70 = arith.addf %add3A_68, %add3A_69 : vector<2x12x12xf32>
    %reshape3A_71 = vector.shape_cast %add3A_70 : vector<2x12x12xf32> to vector<2x144xf32>
    %swap3A_72 = arith.constant 0 : index
    %swap3A_73 = arith.constant 288 : index
    %swap3A_74 = vector.load %arg4[%swap3A_72, %swap3A_73] : memref<2x576xf32, #tpu.memory_space<vmem>>, vector<2x144xf32>
    tpu.vector_store %arg4[%swap3A_72, %swap3A_73], %reshape3A_71 {strides = array<i32>} : memref<2x576xf32, #tpu.memory_space<vmem>>, vector<2x144xf32>,
    %slice3A_75 = vector.extract_strided_slice %mul3A_5 {offsets = [72, 0], sizes = [12, 64], strides = [1, 1]} : vector<96x64xf32> to vector<12x64xf32>
    %slice3A_76 = vector.extract_strided_slice %mul3A_5 {offsets = [84, 0], sizes = [12, 64], strides = [1, 1]} : vector<96x64xf32> to vector<12x64xf32>
    %broadcast_in_dim3A_77 = vector.shape_cast %slice3A_75 : vector<12x64xf32> to vector<12x1x64xf32>
    %broadcast_in_dim3A_78 = vector.shape_cast %slice3A_76 : vector<12x64xf32> to vector<1x12x64xf32>
    %add3A_79 = vector.broadcast %broadcast_in_dim3A_77 : vector<12x1x64xf32> to vector<12x12x64xf32>
    %add3A_80 = vector.broadcast %broadcast_in_dim3A_78 : vector<1x12x64xf32> to vector<12x12x64xf32>
    %add3A_81 = arith.addf %add3A_79, %add3A_80 : vector<12x12x64xf32>
    %reshape3A_82 = vector.shape_cast %add3A_81 : vector<12x12x64xf32> to vector<144x64xf32>
    %swap3A_83 = arith.constant 432 : index
    %swap3A_84 = arith.constant 0 : index
    %swap3A_85 = vector.load %arg3[%swap3A_83, %swap3A_84] : memref<576x64xf32, #tpu.memory_space<vmem>>, vector<144x64xf32>
    tpu.vector_store %arg3[%swap3A_83, %swap3A_84], %reshape3A_82 {strides = array<i32>} : memref<576x64xf32, #tpu.memory_space<vmem>>, vector<144x64xf32>,
    %slice3A_86 = vector.extract_strided_slice %dot_general3A_12 {offsets = [0, 72], sizes = [2, 12], strides = [1, 1]} : vector<2x96xf32> to vector<2x12xf32>
    %slice3A_87 = vector.extract_strided_slice %dot_general3A_12 {offsets = [0, 84], sizes = [2, 12], strides = [1, 1]} : vector<2x96xf32> to vector<2x12xf32>
    %broadcast_in_dim3A_88 = vector.shape_cast %slice3A_86 : vector<2x12xf32> to vector<2x12x1xf32>
    %broadcast_in_dim3A_89 = vector.shape_cast %slice3A_87 : vector<2x12xf32> to vector<2x1x12xf32>
    %add3A_90 = vector.broadcast %broadcast_in_dim3A_88 : vector<2x12x1xf32> to vector<2x12x12xf32>
    %add3A_91 = vector.broadcast %broadcast_in_dim3A_89 : vector<2x1x12xf32> to vector<2x12x12xf32>
    %add3A_92 = arith.addf %add3A_90, %add3A_91 : vector<2x12x12xf32>
    %reshape3A_93 = vector.shape_cast %add3A_92 : vector<2x12x12xf32> to vector<2x144xf32>
    %swap3A_94 = arith.constant 0 : index
    %swap3A_95 = arith.constant 432 : index
    %swap3A_96 = vector.load %arg4[%swap3A_94, %swap3A_95] : memref<2x576xf32, #tpu.memory_space<vmem>>, vector<2x144xf32>
    tpu.vector_store %arg4[%swap3A_94, %swap3A_95], %reshape3A_93 {strides = array<i32>} : memref<2x576xf32, #tpu.memory_space<vmem>>, vector<2x144xf32>,
    return
  }
}

</mosaic_0001>

<sc_bundles>
// kernel: kernel.4.cloned.1.call-start
scs
__scs_entry_jumppad:
0x0: {  	(pc) =	sbr.rel $0x88, $3  }
0x1: {  	(tag) =	ssettag $0x0;
	lr =	simm.s32 $0x1  }
0x2: {  	[smem:$0x3F95] =	sst lr;
	_ =	strace $0xD0000000  }
0x3: {  	_ = 	snop  }
0x4: {  	_ = 	snop  }
0x5: {  	_ = 	snop  }
0x6: {  	_ = 	snop  }
0x7: {  	_ = 	snop  }
__scs_overlays_trampoline_lowered:
0x8: {  	[smem:$0x3FA4] =	sst s0  }
0x9: {  	[smem:$0x3FA5] =	sst s1  }
0xa: {  	[smem:$0x3FA6] =	sst s2  }
0xb: {  	[smem:$0x3FA7] =	sst s3  }
0xc: {  	[smem:$0x3FA8] =	sst s4  }
0xd: {  	[smem:$0x3FA9] =	sst s5  }
0xe: {  	[smem:$0x3FAA] =	sst s6  }
0xf: {  	[smem:$0x3FAB] =	sst s7  }
0x10: {  	[smem:$0x3FAC] =	sst s8  }
0x11: {  	[smem:$0x3FAD] =	sst s9;
	s0 =	simm.s32 @!p0 $0x0  }
0x12: {  	s1 =	sld [smem:$0x3F93];
	s0 =	simm.s32 @p0 $0x1  }
0x13: {  	[smem:$0x3FAE] =	sst s0;
	s0 =	simm.s32 @!p1 $0x0  }
0x14: {  	s2 =	sld [smem:$0x3F92];
	s0 =	simm.s32 @p1 $0x1  }
0x15: {  	[smem:$0x3FAF] =	sst s0;
	s0 =	simm.s32 @!p2 $0x0  }
0x16: {  	s3 =	sld [smem:$0x3FDB];
	s0 =	simm.s32 @p2 $0x1  }
0x17: {  	s4 =	simm.s32 $0x1BF5;
	[smem:$0x3FB1] =	sst s0  }
0x18: {  	s0 =	sld [smem:$0x3F94];
	_ =	swait.ge [sflag:s4], $0x0  }
0x19: {  	s7 =	sld [smem:$0x3F95]  }
0x1a: {  	s8 =	sadd.s32 $0xFFFFE003, lr  }
0x1b: {  	s9 =	sadd.s32 $0xFFFFFEF7, lr;
	s5 =	simm.s32 $0xFFFFFFFF;
	p2 =	slt.u32 s8, $0xFFFFF086  }
0x1c: {  	p1 =	slt.u32 s9, $0xF7A;
	s5 =	simm.s32 @!p2 $0x0  }
0x1d: {  	s5 =	simm.s32 @p1 $0x1;
	p0 =	seq.s32 s7, s2  }
0x1e: {  	s7 =	smul.u32 @!p0 $0xF7A, s2;
	p2 =	seq.s32 @!p0 s5, $0x0  }
0x1f: {  	s9 =	smul.u32 $0xF7A, s1;
	s8 =	simm.s32 @!p0 $0x1BF5;
	p2 =	por !p2, p0  }
0x20: {  	[sflag:s8] =	ssyncset.s32 @!p0 $0xFFFFF086;
	s6 =	sadd.s32 @!p0 s3, s7;
	s7 =	simm.s32 @!p0 $0x108  }
0x21: {  	s3 =	sadd.s32 s3, s9;
	s6 =	sadd.s32 @!p0 $0x88, s6;
	s7 =	simm.s32 @p2 $0x1082  }
0x22: {  	[simem:s7], [sflag:s8] =	dma.local @!p0 [hbm:s6], $0xF7A  }
0x23: {  	s9 =	sor.u32 $0xD0000000, s2;
	s6 =	simm.s32 $0x108;
	_ =	swait.ge @!p0 [sflag:s8], $0x0  }
0x24: {  	s3 =	sadd.s32 $0x88, s3;
	s6 =	simm.s32 @!p1 $0x1082;
	[sflag:s4] =	ssyncset.s32 $0xFFFFF086  }
0x25: {  	[simem:s6], [sflag:s4] =	dma.local [hbm:s3], $0xF7A  }
0x26: {  	[smem:$0x3F95] =	sst s1;
	(tag) =	ssettag s2;
	_ =	strace s9  }
0x27: {  	s1 =	sld [smem:$0x3FA5]  }
0x28: {  	s2 =	sld [smem:$0x3FA6]  }
0x29: {  	s4 =	sld [smem:$0x3FA8]  }
0x2a: {  	p0 =	seq.s32 s5, $0x0;
	s5 =	sld [smem:$0x3FA9]  }
0x2b: {  	s6 =	sld [smem:$0x3FAA]  }
0x2c: {  	s7 =	sld [smem:$0x3FAB]  }
0x2d: {  	s3 =	simm.s32 $0x108;
	s8 =	sld [smem:$0x3FAC]  }
0x2e: {  	s3 =	simm.s32 @!p0 $0x1082;
	s9 =	sld [smem:$0x3FAD]  }
0x2f: {  	lr =	sadd.s32 s0, s3;
	s0 =	sld [smem:$0x3FA4]  }
0x30: {  	s3 =	sld [smem:$0x3FA7]  }
0x31: {  	[smem:$0x3FB0] =	sst s10  }
0x32: {  	s10 =	sld [smem:$0x3FAE];
	_ =	sdelay $0x3  }
0x33: {  	p0 =	seq.s32 s10, $0x1;
	s10 =	sld [smem:$0x3FB0];
	_ =	sdelay $0x3  }
0x34: {  	[smem:$0x3FB0] =	sst s10  }
0x35: {  	s10 =	sld [smem:$0x3FAF];
	_ =	sdelay $0x3  }
0x36: {  	p1 =	seq.s32 s10, $0x1;
	s10 =	sld [smem:$0x3FB0];
	_ =	sdelay $0x3  }
0x37: {  	[smem:$0x3FB0] =	sst s10  }
0x38: {  	s10 =	sld [smem:$0x3FB1]  }
0x39: {  	_ = 	snop;
	(pc) =	sbr.ind lr, $3  }
0x3a: {  	_ = 	snop  }
0x3b: {  	_ = 	snop  }
0x3c: {  	p2 =	seq.s32 s10, $0x1;
	s10 =	sld [smem:$0x3FB0]  }
0x3d: {  	_ =	shalt  }
0x3e: {  	_ =	shalt  }
0x3f: {  	_ =	shalt  }
0x40: {  	_ =	shalt  }
0x41: {  	_ =	shalt  }
0x42: {  	_ =	shalt  }
0x43: {  	_ =	shalt  }
0x44: {  	_ =	shalt  }
0x45: {  	_ =	shalt  }
0x46: {  	_ =	shalt  }
0x47: {  	_ =	shalt  }
0x48: {  	_ =	shalt  }
0x49: {  	_ =	shalt  }
0x4a: {  	_ =	shalt  }
0x4b: {  	_ =	shalt  }
0x4c: {  	_ =	shalt  }
0x4d: {  	_ =	shalt  }
0x4e: {  	_ =	shalt  }
0x4f: {  	_ =	shalt  }
0x50: {  	_ =	shalt  }
0x51: {  	_ =	shalt  }
0x52: {  	_ =	shalt  }
0x53: {  	_ =	shalt  }
0x54: {  	_ =	shalt  }
0x55: {  	_ =	shalt  }
0x56: {  	_ =	shalt  }
0x57: {  	_ =	shalt  }
0x58: {  	_ =	shalt  }
0x59: {  	_ =	shalt  }
0x5a: {  	_ =	shalt  }
0x5b: {  	_ =	shalt  }
0x5c: {  	_ =	shalt  }
0x5d: {  	_ =	shalt  }
0x5e: {  	_ =	shalt  }
0x5f: {  	_ =	shalt  }
0x60: {  	_ =	shalt  }
0x61: {  	_ =	shalt  }
0x62: {  	_ =	shalt  }
0x63: {  	_ =	shalt  }
0x64: {  	_ =	shalt  }
0x65: {  	_ =	shalt  }
0x66: {  	_ =	shalt  }
0x67: {  	_ =	shalt  }
0x68: {  	_ =	shalt  }
0x69: {  	_ =	shalt  }
0x6a: {  	_ =	shalt  }
0x6b: {  	_ =	shalt  }
0x6c: {  	_ =	shalt  }
0x6d: {  	_ =	shalt  }
0x6e: {  	_ =	shalt  }
0x6f: {  	_ =	shalt  }
0x70: {  	_ =	shalt  }
0x71: {  	_ =	shalt  }
0x72: {  	_ =	shalt  }
0x73: {  	_ =	shalt  }
0x74: {  	_ =	shalt  }
0x75: {  	_ =	shalt  }
0x76: {  	_ =	shalt  }
0x77: {  	_ =	shalt  }
0x78: {  	_ =	shalt  }
0x79: {  	_ =	shalt  }
0x7a: {  	_ =	shalt  }
0x7b: {  	_ =	shalt  }
0x7c: {  	_ =	shalt  }
0x7d: {  	_ =	shalt  }
0x7e: {  	_ =	shalt  }
0x7f: {  	_ =	shalt  }
0x80: {  	_ =	shalt  }
0x81: {  	_ =	shalt  }
0x82: {  	_ =	shalt  }
0x83: {  	_ =	shalt  }
0x84: {  	_ =	shalt  }
0x85: {  	_ =	shalt  }
0x86: {  	_ =	shalt  }
0x87: {  	_ =	shalt  }
.Lfunc_end0:
.L_simem_size_0:
called_computation_lowered:
.L_overlay_start_0:
0x88: {  	s2 =	sld [smem:$0x3FD9]  }
0x89: {  	s3 =	sld [smem:$0x3FFE];
	_ =	sdelay $0x1  }
0x8a: {  	s1 =	srdreg.scid  }
0x8b: {  	s0 =	sand.u32 $0x1, s1  }
0x8c: {  	s17 =	sshll.u32 s0, $0xA;
	s2 =	sadd.s32 s3, s2  }
0x8d: {  	s2 =	sadd.s32 s2, s17  }
0x8e: {  	[smem:$0x3FBC] =	sst s2  }
0x8f: {  	_ = 	snop  }
0x90: {  	s2 =	sld [smem:$0x3FC9]  }
0x91: {  	s18 =	sld [smem:$0x3FC8]  }
0x92: {  	s4 =	sld [smem:$0x3FC7]  }
0x93: {  	s5 =	sld [smem:$0x3FC6]  }
0x94: {  	s6 =	sld [smem:$0x3FC5]  }
0x95: {  	s7 =	sld [smem:$0x3FC4]  }
0x96: {  	s8 =	sld [smem:$0x3FC3]  }
0x97: {  	s9 =	sld [smem:$0x3FC2]  }
0x98: {  	s10 =	sld [smem:$0x3FBF]  }
0x99: {  	s11 =	sld [smem:$0x3FBE]  }
0x9a: {  	s12 =	sld [smem:$0x3FD0];
	(tm) =	ssettm $0x1  }
0x9b: {  	s13 =	sld [smem:$0x3FFB];
	_ =	sdelay $0x3  }
0x9c: {  	_ =	strace s13  }
0x9d: {  	s13 =	sld [smem:$0x3FFC];
	_ =	sdelay $0x3  }
0x9e: {  	_ =	strace s13  }
0x9f: {  	s13 =	sld [smem:$0x3FFD];
	_ =	sdelay $0x3  }
0xa0: {  	_ =	strace s13  }
0xa1: {  	_ =	strace $0x8FFFFFFF  }
0xa2: {  	s19 =	sld [smem:$0x3FDB];
	_ =	sdelay $0x1  }
0xa3: {  	s14 =	simm.s32 $_scs_section_size  }
0xa4: {  	s15 =	simm.s32 $_size__tile_overlayer_lowered;
	s16 =	simm.s32 $_tile_overlayer_lowered  }
0xa5: {  	s22 =	simm.s32 $0x1BFF;
	s21 =	sshll.u32 s16, $0x1;
	s13 =	sadd.s32 s14, s19  }
0xa6: {  	s20 =	sshll.u32 s15, $0x1;
	s17 =	simm.s32 $0x0;
	s15 =	sadd.s32 s21, s13  }
0xa7: {  	[timem:s17], [sflag:s22] =	dma.local [hbm:s15], s20  }
0xa8: {  	_ =	swait.ge [sflag:s22], s20  }
0xa9: {  	s14 =	ssub.s32 $0x0, s20;
	[sflag:s22] =	ssyncset.done $0x0  }
0xaa: {  	[sflag:s22] =	ssyncadd.s32 s14;
	_ =	sdelay $0x1  }
0xab: {  	s23 =	simm.s32 $0x1B8B  }
0xac: {  	_ =	swait.ge [sflag:s23], $0x1  }
0xad: {  	[sflag:s23] =	ssyncset.done $0x0  }
0xae: {  	s25 =	simm.s32 $0x1B8E;
	s24 =	sld [smem:$0x3FFE];
	[sflag:s23] =	ssyncadd.s32 $0xFFFFFFFF  }
0xaf: {  	s26 =	simm.s32 $execute0_lowered;
	[smem:$0x3FD2] =	sst s25  }
0xb0: {  	s15 =	sshll.u32 s26, $0x1;
	_ =	strace $0x80000046;
	[dreg:$0x1] =	wrdreg $0xFFFFFFFF  }
0xb1: {  	s28 =	simm.s32 $_size_execute0_lowered;
	s13 =	sadd.s32 s13, s15;
	[dreg:$0x0] =	wrdreg $0x0  }
0xb2: {  	s15 =	sshll.u32 s28, $0x1;
	[dreg:$0x2] =	wrdreg s13  }
0xb3: {  	[dreg:$0x3] =	wrdreg s15  }
0xb4: {  	[dreg:$0x4] =	wrdreg $0xC0  }
0xb5: {  	_ =	task [dreg:s17], $0x5FFFF  }
0xb6: {  	[dreg:$0x1] =	wrdreg $0xFFFFFFFF  }
0xb7: {  	[dreg:$0x0] =	wrdreg $0x60  }
0xb8: {  	[dreg:$0x2] =	wrdreg s2  }
0xb9: {  	[dreg:$0x3] =	wrdreg s18  }
0xba: {  	[dreg:$0x4] =	wrdreg s4  }
0xbb: {  	[dreg:$0x5] =	wrdreg s5  }
0xbc: {  	[dreg:$0x6] =	wrdreg s6  }
0xbd: {  	[dreg:$0x7] =	wrdreg s7  }
0xbe: {  	[dreg:$0x8] =	wrdreg s8  }
0xbf: {  	[dreg:$0x9] =	wrdreg s9  }
0xc0: {  	[dreg:$0xa] =	wrdreg s11  }
0xc1: {  	[dreg:$0xb] =	wrdreg s24  }
0xc2: {  	[dreg:$0xc] =	wrdreg s12  }
0xc3: {  	[dreg:$0xd] =	wrdreg s10  }
0xc4: {  	[dreg:$0xe] =	wrdreg $0x9  }
0xc5: {  	_ =	task.clear_ibuf [dreg:s17], $0xFFFFF;
	_ =	strace $0x90000046  }
0xc6: {  	s29 =	simm.s32 $0x9;
	_ =	strace $0x80000048  }
0xc7: {  	_ =	swait.ge [sflag:s29], $0x1  }
0xc8: {  	[sflag:s29] =	ssyncadd.s32 $0xFFFFFFFF  }
0xc9: {  	_ =	strace $0x90000048  }
0xca: {  	_ =	sfence  }
0xcb: {  	s30 =	sld [smem:$0x0];
	_ =	sdelay $0x2  }
0xcc: {  	s31 =	sshll.u32 s1, $0xD;
	s1 =	sshrl.u32 s1, $0x2  }
0xcd: {  	s3 =	sand.u32 $0x4000, s31;
	s1 =	sadd.s32 s1, s30  }
0xce: {  	s0 =	sor.u32 s3, s0;
	s1 =	sshll.u32 s1, $0x11  }
0xcf: {  	s0 =	sor.u32 s1, s0  }
0xd0: {  	s0 =	sadd.s32 $0x8F2B, s0  }
0xd1: {  	[sflag:s0] =	ssyncadd.remote.s32 $0x1  }
0xd2: {  	_ =	sfence.sel $0xFFFF  }
0xd3: {  	[dreg:$0x0] =	wrdreg $0xFFFFFFFF;
	(pc) =	sbr.abs _section_cstart, $3  }
0xd4: {  	[dreg:$0x1] =	wrdreg $0xFFFFFFFF  }
0xd5: {  	_ =	task.clear_ibuf [dreg:s17], $0x2FFFF;
	_ =	strace $0x9FFFFFFF  }
0xd6: {  	(tm) =	ssettm $0x7FFFFFFF  }
0xd7: {  	_ =	shalt  }
tec
execute0_lowered:
.L_overlay_start_1:
0x0: {  	(tag) =	ssettag $0x1  }
0x1: {  	s0 =	rddreg [dreg:$0x0]  }
0x2: {  	s1 =	rddreg [dreg:$0x1]  }
0x3: {  	s2 =	rddreg [dreg:$0x2]  }
0x4: {  	s3 =	rddreg [dreg:$0x3]  }
0x5: {  	s5 =	rddreg [dreg:$0x4]  }
0x6: {  	s11 =	rddreg [dreg:$0x5]  }
0x7: {  	s12 =	rddreg [dreg:$0x6]  }
0x8: {  	s13 =	rddreg [dreg:$0x7]  }
0x9: {  	s14 =	rddreg [dreg:$0x8]  }
0xa: {  	s6 =	rddreg [dreg:$0x9]  }
0xb: {  	s19 =	rddreg [dreg:$0xa]  }
0xc: {  	s7 =	srdreg.scid;
	s8 =	stileid.u32;
	s4 =	simm.s32 $0x0  }
0xd: {  	s7 =	sand.u32 $0x1, s7;
	s8 =	sshll.u32 s8, $0x1;
	[smem:$0x7FF] =	sst s4  }
0xe: {  	s9 =	sadd.s32 $0xE00, s6;
	s15 =	sor.u32 s7, s8;
	s7 =	ssub.s32 $0x2, s7  }
0xf: {  	_ =	strace $0x80000047;
	[dreg:$0xd] =	wrdreg s9;
	s16 =	sshll.u32 s15, $0x6  }
0x10: {  	s10 =	sshrl.u32 s7, $0x1;
	s15 =	sshll.u32 s15, $0xC;
	s17 =	sadd.s32 s16, s6  }
0x11: {  	s18 =	ssub.s32 s7, s10;
	s6 =	sadd.s32 s0, s16;
	s7 =	sadd.s32 s1, s16  }
0x12: {  	s8 =	sadd.s32 s2, s16;
	s9 =	sadd.s32 s3, s16;
	s10 =	sadd.s32 s5, s16  }
0x13: {  	s11 =	sadd.s32 s11, s16;
	s12 =	sadd.s32 s12, s16;
	s0 =	sadd.s32 s14, s15  }
0x14: {  	s13 =	sadd.s32 s13, s16;
	s16 =	sadd.s32 $0x10, s19;
	[dreg:$0xe] =	wrdreg s0  }
0x15: {  	[dreg:$0xf] =	wrdreg s16;
	s19 =	sadd.s32 $0x2000, s17  }
0x16: {  	s20 =	sadd.s32 $0x2800, s17;
	[dreg:$0x10] =	wrdreg s19  }
0x17: {  	s21 =	smax.u32 s18, $0x1;
	[dreg:$0x11] =	wrdreg s20  }
0x18: {  	s22 =	sadd.s32 $0x10, s6;
	[dreg:$0x12] =	wrdreg s21  }
0x19: {  	s23 =	sadd.s32 $0x20, s6;
	[dreg:$0x13] =	wrdreg s22  }
0x1a: {  	s24 =	sadd.s32 $0x30, s6;
	[dreg:$0x14] =	wrdreg s23  }
0x1b: {  	s25 =	sadd.s32 $0x10, s7;
	[dreg:$0x15] =	wrdreg s24  }
0x1c: {  	s26 =	sadd.s32 $0x20, s7;
	[dreg:$0x16] =	wrdreg s25  }
0x1d: {  	s31 =	sadd.s32 $0x30, s7;
	[dreg:$0x17] =	wrdreg s26  }
0x1e: {  	s1 =	sadd.s32 $0x10, s8;
	[dreg:$0x18] =	wrdreg s31  }
0x1f: {  	s2 =	sadd.s32 $0x20, s8;
	[dreg:$0x19] =	wrdreg s1  }
0x20: {  	s3 =	sadd.s32 $0x30, s8;
	[dreg:$0x1a] =	wrdreg s2  }
0x21: {  	s5 =	sadd.s32 $0x10, s9;
	[dreg:$0x1b] =	wrdreg s3  }
0x22: {  	s14 =	sadd.s32 $0x20, s9;
	[dreg:$0x1c] =	wrdreg s5  }
0x23: {  	s15 =	sadd.s32 $0x30, s9;
	[dreg:$0x1d] =	wrdreg s14  }
0x24: {  	s16 =	sadd.s32 $0x10, s10;
	[dreg:$0x1e] =	wrdreg s15  }
0x25: {  	s17 =	sadd.s32 $0x20, s10;
	[dreg:$0x1f] =	wrdreg s16  }
0x26: {  	s18 =	sadd.s32 $0x30, s10;
	[smem:$0x7F3] =	sst s17  }
0x27: {  	[smem:$0x7F4] =	sst s18;
	s19 =	sadd.s32 $0x10, s11  }
0x28: {  	s20 =	sadd.s32 $0x20, s11;
	[smem:$0x7F5] =	sst s19  }
0x29: {  	s21 =	sadd.s32 $0x30, s11;
	[smem:$0x7F6] =	sst s20  }
0x2a: {  	s22 =	sadd.s32 $0x10, s12;
	[smem:$0x7F7] =	sst s21  }
0x2b: {  	s23 =	sadd.s32 $0x20, s12;
	[smem:$0x7F8] =	sst s22  }
0x2c: {  	s24 =	sadd.s32 $0x30, s12;
	[smem:$0x7F9] =	sst s23  }
0x2d: {  	s25 =	sadd.s32 $0x10, s13;
	[smem:$0x7FA] =	sst s24  }
0x2e: {  	s26 =	sadd.s32 $0x20, s13;
	[smem:$0x7FB] =	sst s25  }
0x2f: {  	s28 =	simm.s32 $0x14600;
	s31 =	sadd.s32 $0x30, s13;
	[smem:$0x7FC] =	sst s26  }
0x30: {  	s29 =	simm.s32 $0x2;
	s30 =	simm.s32 $0x0;
	[smem:$0x7FD] =	sst s31  }
0x31: {  	v0 =	vlaneseq.u32;
	s21 =	simm.s32 $0x80;
	s22 =	simm.s32 $0x100;
	s23 =	simm.s32 $0x12000  }
0x32: {  	v0 =	vmul.u32 $0x10, v0;
	s24 =	simm.s32 $0x12280;
	s25 =	simm.s32 $0x1;
	s26 =	simm.s32 $0x12600  }
.LBB2_1:
0x33: {  	[tilespmem:s4], [sflag:$0x1] =	stream.linear.gather [hbm4b:s6+s4], $0x80, $0x38;
	[tilespmem:$0x16A00] =	vst v63  }
0x34: {  	s0 =	rddreg [dreg:$0x13];
	s1 =	simm.s32 $0x400  }
0x35: {  	[tilespmem:s1], [sflag:$0x1] =	stream.linear.gather [hbm4b:s0+s4], $0x80, $0x38;
	[tilespmem:$0x16A00] =	vst v63  }
0x36: {  	s15 =	rddreg [dreg:$0x14];
	s16 =	simm.s32 $0x800  }
0x37: {  	[tilespmem:s16], [sflag:$0x1] =	stream.linear.gather [hbm4b:s15+s4], $0x80, $0x38;
	[tilespmem:$0x16A00] =	vst v63  }
0x38: {  	s17 =	rddreg [dreg:$0x15];
	s18 =	simm.s32 $0xC00  }
0x39: {  	[tilespmem:s18], [sflag:$0x1] =	stream.linear.gather [hbm4b:s17+s4], $0x80, $0x38;
	[tilespmem:$0x16A00] =	vst v63  }
0x3a: {  	_ = 	snop  }
0x3b: {  	[tilespmem:s21], [sflag:$0x1] =	stream.linear.gather [hbm4b:s7+s4], $0x80, $0x38;
	[tilespmem:$0x16A00] =	vst v63  }
0x3c: {  	s19 =	rddreg [dreg:$0x16];
	s20 =	simm.s32 $0x480  }
0x3d: {  	[tilespmem:s20], [sflag:$0x1] =	stream.linear.gather [hbm4b:s19+s4], $0x80, $0x38;
	[tilespmem:$0x16A00] =	vst v63  }
0x3e: {  	s2 =	simm.s32 $0x880;
	s1 =	rddreg [dreg:$0x17]  }
0x3f: {  	[tilespmem:s2], [sflag:$0x1] =	stream.linear.gather [hbm4b:s1+s4], $0x80, $0x38;
	[tilespmem:$0x16A00] =	vst v63  }
0x40: {  	s3 =	rddreg [dreg:$0x18];
	s5 =	simm.s32 $0xC80  }
0x41: {  	[tilespmem:s5], [sflag:$0x1] =	stream.linear.gather [hbm4b:s3+s4], $0x80, $0x38;
	[tilespmem:$0x16A00] =	vst v63  }
0x42: {  	_ = 	snop  }
0x43: {  	[tilespmem:s22], [sflag:$0x1] =	stream.linear.gather [hbm4b:s8+s4], $0x80, $0x38;
	[tilespmem:$0x16A00] =	vst v63  }
0x44: {  	s14 =	rddreg [dreg:$0x19];
	s15 =	simm.s32 $0x500  }
0x45: {  	[tilespmem:s15], [sflag:$0x1] =	stream.linear.gather [hbm4b:s14+s4], $0x80, $0x38;
	[tilespmem:$0x16A00] =	vst v63  }
0x46: {  	s16 =	rddreg [dreg:$0x1a];
	s17 =	simm.s32 $0x900  }
0x47: {  	[tilespmem:s17], [sflag:$0x1] =	stream.linear.gather [hbm4b:s16+s4], $0x80, $0x38;
	[tilespmem:$0x16A00] =	vst v63  }
0x48: {  	s18 =	rddreg [dreg:$0x1b];
	s19 =	simm.s32 $0xD00  }
0x49: {  	[tilespmem:s19], [sflag:$0x1] =	stream.linear.gather [hbm4b:s18+s4], $0x80, $0x38;
	[tilespmem:$0x16A00] =	vst v63  }
0x4a: {  	s20 =	simm.s32 $0x180  }
0x4b: {  	[tilespmem:s20], [sflag:$0x1] =	stream.linear.gather [hbm4b:s9+s4], $0x80, $0x38;
	[tilespmem:$0x16A00] =	vst v63  }
0x4c: {  	s1 =	rddreg [dreg:$0x1c];
	s2 =	simm.s32 $0x580  }
0x4d: {  	[tilespmem:s2], [sflag:$0x1] =	stream.linear.gather [hbm4b:s1+s4], $0x80, $0x38;
	[tilespmem:$0x16A00] =	vst v63  }
0x4e: {  	s3 =	rddreg [dreg:$0x1d];
	s5 =	simm.s32 $0x980  }
0x4f: {  	[tilespmem:s5], [sflag:$0x1] =	stream.linear.gather [hbm4b:s3+s4], $0x80, $0x38;
	[tilespmem:$0x16A00] =	vst v63  }
0x50: {  	s14 =	rddreg [dreg:$0x1e];
	s15 =	simm.s32 $0xD80  }
0x51: {  	[tilespmem:s15], [sflag:$0x1] =	stream.linear.gather [hbm4b:s14+s4], $0x80, $0x38;
	[tilespmem:$0x16A00] =	vst v63  }
0x52: {  	s16 =	simm.s32 $0x200;
	s17 =	rddreg [dreg:$0x1f]  }
0x53: {  	[tilespmem:s16], [sflag:$0x1] =	stream.linear.gather [hbm4b:s10+s4], $0x80, $0x38;
	[tilespmem:$0x16A00] =	vst v63  }
0x54: {  	s18 =	simm.s32 $0x600;
	s19 =	sld [smem:$0x7F3]  }
0x55: {  	[tilespmem:s18], [sflag:$0x1] =	stream.linear.gather [hbm4b:s17+s4], $0x80, $0x38;
	[tilespmem:$0x16A00] =	vst v63  }
0x56: {  	s20 =	simm.s32 $0xA00;
	s2 =	sld [smem:$0x7F4]  }
0x57: {  	[tilespmem:s20], [sflag:$0x1] =	stream.linear.gather [hbm4b:s19+s4], $0x80, $0x38;
	[tilespmem:$0x16A00] =	vst v63  }
0x58: {  	s3 =	simm.s32 $0xE00  }
0x59: {  	[tilespmem:s3], [sflag:$0x1] =	stream.linear.gather [hbm4b:s2+s4], $0x80, $0x38;
	[tilespmem:$0x16A00] =	vst v63  }
0x5a: {  	s5 =	simm.s32 $0x280;
	s14 =	sld [smem:$0x7F5]  }
0x5b: {  	[tilespmem:s5], [sflag:$0x1] =	stream.linear.gather [hbm4b:s11+s4], $0x80, $0x38;
	[tilespmem:$0x16A00] =	vst v63  }
0x5c: {  	s15 =	simm.s32 $0x680;
	s16 =	sld [smem:$0x7F6]  }
0x5d: {  	[tilespmem:s15], [sflag:$0x1] =	stream.linear.gather [hbm4b:s14+s4], $0x80, $0x38;
	[tilespmem:$0x16A00] =	vst v63  }
0x5e: {  	s17 =	simm.s32 $0xA80;
	s18 =	sld [smem:$0x7F7]  }
0x5f: {  	[tilespmem:s17], [sflag:$0x1] =	stream.linear.gather [hbm4b:s16+s4], $0x80, $0x38;
	[tilespmem:$0x16A00] =	vst v63  }
0x60: {  	s19 =	simm.s32 $0xE80  }
0x61: {  	[tilespmem:s19], [sflag:$0x1] =	stream.linear.gather [hbm4b:s18+s4], $0x80, $0x38;
	[tilespmem:$0x16A00] =	vst v63  }
0x62: {  	s1 =	sld [smem:$0x7F8];
	s20 =	simm.s32 $0x300  }
0x63: {  	[tilespmem:s20], [sflag:$0x1] =	stream.linear.gather [hbm4b:s12+s4], $0x80, $0x38;
	[tilespmem:$0x16A00] =	vst v63  }
0x64: {  	s2 =	simm.s32 $0x700;
	s3 =	sld [smem:$0x7F9]  }
0x65: {  	[tilespmem:s2], [sflag:$0x1] =	stream.linear.gather [hbm4b:s1+s4], $0x80, $0x38;
	[tilespmem:$0x16A00] =	vst v63  }
0x66: {  	s5 =	simm.s32 $0xB00;
	s14 =	sld [smem:$0x7FA]  }
0x67: {  	[tilespmem:s5], [sflag:$0x1] =	stream.linear.gather [hbm4b:s3+s4], $0x80, $0x38;
	[tilespmem:$0x16A00] =	vst v63  }
0x68: {  	s15 =	simm.s32 $0xF00  }
0x69: {  	[tilespmem:s15], [sflag:$0x1] =	stream.linear.gather [hbm4b:s14+s4], $0x80, $0x38;
	[tilespmem:$0x16A00] =	vst v63  }
0x6a: {  	s16 =	simm.s32 $0x380;
	s17 =	sld [smem:$0x7FB]  }
0x6b: {  	[tilespmem:s16], [sflag:$0x1] =	stream.linear.gather [hbm4b:s13+s4], $0x80, $0x38;
	[tilespmem:$0x16A00] =	vst v63  }
0x6c: {  	s18 =	simm.s32 $0x780;
	s19 =	sld [smem:$0x7FC]  }
0x6d: {  	[tilespmem:s18], [sflag:$0x1] =	stream.linear.gather [hbm4b:s17+s4], $0x80, $0x38;
	[tilespmem:$0x16A00] =	vst v63  }
0x6e: {  	s20 =	simm.s32 $0xB80;
	s2 =	sld [smem:$0x7FD]  }
0x6f: {  	[tilespmem:s20], [sflag:$0x1] =	stream.linear.gather [hbm4b:s19+s4], $0x80, $0x38;
	[tilespmem:$0x16A00] =	vst v63  }
0x70: {  	s3 =	simm.s32 $0xF80  }
0x71: {  	[tilespmem:s3], [sflag:$0x1] =	stream.linear.gather [hbm4b:s2+s4], $0x80, $0x38;
	[tilespmem:$0x16A00] =	vst v63  }
0x72: {  	s5 =	rddreg [dreg:$0xe];
	s14 =	simm.s32 $0x1000  }
0x73: {  	[tilespmem:s14], [sflag:$0x1] =	stream.linear.gather [hbm4b:s5+s4], $0x8000, $0x38;
	[tilespmem:$0x16A00] =	vst v63  }
0x74: {  	s15 =	rddreg [dreg:$0xd];
	s16 =	simm.s32 $0x9000  }
0x75: {  	[tilespmem:s16], [sflag:$0x1] =	stream.linear.gather [hbm4b:s15+s4], $0x9000, $0x38;
	[tilespmem:$0x16A00] =	vst v63  }
0x76: {  	s17 =	rddreg [dreg:$0xa]  }
0x77: {  	[tilespmem:s23], [sflag:$0x1] =	stream.strided.gather [hbm4b:s17+s21], $0x280, s22, s21, $0x38;
	[tilespmem:$0x16A00] =	vst v63  }
0x78: {  	s18 =	rddreg [dreg:$0xf]  }
0x79: {  	[tilespmem:s24], [sflag:$0x1] =	stream.strided.gather [hbm4b:s18+s21], $0x280, s22, s21, $0x38;
	[tilespmem:$0x16A00] =	vst v63  }
0x7a: {  	s19 =	rddreg [dreg:$0xb];
	s20 =	simm.s32 $0x12500  }
0x7b: {  	[tilespmem:s20], [sflag:$0x1] =	stream.linear.gather [hbm4b:s19+s4], $0x100, $0x38;
	[tilespmem:$0x16A00] =	vst v63  }
0x7c: {  	_ =	swait.ge [sflag:s25], $0x200  }
0x7d: {  	[sflag:s25] =	ssyncset.done $0x0  }
0x7e: {  	[sflag:s25] =	ssyncadd.s32 $0xFFFFFE00  }
0x7f: {  	_ =	swait.ge [sflag:s25], $0x200  }
0x80: {  	[sflag:s25] =	ssyncset.done $0x0  }
0x81: {  	[sflag:s25] =	ssyncadd.s32 $0xFFFFFE00  }
0x82: {  	_ =	swait.ge [sflag:s25], $0x200  }
0x83: {  	[sflag:s25] =	ssyncset.done $0x0  }
0x84: {  	[sflag:s25] =	ssyncadd.s32 $0xFFFFFE00  }
0x85: {  	_ =	swait.ge [sflag:s25], $0x200  }
0x86: {  	[sflag:s25] =	ssyncset.done $0x0  }
0x87: {  	[sflag:s25] =	ssyncadd.s32 $0xFFFFFE00  }
0x88: {  	_ =	swait.ge [sflag:s25], $0x200  }
0x89: {  	[sflag:s25] =	ssyncset.done $0x0  }
0x8a: {  	[sflag:s25] =	ssyncadd.s32 $0xFFFFFE00  }
0x8b: {  	_ =	swait.ge [sflag:s25], $0x200  }
0x8c: {  	[sflag:s25] =	ssyncset.done $0x0  }
0x8d: {  	[sflag:s25] =	ssyncadd.s32 $0xFFFFFE00  }
0x8e: {  	_ =	swait.ge [sflag:s25], $0x200  }
0x8f: {  	[sflag:s25] =	ssyncset.done $0x0  }
0x90: {  	[sflag:s25] =	ssyncadd.s32 $0xFFFFFE00  }
0x91: {  	_ =	swait.ge [sflag:s25], $0x200  }
0x92: {  	[sflag:s25] =	ssyncset.done $0x0  }
0x93: {  	[sflag:s25] =	ssyncadd.s32 $0xFFFFFE00  }
0x94: {  	_ =	swait.ge [sflag:s25], $0x8000  }
0x95: {  	[sflag:s25] =	ssyncset.done $0x0  }
0x96: {  	[sflag:s25] =	ssyncadd.s32 $0xFFFF8000  }
0x97: {  	_ =	swait.ge [sflag:s25], $0x9000  }
0x98: {  	[sflag:s25] =	ssyncset.done $0x0  }
0x99: {  	[sflag:s25] =	ssyncadd.s32 $0xFFFF7000  }
0x9a: {  	_ =	swait.ge [sflag:s25], $0x280  }
0x9b: {  	[sflag:s25] =	ssyncset.done $0x0  }
0x9c: {  	[sflag:s25] =	ssyncadd.s32 $0xFFFFFD80  }
0x9d: {  	_ =	swait.ge [sflag:s25], $0x280  }
0x9e: {  	[sflag:s25] =	ssyncset.done $0x0  }
0x9f: {  	[sflag:s25] =	ssyncadd.s32 $0xFFFFFD80  }
0xa0: {  	_ =	swait.ge [sflag:s25], $0x100  }
0xa1: {  	[sflag:s25] =	ssyncset.done $0x0  }
0xa2: {  	[sflag:s25] =	ssyncadd.s32 $0xFFFFFF00  }
0xa3: {  	v1 =	vld [tilespmem:$0x12500]  }
0xa4: {  	v2 =	vld [tilespmem:$0x12510]  }
0xa5: {  	v3 =	vld [tilespmem:$0x12520]  }
0xa6: {  	v4 =	vld [tilespmem:$0x12530]  }
0xa7: {  	v5 =	vld [tilespmem:$0x12580]  }
0xa8: {  	v6 =	vld [tilespmem:$0x12590]  }
0xa9: {  	s31 =	simm.s32 $0x11E0;
	s0 =	simm.s32 $0x0;
	s1 =	simm.s32 $0x16600;
	v7 =	vld [tilespmem:$0x125A0]  }
0xaa: {  	s3 =	simm.s32 $0x16800;
	s2 =	simm.s32 $0x0;
	s5 =	simm.s32 $0x0;
	v8 =	vld [tilespmem:$0x125B0]  }
.LBB2_2:
0xab: {  	s14 =	sand.u32 $0x70, s5;
	s15 =	sand.u32 $0xC00, s0  }
0xac: {  	s14 =	sor.u32 s14, s15  }
0xad: {  	v9 =	vld [tilespmem:s14+$0x0]  }
0xae: {  	v11 =	vld [tilespmem:s14+$0x100]  }
0xaf: {  	v10 =	vld [tilespmem:s14+$0x80]  }
0xb0: {  	v12 =	vld [tilespmem:s14+$0x180]  }
0xb1: {  	v13 =	vld [tilespmem:s14+$0x200]  }
0xb2: {  	v9 =	vmul.u32 $0xC, v9  }
0xb3: {  	v14 =	vld [tilespmem:s14+$0x280];
	v16 =	vmul.u32 $0xC, v11  }
0xb4: {  	v11 =	vadd.s32 v10, v9  }
0xb5: {  	v15 =	vld [tilespmem:s14+$0x300];
	v9 =	vadd.s32 v16, v12;
	v16 =	vshll.u32 v11, $0x6  }
0xb6: {  	v13 =	vmul.u32 $0xC, v13;
	(v2sf) =	vpush v16, $0x0  }
0xb7: {  	v17 =	vld [tilespmem:s14+$0x380];
	v12 =	vadd.s32 $0x90, v9  }
0xb8: {  	v10 =	vadd.s32 v13, v14;
	v13 =	vshll.u32 v12, $0x6  }
0xb9: {  	(v2sf) =	vpush v13, $0x0  }
0xba: {  	v43 =	vmul.u32 $0xC, v15;
	v9 =	vadd.s32 $0x120, v10  }
0xbb: {  	v15 =	vshll.u32 v9, $0x6  }
0xbc: {  	v10 =	vadd.s32 v43, v17;
	(v2sf) =	vpush v15, $0x0  }
0xbd: {  	v10 =	vadd.s32 $0x1B0, v10  }
0xbe: {  	v14 =	vshll.u32 v10, $0x6  }
0xbf: {  	(v2sf) =	vpush v14, $0x0;
	_ =	sdelay $0x4  }
0xc0: {  	v21 =	vld [tilespmem:s31+$0xFFFFFE20]  }
0xc1: {  	v26 =	vld [tilespmem:s31+$0xFFFFFE30];
	s19 =	spop (v2sf)  }
0xc2: {  	v44 =	vld [tilespmem:s19+$0x9000]  }
0xc3: {  	v22 =	vld [tilespmem:s19+$0x9010]  }
0xc4: {  	s20 =	spop (v2sf);
	v27 =	vld [tilespmem:s19+$0x9020]  }
0xc5: {  	v18 =	vld [tilespmem:s20+$0x9000]  }
0xc6: {  	v23 =	vld [tilespmem:s20+$0x9010]  }
0xc7: {  	s16 =	spop (v2sf);
	v28 =	vld [tilespmem:s20+$0x9020]  }
0xc8: {  	v19 =	vld [tilespmem:s16+$0x9000]  }
0xc9: {  	v24 =	vld [tilespmem:s16+$0x9010]  }
0xca: {  	s17 =	spop (v2sf);
	v29 =	vld [tilespmem:s16+$0x9020]  }
0xcb: {  	v20 =	vld [tilespmem:s17+$0x9000]  }
0xcc: {  	v25 =	vld [tilespmem:s17+$0x9010]  }
0xcd: {  	v30 =	vld [tilespmem:s17+$0x9020]  }
0xce: {  	v45 =	vld [tilespmem:s31+$0xFFFFFE40]  }
0xcf: {  	v46 =	vld [tilespmem:s19+$0x9030]  }
0xd0: {  	v47 =	vld [tilespmem:s20+$0x9030]  }
0xd1: {  	(v2sf) =	vpush v16, $0x1;
	v17 =	vadd.f32 v18, v44  }
0xd2: {  	(v2sf) =	vpush v13, $0x1;
	v22 =	vadd.f32 v23, v22  }
0xd3: {  	v49 =	vld [tilespmem:s16+$0x9030];
	(v2sf) =	vpush v15, $0x1;
	v17 =	vadd.f32 v19, v17  }
0xd4: {  	v48 =	vadd.f32 v28, v27;
	v22 =	vadd.f32 v24, v22  }
0xd5: {  	v50 =	vld [tilespmem:s17+$0x9030];
	v19 =	vadd.f32 v47, v46;
	v17 =	vadd.f32 v20, v17  }
0xd6: {  	v22 =	vadd.f32 v25, v22;
	v20 =	vadd.f32 v29, v48  }
0xd7: {  	v51 =	vld [tilespmem:s31+$0xFFFFFE50];
	(v2sf) =	vpush v14, $0x1;
	v17 =	vmul.f32 v21, v17  }
0xd8: {  	v19 =	vadd.f32 v49, v19;
	v22 =	vmul.f32 v26, v22;
	v20 =	vadd.f32 v30, v20  }
0xd9: {  	v52 =	vmul.f32 v17, v1  }
0xda: {  	v19 =	vadd.f32 v50, v19;
	v53 =	vmul.f32 v22, v2;
	v18 =	vmul.f32 v45, v20  }
0xdb: {  	v17 =	vmul.f32 v17, v5;
	v54 =	vmul.f32 v22, v6  }
0xdc: {  	v19 =	vmul.f32 v51, v19;
	v55 =	vadd.f32 v53, v52;
	v56 =	vmul.f32 v18, v3  }
0xdd: {  	v17 =	vadd.f32 v54, v17;
	v18 =	vmul.f32 v18, v7  }
0xde: {  	v21 =	vmul.f32 v19, v4;
	v57 =	vadd.f32 v56, v55  }
0xdf: {  	v58 =	vmul.f32 v19, v8;
	v17 =	vadd.f32 v18, v17  }
0xe0: {  	v59 =	vadd.f32 v21, v57  }
0xe1: {  	s14 =	sshra.s32 s2, $0x2;
	v17 =	vadd.f32 v58, v17  }
0xe2: {  	[tilespmem:s14+$0x12600] =	vst v59  }
0xe3: {  	s17 =	spop (v2sf);
	[tilespmem:s14+$0x14600] =	vst v17  }
0xe4: {  	s19 =	spop (v2sf);
	v17 =	vld [tilespmem:s17+$0x9000]  }
0xe5: {  	s20 =	spop (v2sf);
	v60 =	vld [tilespmem:s19+$0x9000]  }
0xe6: {  	s18 =	spop (v2sf);
	v19 =	vld [tilespmem:s20+$0x9000]  }
0xe7: {  	v61 =	vld [tilespmem:s18+$0x9000]  }
0xe8: {  	v62 =	vld [tilespmem:s31+$0xFFFFFE60]  }
0xe9: {  	v63 =	vld [tilespmem:s17+$0x9010]  }
0xea: {  	v32 =	vld [tilespmem:s19+$0x9010]  }
0xeb: {  	v33 =	vld [tilespmem:s20+$0x9010]  }
0xec: {  	v34 =	vld [tilespmem:s18+$0x9010]  }
0xed: {  	v36 =	vld [tilespmem:s17+$0x9020]  }
0xee: {  	v37 =	vld [tilespmem:s19+$0x9020]  }
0xef: {  	v38 =	vld [tilespmem:s20+$0x9020]  }
0xf0: {  	v39 =	vld [tilespmem:s17+$0x9030]  }
0xf1: {  	(v2sf) =	vpush v16, $0x2;
	v40 =	vld [tilespmem:s19+$0x9030]  }
0xf2: {  	(v2sf) =	vpush v13, $0x2;
	v35 =	vld [tilespmem:s31+$0xFFFFFE70]  }
0xf3: {  	v41 =	vld [tilespmem:s18+$0x9020];
	v17 =	vadd.f32 v60, v17;
	v22 =	vadd.f32 v32, v63  }
0xf4: {  	(v2sf) =	vpush v15, $0x2;
	v43 =	vld [tilespmem:s20+$0x9030];
	v42 =	vadd.f32 v37, v36  }
0xf5: {  	v44 =	vld [tilespmem:s31+$0xFFFFFE80];
	v17 =	vadd.f32 v19, v17;
	v22 =	vadd.f32 v33, v22  }
0xf6: {  	v45 =	vld [tilespmem:s18+$0x9030];
	v18 =	vadd.f32 v38, v42;
	v19 =	vadd.f32 v40, v39  }
0xf7: {  	v17 =	vadd.f32 v61, v17;
	v22 =	vadd.f32 v34, v22  }
0xf8: {  	(v2sf) =	vpush v14, $0x2;
	v46 =	vld [tilespmem:s31+$0xFFFFFE90];
	v18 =	vadd.f32 v41, v18  }
0xf9: {  	v19 =	vadd.f32 v43, v19;
	v17 =	vmul.f32 v62, v17;
	v22 =	vmul.f32 v35, v22  }
0xfa: {  	v18 =	vmul.f32 v44, v18  }
0xfb: {  	v19 =	vadd.f32 v45, v19;
	v47 =	vmul.f32 v17, v1;
	v48 =	vmul.f32 v22, v2  }
0xfc: {  	v17 =	vmul.f32 v17, v5;
	v49 =	vmul.f32 v22, v6  }
0xfd: {  	v51 =	vmul.f32 v18, v3;
	v19 =	vmul.f32 v46, v19;
	v50 =	vadd.f32 v48, v47  }
0xfe: {  	v18 =	vmul.f32 v18, v7;
	v17 =	vadd.f32 v49, v17  }
0xff: {  	v21 =	vmul.f32 v19, v4;
	v52 =	vadd.f32 v51, v50  }
0x100: {  	v53 =	vmul.f32 v19, v8;
	v17 =	vadd.f32 v18, v17  }
0x101: {  	v54 =	vadd.f32 v21, v52  }
0x102: {  	v17 =	vadd.f32 v53, v17  }
0x103: {  	[tilespmem:s14+$0x12610] =	vst v54  }
0x104: {  	s17 =	spop (v2sf);
	[tilespmem:s14+$0x14610] =	vst v17  }
0x105: {  	s18 =	spop (v2sf);
	v17 =	vld [tilespmem:s17+$0x9000]  }
0x106: {  	s19 =	spop (v2sf);
	v55 =	vld [tilespmem:s18+$0x9000]  }
0x107: {  	s20 =	spop (v2sf);
	v19 =	vld [tilespmem:s19+$0x9000]  }
0x108: {  	v56 =	vld [tilespmem:s20+$0x9000]  }
0x109: {  	v57 =	vld [tilespmem:s31+$0xFFFFFEA0]  }
0x10a: {  	v58 =	vld [tilespmem:s17+$0x9010]  }
0x10b: {  	v59 =	vld [tilespmem:s18+$0x9010]  }
0x10c: {  	v60 =	vld [tilespmem:s19+$0x9010]  }
0x10d: {  	v61 =	vld [tilespmem:s20+$0x9010]  }
0x10e: {  	v63 =	vld [tilespmem:s17+$0x9020]  }
0x10f: {  	v32 =	vld [tilespmem:s18+$0x9020]  }
0x110: {  	v33 =	vld [tilespmem:s19+$0x9020]  }
0x111: {  	v34 =	vld [tilespmem:s17+$0x9030]  }
0x112: {  	(v2sf) =	vpush v16, $0x3;
	v35 =	vld [tilespmem:s18+$0x9030]  }
0x113: {  	(v2sf) =	vpush v13, $0x3;
	v62 =	vld [tilespmem:s31+$0xFFFFFEB0]  }
0x114: {  	v36 =	vld [tilespmem:s20+$0x9020];
	v17 =	vadd.f32 v55, v17;
	v22 =	vadd.f32 v59, v58  }
0x115: {  	(v2sf) =	vpush v15, $0x3;
	v38 =	vld [tilespmem:s19+$0x9030];
	v37 =	vadd.f32 v32, v63  }
0x116: {  	v39 =	vld [tilespmem:s31+$0xFFFFFEC0];
	v17 =	vadd.f32 v19, v17;
	v22 =	vadd.f32 v60, v22  }
0x117: {  	v40 =	vld [tilespmem:s20+$0x9030];
	v18 =	vadd.f32 v33, v37;
	v19 =	vadd.f32 v35, v34  }
0x118: {  	v17 =	vadd.f32 v56, v17;
	v22 =	vadd.f32 v61, v22  }
0x119: {  	(v2sf) =	vpush v14, $0x3;
	v41 =	vld [tilespmem:s31+$0xFFFFFED0];
	v18 =	vadd.f32 v36, v18  }
0x11a: {  	v19 =	vadd.f32 v38, v19;
	v17 =	vmul.f32 v57, v17;
	v22 =	vmul.f32 v62, v22  }
0x11b: {  	v18 =	vmul.f32 v39, v18  }
0x11c: {  	v19 =	vadd.f32 v40, v19;
	v42 =	vmul.f32 v17, v1;
	v43 =	vmul.f32 v22, v2  }
0x11d: {  	v17 =	vmul.f32 v17, v5;
	v44 =	vmul.f32 v22, v6  }
0x11e: {  	v46 =	vmul.f32 v18, v3;
	v19 =	vmul.f32 v41, v19;
	v45 =	vadd.f32 v43, v42  }
0x11f: {  	v18 =	vmul.f32 v18, v7;
	v17 =	vadd.f32 v44, v17  }
0x120: {  	v21 =	vmul.f32 v19, v4;
	v47 =	vadd.f32 v46, v45  }
0x121: {  	v48 =	vmul.f32 v19, v8;
	v17 =	vadd.f32 v18, v17  }
0x122: {  	v49 =	vadd.f32 v21, v47  }
0x123: {  	v17 =	vadd.f32 v48, v17  }
0x124: {  	[tilespmem:s14+$0x12620] =	vst v49  }
0x125: {  	s17 =	spop (v2sf);
	[tilespmem:s14+$0x14620] =	vst v17  }
0x126: {  	s18 =	spop (v2sf);
	v17 =	vld [tilespmem:s17+$0x9000]  }
0x127: {  	s19 =	spop (v2sf);
	v50 =	vld [tilespmem:s18+$0x9000]  }
0x128: {  	s20 =	spop (v2sf);
	v19 =	vld [tilespmem:s19+$0x9000]  }
0x129: {  	v51 =	vld [tilespmem:s20+$0x9000]  }
0x12a: {  	v52 =	vld [tilespmem:s31+$0xFFFFFEE0]  }
0x12b: {  	v53 =	vld [tilespmem:s17+$0x9010]  }
0x12c: {  	v54 =	vld [tilespmem:s18+$0x9010]  }
0x12d: {  	v55 =	vld [tilespmem:s19+$0x9010]  }
0x12e: {  	v56 =	vld [tilespmem:s20+$0x9010]  }
0x12f: {  	v58 =	vld [tilespmem:s17+$0x9020]  }
0x130: {  	v59 =	vld [tilespmem:s18+$0x9020]  }
0x131: {  	v60 =	vld [tilespmem:s19+$0x9020]  }
0x132: {  	v61 =	vld [tilespmem:s17+$0x9030]  }
0x133: {  	(v2sf) =	vpush v16, $0x4;
	v62 =	vld [tilespmem:s18+$0x9030]  }
0x134: {  	(v2sf) =	vpush v13, $0x4;
	v57 =	vld [tilespmem:s31+$0xFFFFFEF0]  }
0x135: {  	v63 =	vld [tilespmem:s20+$0x9020];
	v17 =	vadd.f32 v50, v17;
	v22 =	vadd.f32 v54, v53  }
0x136: {  	(v2sf) =	vpush v15, $0x4;
	v31 =	vld [tilespmem:s19+$0x9030];
	v30 =	vadd.f32 v59, v58  }
0x137: {  	v32 =	vld [tilespmem:s31+$0xFFFFFF00];
	v17 =	vadd.f32 v19, v17;
	v22 =	vadd.f32 v55, v22  }
0x138: {  	v33 =	vld [tilespmem:s20+$0x9030];
	v18 =	vadd.f32 v60, v30;
	v19 =	vadd.f32 v62, v61  }
0x139: {  	v17 =	vadd.f32 v51, v17;
	v22 =	vadd.f32 v56, v22  }
0x13a: {  	(v2sf) =	vpush v14, $0x4;
	v34 =	vld [tilespmem:s31+$0xFFFFFF10];
	v18 =	vadd.f32 v63, v18  }
0x13b: {  	v19 =	vadd.f32 v31, v19;
	v17 =	vmul.f32 v52, v17;
	v22 =	vmul.f32 v57, v22  }
0x13c: {  	v18 =	vmul.f32 v32, v18  }
0x13d: {  	v19 =	vadd.f32 v33, v19;
	v35 =	vmul.f32 v17, v1;
	v36 =	vmul.f32 v22, v2  }
0x13e: {  	v17 =	vmul.f32 v17, v5;
	v37 =	vmul.f32 v22, v6  }
0x13f: {  	v39 =	vmul.f32 v18, v3;
	v19 =	vmul.f32 v34, v19;
	v38 =	vadd.f32 v36, v35  }
0x140: {  	v18 =	vmul.f32 v18, v7;
	v17 =	vadd.f32 v37, v17  }
0x141: {  	v21 =	vmul.f32 v19, v4;
	v40 =	vadd.f32 v39, v38  }
0x142: {  	v41 =	vmul.f32 v19, v8;
	v17 =	vadd.f32 v18, v17  }
0x143: {  	v42 =	vadd.f32 v21, v40  }
0x144: {  	v17 =	vadd.f32 v41, v17  }
0x145: {  	[tilespmem:s14+$0x12630] =	vst v42  }
0x146: {  	s17 =	spop (v2sf);
	[tilespmem:s14+$0x14630] =	vst v17  }
0x147: {  	s18 =	spop (v2sf);
	v17 =	vld [tilespmem:s17+$0x9000]  }
0x148: {  	s19 =	spop (v2sf);
	v43 =	vld [tilespmem:s18+$0x9000]  }
0x149: {  	s20 =	spop (v2sf);
	v19 =	vld [tilespmem:s19+$0x9000]  }
0x14a: {  	v44 =	vld [tilespmem:s20+$0x9000]  }
0x14b: {  	v45 =	vld [tilespmem:s31+$0xFFFFFF20]  }
0x14c: {  	v46 =	vld [tilespmem:s17+$0x9010]  }
0x14d: {  	v47 =	vld [tilespmem:s18+$0x9010]  }
0x14e: {  	v48 =	vld [tilespmem:s19+$0x9010]  }
0x14f: {  	v49 =	vld [tilespmem:s20+$0x9010]  }
0x150: {  	v51 =	vld [tilespmem:s17+$0x9020]  }
0x151: {  	v52 =	vld [tilespmem:s18+$0x9020]  }
0x152: {  	v53 =	vld [tilespmem:s19+$0x9020]  }
0x153: {  	v54 =	vld [tilespmem:s17+$0x9030]  }
0x154: {  	(v2sf) =	vpush v16, $0x5;
	v55 =	vld [tilespmem:s18+$0x9030]  }
0x155: {  	(v2sf) =	vpush v13, $0x5;
	v50 =	vld [tilespmem:s31+$0xFFFFFF30]  }
0x156: {  	v56 =	vld [tilespmem:s20+$0x9020];
	v17 =	vadd.f32 v43, v17;
	v22 =	vadd.f32 v47, v46  }
0x157: {  	(v2sf) =	vpush v15, $0x5;
	v58 =	vld [tilespmem:s19+$0x9030];
	v57 =	vadd.f32 v52, v51  }
0x158: {  	v59 =	vld [tilespmem:s31+$0xFFFFFF40];
	v17 =	vadd.f32 v19, v17;
	v22 =	vadd.f32 v48, v22  }
0x159: {  	v60 =	vld [tilespmem:s20+$0x9030];
	v18 =	vadd.f32 v53, v57;
	v19 =	vadd.f32 v55, v54  }
0x15a: {  	v17 =	vadd.f32 v44, v17;
	v22 =	vadd.f32 v49, v22  }
0x15b: {  	(v2sf) =	vpush v14, $0x5;
	v61 =	vld [tilespmem:s31+$0xFFFFFF50];
	v18 =	vadd.f32 v56, v18  }
0x15c: {  	v19 =	vadd.f32 v58, v19;
	v17 =	vmul.f32 v45, v17;
	v22 =	vmul.f32 v50, v22  }
0x15d: {  	v18 =	vmul.f32 v59, v18  }
0x15e: {  	v19 =	vadd.f32 v60, v19;
	v62 =	vmul.f32 v17, v1;
	v63 =	vmul.f32 v22, v2  }
0x15f: {  	v17 =	vmul.f32 v17, v5;
	v27 =	vmul.f32 v22, v6  }
0x160: {  	v29 =	vmul.f32 v18, v3;
	v19 =	vmul.f32 v61, v19;
	v28 =	vadd.f32 v63, v62  }
0x161: {  	v18 =	vmul.f32 v18, v7;
	v17 =	vadd.f32 v27, v17  }
0x162: {  	v21 =	vmul.f32 v19, v4;
	v30 =	vadd.f32 v29, v28  }
0x163: {  	v31 =	vmul.f32 v19, v8;
	v17 =	vadd.f32 v18, v17  }
0x164: {  	v32 =	vadd.f32 v21, v30  }
0x165: {  	v17 =	vadd.f32 v31, v17  }
0x166: {  	[tilespmem:s14+$0x12640] =	vst v32  }
0x167: {  	s17 =	spop (v2sf);
	[tilespmem:s14+$0x14640] =	vst v17  }
0x168: {  	s18 =	spop (v2sf);
	v17 =	vld [tilespmem:s17+$0x9000]  }
0x169: {  	s19 =	spop (v2sf);
	v33 =	vld [tilespmem:s18+$0x9000]  }
0x16a: {  	s20 =	spop (v2sf);
	v19 =	vld [tilespmem:s19+$0x9000]  }
0x16b: {  	v34 =	vld [tilespmem:s20+$0x9000]  }
0x16c: {  	v35 =	vld [tilespmem:s31+$0xFFFFFF60]  }
0x16d: {  	v36 =	vld [tilespmem:s17+$0x9010]  }
0x16e: {  	v37 =	vld [tilespmem:s18+$0x9010]  }
0x16f: {  	v38 =	vld [tilespmem:s19+$0x9010]  }
0x170: {  	v39 =	vld [tilespmem:s20+$0x9010]  }
0x171: {  	v41 =	vld [tilespmem:s17+$0x9020]  }
0x172: {  	v42 =	vld [tilespmem:s18+$0x9020]  }
0x173: {  	v43 =	vld [tilespmem:s19+$0x9020]  }
0x174: {  	v44 =	vld [tilespmem:s17+$0x9030]  }
0x175: {  	(v2sf) =	vpush v16, $0x6;
	v45 =	vld [tilespmem:s18+$0x9030]  }
0x176: {  	(v2sf) =	vpush v13, $0x6;
	v40 =	vld [tilespmem:s31+$0xFFFFFF70]  }
0x177: {  	v46 =	vld [tilespmem:s20+$0x9020];
	v17 =	vadd.f32 v33, v17;
	v22 =	vadd.f32 v37, v36  }
0x178: {  	(v2sf) =	vpush v15, $0x6;
	v48 =	vld [tilespmem:s19+$0x9030];
	v47 =	vadd.f32 v42, v41  }
0x179: {  	v49 =	vld [tilespmem:s31+$0xFFFFFF80];
	v17 =	vadd.f32 v19, v17;
	v22 =	vadd.f32 v38, v22  }
0x17a: {  	v50 =	vld [tilespmem:s20+$0x9030];
	v18 =	vadd.f32 v43, v47;
	v19 =	vadd.f32 v45, v44  }
0x17b: {  	v17 =	vadd.f32 v34, v17;
	v22 =	vadd.f32 v39, v22  }
0x17c: {  	(v2sf) =	vpush v14, $0x6;
	v51 =	vld [tilespmem:s31+$0xFFFFFF90];
	v18 =	vadd.f32 v46, v18  }
0x17d: {  	v19 =	vadd.f32 v48, v19;
	v17 =	vmul.f32 v35, v17;
	v22 =	vmul.f32 v40, v22  }
0x17e: {  	v18 =	vmul.f32 v49, v18  }
0x17f: {  	v19 =	vadd.f32 v50, v19;
	v52 =	vmul.f32 v17, v1;
	v53 =	vmul.f32 v22, v2  }
0x180: {  	v17 =	vmul.f32 v17, v5;
	v54 =	vmul.f32 v22, v6  }
0x181: {  	v56 =	vmul.f32 v18, v3;
	v19 =	vmul.f32 v51, v19;
	v55 =	vadd.f32 v53, v52  }
0x182: {  	v18 =	vmul.f32 v18, v7;
	v17 =	vadd.f32 v54, v17  }
0x183: {  	v21 =	vmul.f32 v19, v4;
	v57 =	vadd.f32 v56, v55  }
0x184: {  	v58 =	vmul.f32 v19, v8;
	v17 =	vadd.f32 v18, v17  }
0x185: {  	v59 =	vadd.f32 v21, v57  }
0x186: {  	v17 =	vadd.f32 v58, v17  }
0x187: {  	[tilespmem:s14+$0x12650] =	vst v59  }
0x188: {  	s17 =	spop (v2sf);
	[tilespmem:s14+$0x14650] =	vst v17  }
0x189: {  	s18 =	spop (v2sf);
	v17 =	vld [tilespmem:s17+$0x9000]  }
0x18a: {  	s19 =	spop (v2sf);
	v60 =	vld [tilespmem:s18+$0x9000]  }
0x18b: {  	s20 =	spop (v2sf);
	v19 =	vld [tilespmem:s19+$0x9000]  }
0x18c: {  	v61 =	vld [tilespmem:s20+$0x9000]  }
0x18d: {  	v62 =	vld [tilespmem:s31+$0xFFFFFFA0]  }
0x18e: {  	v63 =	vld [tilespmem:s17+$0x9010]  }
0x18f: {  	v32 =	vld [tilespmem:s18+$0x9010]  }
0x190: {  	v33 =	vld [tilespmem:s19+$0x9010]  }
0x191: {  	v34 =	vld [tilespmem:s20+$0x9010]  }
0x192: {  	v36 =	vld [tilespmem:s17+$0x9020]  }
0x193: {  	v37 =	vld [tilespmem:s18+$0x9020]  }
0x194: {  	v38 =	vld [tilespmem:s19+$0x9020]  }
0x195: {  	v39 =	vld [tilespmem:s17+$0x9030]  }
0x196: {  	(v2sf) =	vpush v16, $0x7;
	v40 =	vld [tilespmem:s18+$0x9030]  }
0x197: {  	(v2sf) =	vpush v13, $0x7;
	v35 =	vld [tilespmem:s31+$0xFFFFFFB0]  }
0x198: {  	v41 =	vld [tilespmem:s20+$0x9020];
	v17 =	vadd.f32 v60, v17;
	v22 =	vadd.f32 v32, v63  }
0x199: {  	(v2sf) =	vpush v15, $0x7;
	v43 =	vld [tilespmem:s19+$0x9030];
	v42 =	vadd.f32 v37, v36  }
0x19a: {  	v44 =	vld [tilespmem:s31+$0xFFFFFFC0];
	v17 =	vadd.f32 v19, v17;
	v22 =	vadd.f32 v33, v22  }
0x19b: {  	v45 =	vld [tilespmem:s20+$0x9030];
	v18 =	vadd.f32 v38, v42;
	v19 =	vadd.f32 v40, v39  }
0x19c: {  	v17 =	vadd.f32 v61, v17;
	v22 =	vadd.f32 v34, v22  }
0x19d: {  	(v2sf) =	vpush v14, $0x7;
	v46 =	vld [tilespmem:s31+$0xFFFFFFD0];
	v18 =	vadd.f32 v41, v18  }
0x19e: {  	v19 =	vadd.f32 v43, v19;
	v17 =	vmul.f32 v62, v17;
	v22 =	vmul.f32 v35, v22  }
0x19f: {  	v18 =	vmul.f32 v44, v18  }
0x1a0: {  	v19 =	vadd.f32 v45, v19;
	v47 =	vmul.f32 v17, v1;
	v48 =	vmul.f32 v22, v2  }
0x1a1: {  	v17 =	vmul.f32 v17, v5;
	v49 =	vmul.f32 v22, v6  }
0x1a2: {  	v51 =	vmul.f32 v18, v3;
	v19 =	vmul.f32 v46, v19;
	v50 =	vadd.f32 v48, v47  }
0x1a3: {  	v18 =	vmul.f32 v18, v7;
	v17 =	vadd.f32 v49, v17  }
0x1a4: {  	v21 =	vmul.f32 v19, v4;
	v52 =	vadd.f32 v51, v50  }
0x1a5: {  	v53 =	vmul.f32 v19, v8;
	v17 =	vadd.f32 v18, v17  }
0x1a6: {  	v54 =	vadd.f32 v21, v52  }
0x1a7: {  	v17 =	vadd.f32 v53, v17  }
0x1a8: {  	[tilespmem:s14+$0x12660] =	vst v54  }
0x1a9: {  	s17 =	spop (v2sf);
	[tilespmem:s14+$0x14660] =	vst v17  }
0x1aa: {  	s18 =	spop (v2sf);
	v17 =	vld [tilespmem:s17+$0x9000]  }
0x1ab: {  	s19 =	spop (v2sf);
	v55 =	vld [tilespmem:s18+$0x9000]  }
0x1ac: {  	s20 =	spop (v2sf);
	v19 =	vld [tilespmem:s19+$0x9000]  }
0x1ad: {  	v56 =	vld [tilespmem:s20+$0x9000]  }
0x1ae: {  	v57 =	vld [tilespmem:s31+$0xFFFFFFE0]  }
0x1af: {  	v58 =	vld [tilespmem:s17+$0x9010]  }
0x1b0: {  	v59 =	vld [tilespmem:s18+$0x9010]  }
0x1b1: {  	v60 =	vld [tilespmem:s19+$0x9010]  }
0x1b2: {  	v61 =	vld [tilespmem:s20+$0x9010]  }
0x1b3: {  	v63 =	vld [tilespmem:s17+$0x9020]  }
0x1b4: {  	v32 =	vld [tilespmem:s18+$0x9020]  }
0x1b5: {  	v33 =	vld [tilespmem:s19+$0x9020]  }
0x1b6: {  	v34 =	vld [tilespmem:s17+$0x9030]  }
0x1b7: {  	(v2sf) =	vpush v16, $0x8;
	v35 =	vld [tilespmem:s18+$0x9030]  }
0x1b8: {  	(v2sf) =	vpush v13, $0x8;
	v62 =	vld [tilespmem:s31+$0xFFFFFFF0]  }
0x1b9: {  	v36 =	vld [tilespmem:s20+$0x9020];
	v17 =	vadd.f32 v55, v17;
	v22 =	vadd.f32 v59, v58  }
0x1ba: {  	(v2sf) =	vpush v15, $0x8;
	v38 =	vld [tilespmem:s19+$0x9030];
	v37 =	vadd.f32 v32, v63  }
0x1bb: {  	v39 =	vld [tilespmem:s31+$0x0];
	v17 =	vadd.f32 v19, v17;
	v22 =	vadd.f32 v60, v22  }
0x1bc: {  	v40 =	vld [tilespmem:s20+$0x9030];
	v18 =	vadd.f32 v33, v37;
	v19 =	vadd.f32 v35, v34  }
0x1bd: {  	v17 =	vadd.f32 v56, v17;
	v22 =	vadd.f32 v61, v22  }
0x1be: {  	(v2sf) =	vpush v14, $0x8;
	v41 =	vld [tilespmem:s31+$0x10];
	v18 =	vadd.f32 v36, v18  }
0x1bf: {  	v19 =	vadd.f32 v38, v19;
	v17 =	vmul.f32 v57, v17;
	v22 =	vmul.f32 v62, v22  }
0x1c0: {  	v18 =	vmul.f32 v39, v18  }
0x1c1: {  	v19 =	vadd.f32 v40, v19;
	v42 =	vmul.f32 v17, v1;
	v43 =	vmul.f32 v22, v2  }
0x1c2: {  	v17 =	vmul.f32 v17, v5;
	v44 =	vmul.f32 v22, v6  }
0x1c3: {  	v46 =	vmul.f32 v18, v3;
	v19 =	vmul.f32 v41, v19;
	v45 =	vadd.f32 v43, v42  }
0x1c4: {  	v18 =	vmul.f32 v18, v7;
	v17 =	vadd.f32 v44, v17  }
0x1c5: {  	v21 =	vmul.f32 v19, v4;
	v47 =	vadd.f32 v46, v45  }
0x1c6: {  	v48 =	vmul.f32 v19, v8;
	v17 =	vadd.f32 v18, v17  }
0x1c7: {  	v49 =	vadd.f32 v21, v47  }
0x1c8: {  	v17 =	vadd.f32 v48, v17  }
0x1c9: {  	[tilespmem:s14+$0x12670] =	vst v49  }
0x1ca: {  	s16 =	spop (v2sf);
	[tilespmem:s14+$0x14670] =	vst v17  }
0x1cb: {  	s17 =	spop (v2sf);
	v17 =	vld [tilespmem:s16+$0x9000]  }
0x1cc: {  	s18 =	spop (v2sf);
	v50 =	vld [tilespmem:s17+$0x9000]  }
0x1cd: {  	s19 =	spop (v2sf);
	v19 =	vld [tilespmem:s18+$0x9000]  }
0x1ce: {  	v51 =	vld [tilespmem:s19+$0x9000]  }
0x1cf: {  	v52 =	vld [tilespmem:s31+$0x20]  }
0x1d0: {  	v53 =	vld [tilespmem:s16+$0x9010]  }
0x1d1: {  	v54 =	vld [tilespmem:s17+$0x9010]  }
0x1d2: {  	v55 =	vld [tilespmem:s18+$0x9010]  }
0x1d3: {  	v56 =	vld [tilespmem:s19+$0x9010]  }
0x1d4: {  	v58 =	vld [tilespmem:s16+$0x9020]  }
0x1d5: {  	v59 =	vld [tilespmem:s17+$0x9020]  }
0x1d6: {  	v60 =	vld [tilespmem:s18+$0x9020]  }
0x1d7: {  	v61 =	vld [tilespmem:s16+$0x9030]  }
0x1d8: {  	(v2sf) =	vpush v16, $0x9;
	v62 =	vld [tilespmem:s17+$0x9030]  }
0x1d9: {  	(v2sf) =	vpush v13, $0x9;
	v57 =	vld [tilespmem:s31+$0x30]  }
0x1da: {  	v63 =	vld [tilespmem:s19+$0x9020];
	v17 =	vadd.f32 v50, v17;
	v22 =	vadd.f32 v54, v53  }
0x1db: {  	(v2sf) =	vpush v15, $0x9;
	v31 =	vld [tilespmem:s18+$0x9030];
	v30 =	vadd.f32 v59, v58  }
0x1dc: {  	v32 =	vld [tilespmem:s31+$0x40];
	v17 =	vadd.f32 v19, v17;
	v22 =	vadd.f32 v55, v22  }
0x1dd: {  	v33 =	vld [tilespmem:s19+$0x9030];
	v18 =	vadd.f32 v60, v30;
	v19 =	vadd.f32 v62, v61  }
0x1de: {  	v17 =	vadd.f32 v51, v17;
	v22 =	vadd.f32 v56, v22  }
0x1df: {  	(v2sf) =	vpush v14, $0x9;
	v34 =	vld [tilespmem:s31+$0x50];
	v18 =	vadd.f32 v63, v18  }
0x1e0: {  	v19 =	vadd.f32 v31, v19;
	v17 =	vmul.f32 v52, v17;
	v22 =	vmul.f32 v57, v22  }
0x1e1: {  	v18 =	vmul.f32 v32, v18  }
0x1e2: {  	v19 =	vadd.f32 v33, v19;
	v35 =	vmul.f32 v17, v1;
	v36 =	vmul.f32 v22, v2  }
0x1e3: {  	v17 =	vmul.f32 v17, v5;
	v37 =	vmul.f32 v22, v6  }
0x1e4: {  	v39 =	vmul.f32 v18, v3;
	v19 =	vmul.f32 v34, v19;
	v38 =	vadd.f32 v36, v35  }
0x1e5: {  	v18 =	vmul.f32 v18, v7;
	v17 =	vadd.f32 v37, v17  }
0x1e6: {  	v21 =	vmul.f32 v19, v4;
	v40 =	vadd.f32 v39, v38  }
0x1e7: {  	v41 =	vmul.f32 v19, v8;
	v17 =	vadd.f32 v18, v17  }
0x1e8: {  	v42 =	vadd.f32 v21, v40  }
0x1e9: {  	v17 =	vadd.f32 v41, v17  }
0x1ea: {  	[tilespmem:s14+$0x12680] =	vst v42  }
0x1eb: {  	s15 =	spop (v2sf);
	[tilespmem:s14+$0x14680] =	vst v17  }
0x1ec: {  	s16 =	spop (v2sf);
	v17 =	vld [tilespmem:s15+$0x9000]  }
0x1ed: {  	s17 =	spop (v2sf);
	v43 =	vld [tilespmem:s16+$0x9000]  }
0x1ee: {  	s18 =	spop (v2sf);
	v19 =	vld [tilespmem:s17+$0x9000]  }
0x1ef: {  	v44 =	vld [tilespmem:s18+$0x9000]  }
0x1f0: {  	v45 =	vld [tilespmem:s31+$0x60]  }
0x1f1: {  	v46 =	vld [tilespmem:s15+$0x9010]  }
0x1f2: {  	v47 =	vld [tilespmem:s16+$0x9010]  }
0x1f3: {  	v48 =	vld [tilespmem:s17+$0x9010]  }
0x1f4: {  	v49 =	vld [tilespmem:s18+$0x9010]  }
0x1f5: {  	v51 =	vld [tilespmem:s15+$0x9020]  }
0x1f6: {  	v52 =	vld [tilespmem:s16+$0x9020]  }
0x1f7: {  	v53 =	vld [tilespmem:s17+$0x9020]  }
0x1f8: {  	s19 =	sadd.s32 $0x240, s2;
	v54 =	vld [tilespmem:s15+$0x9030]  }
0x1f9: {  	(v2sf) =	vpush v16, $0xA;
	s20 =	sor.u32 $0x50, s19;
	v55 =	vld [tilespmem:s16+$0x9030]  }
0x1fa: {  	(v2sf) =	vpush v13, $0xA;
	v50 =	vld [tilespmem:s20+$0x1000]  }
0x1fb: {  	v56 =	vld [tilespmem:s18+$0x9020];
	v17 =	vadd.f32 v43, v17;
	v22 =	vadd.f32 v47, v46  }
0x1fc: {  	(v2sf) =	vpush v15, $0xA;
	s20 =	sor.u32 $0x60, s19;
	v58 =	vld [tilespmem:s17+$0x9030];
	v57 =	vadd.f32 v52, v51  }
0x1fd: {  	v59 =	vld [tilespmem:s20+$0x1000];
	v17 =	vadd.f32 v19, v17;
	v22 =	vadd.f32 v48, v22  }
0x1fe: {  	v60 =	vld [tilespmem:s18+$0x9030];
	v18 =	vadd.f32 v53, v57;
	v19 =	vadd.f32 v55, v54  }
0x1ff: {  	s16 =	sor.u32 $0x70, s19;
	v17 =	vadd.f32 v44, v17;
	v22 =	vadd.f32 v49, v22  }
0x200: {  	(v2sf) =	vpush v14, $0xA;
	v61 =	vld [tilespmem:s16+$0x1000];
	v18 =	vadd.f32 v56, v18  }
0x201: {  	v19 =	vadd.f32 v58, v19;
	v17 =	vmul.f32 v45, v17;
	v22 =	vmul.f32 v50, v22  }
0x202: {  	v18 =	vmul.f32 v59, v18  }
0x203: {  	v19 =	vadd.f32 v60, v19;
	v62 =	vmul.f32 v17, v1;
	v63 =	vmul.f32 v22, v2  }
0x204: {  	v17 =	vmul.f32 v17, v5;
	v28 =	vmul.f32 v22, v6  }
0x205: {  	v30 =	vmul.f32 v18, v3;
	v19 =	vmul.f32 v61, v19;
	v29 =	vadd.f32 v63, v62  }
0x206: {  	v18 =	vmul.f32 v18, v7;
	v17 =	vadd.f32 v28, v17  }
0x207: {  	v21 =	vmul.f32 v19, v4;
	v31 =	vadd.f32 v30, v29  }
0x208: {  	v32 =	vmul.f32 v19, v8;
	v17 =	vadd.f32 v18, v17  }
0x209: {  	v33 =	vadd.f32 v21, v31  }
0x20a: {  	v17 =	vadd.f32 v32, v17  }
0x20b: {  	[tilespmem:s14+$0x12690] =	vst v33  }
0x20c: {  	s17 =	spop (v2sf);
	[tilespmem:s14+$0x14690] =	vst v17  }
0x20d: {  	s18 =	spop (v2sf);
	v17 =	vld [tilespmem:s17+$0x9000]  }
0x20e: {  	s19 =	spop (v2sf);
	v34 =	vld [tilespmem:s18+$0x9000]  }
0x20f: {  	s20 =	spop (v2sf);
	v19 =	vld [tilespmem:s19+$0x9000]  }
0x210: {  	v35 =	vld [tilespmem:s20+$0x9000]  }
0x211: {  	v36 =	vld [tilespmem:s31+$0xA0]  }
0x212: {  	v37 =	vld [tilespmem:s17+$0x9010]  }
0x213: {  	v38 =	vld [tilespmem:s18+$0x9010]  }
0x214: {  	v39 =	vld [tilespmem:s19+$0x9010]  }
0x215: {  	v40 =	vld [tilespmem:s20+$0x9010]  }
0x216: {  	v42 =	vld [tilespmem:s17+$0x9020]  }
0x217: {  	v43 =	vld [tilespmem:s18+$0x9020]  }
0x218: {  	v44 =	vld [tilespmem:s19+$0x9020]  }
0x219: {  	v45 =	vld [tilespmem:s17+$0x9030]  }
0x21a: {  	(v2sf) =	vpush v16, $0xB;
	v46 =	vld [tilespmem:s18+$0x9030]  }
0x21b: {  	(v2sf) =	vpush v13, $0xB;
	v41 =	vld [tilespmem:s31+$0xB0]  }
0x21c: {  	v47 =	vld [tilespmem:s20+$0x9020];
	v17 =	vadd.f32 v34, v17;
	v22 =	vadd.f32 v38, v37  }
0x21d: {  	(v2sf) =	vpush v15, $0xB;
	v49 =	vld [tilespmem:s19+$0x9030];
	v48 =	vadd.f32 v43, v42  }
0x21e: {  	v50 =	vld [tilespmem:s31+$0xC0];
	v17 =	vadd.f32 v19, v17;
	v22 =	vadd.f32 v39, v22  }
0x21f: {  	v51 =	vld [tilespmem:s20+$0x9030];
	v18 =	vadd.f32 v44, v48;
	v19 =	vadd.f32 v46, v45  }
0x220: {  	v17 =	vadd.f32 v35, v17;
	v22 =	vadd.f32 v40, v22  }
0x221: {  	(v2sf) =	vpush v14, $0xB;
	v52 =	vld [tilespmem:s31+$0xD0];
	v18 =	vadd.f32 v47, v18  }
0x222: {  	v19 =	vadd.f32 v49, v19;
	v17 =	vmul.f32 v36, v17;
	v22 =	vmul.f32 v41, v22  }
0x223: {  	v18 =	vmul.f32 v50, v18  }
0x224: {  	v19 =	vadd.f32 v51, v19;
	v53 =	vmul.f32 v17, v1;
	v54 =	vmul.f32 v22, v2  }
0x225: {  	v17 =	vmul.f32 v17, v5;
	v55 =	vmul.f32 v22, v6  }
0x226: {  	v57 =	vmul.f32 v18, v3;
	v19 =	vmul.f32 v52, v19;
	v56 =	vadd.f32 v54, v53  }
0x227: {  	v18 =	vmul.f32 v18, v7;
	v17 =	vadd.f32 v55, v17  }
0x228: {  	v21 =	vmul.f32 v19, v4;
	v58 =	vadd.f32 v57, v56  }
0x229: {  	v59 =	vmul.f32 v19, v8;
	v17 =	vadd.f32 v18, v17  }
0x22a: {  	v60 =	vadd.f32 v21, v58  }
0x22b: {  	v17 =	vadd.f32 v59, v17  }
0x22c: {  	[tilespmem:s14+$0x126A0] =	vst v60  }
0x22d: {  	s15 =	spop (v2sf);
	[tilespmem:s14+$0x146A0] =	vst v17  }
0x22e: {  	s16 =	spop (v2sf);
	v17 =	vld [tilespmem:s15+$0x9000]  }
0x22f: {  	s17 =	spop (v2sf);
	v61 =	vld [tilespmem:s16+$0x9000]  }
0x230: {  	s18 =	spop (v2sf);
	v19 =	vld [tilespmem:s17+$0x9000]  }
0x231: {  	v62 =	vld [tilespmem:s18+$0x9000]  }
0x232: {  	v63 =	vld [tilespmem:s31+$0xE0]  }
0x233: {  	v32 =	vld [tilespmem:s15+$0x9010]  }
0x234: {  	v33 =	vld [tilespmem:s16+$0x9010]  }
0x235: {  	v34 =	vld [tilespmem:s17+$0x9010]  }
0x236: {  	v35 =	vld [tilespmem:s18+$0x9010]  }
0x237: {  	v37 =	vld [tilespmem:s15+$0x9020]  }
0x238: {  	v38 =	vld [tilespmem:s16+$0x9020]  }
0x239: {  	v39 =	vld [tilespmem:s17+$0x9020]  }
0x23a: {  	s19 =	sadd.s32 $0x2C0, s2;
	v40 =	vld [tilespmem:s15+$0x9030]  }
0x23b: {  	(v2sf) =	vpush v16, $0xC;
	s20 =	sor.u32 $0x50, s19;
	v41 =	vld [tilespmem:s16+$0x9030]  }
0x23c: {  	(v2sf) =	vpush v13, $0xC;
	v36 =	vld [tilespmem:s20+$0x1000]  }
0x23d: {  	v42 =	vld [tilespmem:s18+$0x9020];
	v17 =	vadd.f32 v61, v17;
	v22 =	vadd.f32 v33, v32  }
0x23e: {  	(v2sf) =	vpush v15, $0xC;
	s16 =	sor.u32 $0x60, s19;
	v44 =	vld [tilespmem:s17+$0x9030];
	v43 =	vadd.f32 v38, v37  }
0x23f: {  	v45 =	vld [tilespmem:s16+$0x1000];
	v17 =	vadd.f32 v19, v17;
	v22 =	vadd.f32 v34, v22  }
0x240: {  	v46 =	vld [tilespmem:s18+$0x9030];
	v18 =	vadd.f32 v39, v43;
	v19 =	vadd.f32 v41, v40  }
0x241: {  	s20 =	sor.u32 $0x70, s19;
	v17 =	vadd.f32 v62, v17;
	v22 =	vadd.f32 v35, v22  }
0x242: {  	(v2sf) =	vpush v14, $0xC;
	v47 =	vld [tilespmem:s20+$0x1000];
	v18 =	vadd.f32 v42, v18  }
0x243: {  	v19 =	vadd.f32 v44, v19;
	v17 =	vmul.f32 v63, v17;
	v22 =	vmul.f32 v36, v22  }
0x244: {  	v18 =	vmul.f32 v45, v18  }
0x245: {  	v19 =	vadd.f32 v46, v19;
	v48 =	vmul.f32 v17, v1;
	v49 =	vmul.f32 v22, v2  }
0x246: {  	v17 =	vmul.f32 v17, v5;
	v50 =	vmul.f32 v22, v6  }
0x247: {  	v52 =	vmul.f32 v18, v3;
	v19 =	vmul.f32 v47, v19;
	v51 =	vadd.f32 v49, v48  }
0x248: {  	v18 =	vmul.f32 v18, v7;
	v17 =	vadd.f32 v50, v17  }
0x249: {  	v21 =	vmul.f32 v19, v4;
	v53 =	vadd.f32 v52, v51  }
0x24a: {  	v54 =	vmul.f32 v19, v8;
	v17 =	vadd.f32 v18, v17  }
0x24b: {  	v55 =	vadd.f32 v21, v53  }
0x24c: {  	v17 =	vadd.f32 v54, v17  }
0x24d: {  	[tilespmem:s14+$0x126B0] =	vst v55  }
0x24e: {  	s16 =	spop (v2sf);
	[tilespmem:s14+$0x146B0] =	vst v17  }
0x24f: {  	s17 =	spop (v2sf);
	v17 =	vld [tilespmem:s16+$0x9000]  }
0x250: {  	s18 =	spop (v2sf);
	v56 =	vld [tilespmem:s17+$0x9000]  }
0x251: {  	s19 =	spop (v2sf);
	v19 =	vld [tilespmem:s18+$0x9000]  }
0x252: {  	v57 =	vld [tilespmem:s19+$0x9000]  }
0x253: {  	v58 =	vld [tilespmem:s31+$0x120]  }
0x254: {  	v59 =	vld [tilespmem:s16+$0x9010]  }
0x255: {  	v60 =	vld [tilespmem:s17+$0x9010]  }
0x256: {  	v61 =	vld [tilespmem:s18+$0x9010]  }
0x257: {  	v62 =	vld [tilespmem:s19+$0x9010]  }
0x258: {  	v32 =	vld [tilespmem:s16+$0x9020]  }
0x259: {  	v33 =	vld [tilespmem:s17+$0x9020]  }
0x25a: {  	v34 =	vld [tilespmem:s18+$0x9020]  }
0x25b: {  	v35 =	vld [tilespmem:s16+$0x9030]  }
0x25c: {  	(v2sf) =	vpush v16, $0xD;
	v36 =	vld [tilespmem:s17+$0x9030]  }
0x25d: {  	(v2sf) =	vpush v13, $0xD;
	v63 =	vld [tilespmem:s31+$0x130]  }
0x25e: {  	v37 =	vld [tilespmem:s19+$0x9020];
	v17 =	vadd.f32 v56, v17;
	v22 =	vadd.f32 v60, v59  }
0x25f: {  	(v2sf) =	vpush v15, $0xD;
	v39 =	vld [tilespmem:s18+$0x9030];
	v38 =	vadd.f32 v33, v32  }
0x260: {  	v40 =	vld [tilespmem:s31+$0x140];
	v17 =	vadd.f32 v19, v17;
	v22 =	vadd.f32 v61, v22  }
0x261: {  	v41 =	vld [tilespmem:s19+$0x9030];
	v18 =	vadd.f32 v34, v38;
	v19 =	vadd.f32 v36, v35  }
0x262: {  	v17 =	vadd.f32 v57, v17;
	v22 =	vadd.f32 v62, v22  }
0x263: {  	(v2sf) =	vpush v14, $0xD;
	v42 =	vld [tilespmem:s31+$0x150];
	v18 =	vadd.f32 v37, v18  }
0x264: {  	v19 =	vadd.f32 v39, v19;
	v17 =	vmul.f32 v58, v17;
	v22 =	vmul.f32 v63, v22  }
0x265: {  	v18 =	vmul.f32 v40, v18  }
0x266: {  	v19 =	vadd.f32 v41, v19;
	v43 =	vmul.f32 v17, v1;
	v44 =	vmul.f32 v22, v2  }
0x267: {  	v17 =	vmul.f32 v17, v5;
	v45 =	vmul.f32 v22, v6  }
0x268: {  	v47 =	vmul.f32 v18, v3;
	v19 =	vmul.f32 v42, v19;
	v46 =	vadd.f32 v44, v43  }
0x269: {  	v18 =	vmul.f32 v18, v7;
	v17 =	vadd.f32 v45, v17  }
0x26a: {  	v21 =	vmul.f32 v19, v4;
	v48 =	vadd.f32 v47, v46  }
0x26b: {  	v49 =	vmul.f32 v19, v8;
	v17 =	vadd.f32 v18, v17  }
0x26c: {  	v50 =	vadd.f32 v21, v48  }
0x26d: {  	v17 =	vadd.f32 v49, v17  }
0x26e: {  	[tilespmem:s14+$0x126C0] =	vst v50  }
0x26f: {  	s15 =	spop (v2sf);
	[tilespmem:s14+$0x146C0] =	vst v17  }
0x270: {  	s16 =	spop (v2sf);
	v17 =	vld [tilespmem:s15+$0x9000]  }
0x271: {  	s17 =	spop (v2sf);
	v51 =	vld [tilespmem:s16+$0x9000]  }
0x272: {  	s18 =	spop (v2sf);
	v19 =	vld [tilespmem:s17+$0x9000]  }
0x273: {  	v52 =	vld [tilespmem:s18+$0x9000]  }
0x274: {  	v53 =	vld [tilespmem:s31+$0x160]  }
0x275: {  	v54 =	vld [tilespmem:s15+$0x9010]  }
0x276: {  	v55 =	vld [tilespmem:s16+$0x9010]  }
0x277: {  	v56 =	vld [tilespmem:s17+$0x9010]  }
0x278: {  	v57 =	vld [tilespmem:s18+$0x9010]  }
0x279: {  	v59 =	vld [tilespmem:s15+$0x9020]  }
0x27a: {  	v60 =	vld [tilespmem:s16+$0x9020]  }
0x27b: {  	v61 =	vld [tilespmem:s17+$0x9020]  }
0x27c: {  	s19 =	sadd.s32 $0x340, s2;
	v62 =	vld [tilespmem:s15+$0x9030]  }
0x27d: {  	(v2sf) =	vpush v16, $0xE;
	s20 =	sor.u32 $0x50, s19;
	v63 =	vld [tilespmem:s16+$0x9030]  }
0x27e: {  	(v2sf) =	vpush v13, $0xE;
	v58 =	vld [tilespmem:s20+$0x1000]  }
0x27f: {  	v30 =	vld [tilespmem:s18+$0x9020];
	v17 =	vadd.f32 v51, v17;
	v22 =	vadd.f32 v55, v54  }
0x280: {  	(v2sf) =	vpush v15, $0xE;
	s20 =	sor.u32 $0x60, s19;
	v32 =	vld [tilespmem:s17+$0x9030];
	v31 =	vadd.f32 v60, v59  }
0x281: {  	v33 =	vld [tilespmem:s20+$0x1000];
	v17 =	vadd.f32 v19, v17;
	v22 =	vadd.f32 v56, v22  }
0x282: {  	v34 =	vld [tilespmem:s18+$0x9030];
	v18 =	vadd.f32 v61, v31;
	v19 =	vadd.f32 v63, v62  }
0x283: {  	s16 =	sor.u32 $0x70, s19;
	v17 =	vadd.f32 v52, v17;
	v22 =	vadd.f32 v57, v22  }
0x284: {  	(v2sf) =	vpush v14, $0xE;
	v35 =	vld [tilespmem:s16+$0x1000];
	v18 =	vadd.f32 v30, v18  }
0x285: {  	v19 =	vadd.f32 v32, v19;
	v17 =	vmul.f32 v53, v17;
	v22 =	vmul.f32 v58, v22  }
0x286: {  	v18 =	vmul.f32 v33, v18  }
0x287: {  	v19 =	vadd.f32 v34, v19;
	v36 =	vmul.f32 v17, v1;
	v37 =	vmul.f32 v22, v2  }
0x288: {  	v17 =	vmul.f32 v17, v5;
	v38 =	vmul.f32 v22, v6  }
0x289: {  	v40 =	vmul.f32 v18, v3;
	v19 =	vmul.f32 v35, v19;
	v39 =	vadd.f32 v37, v36  }
0x28a: {  	v18 =	vmul.f32 v18, v7;
	v17 =	vadd.f32 v38, v17  }
0x28b: {  	v21 =	vmul.f32 v19, v4;
	v41 =	vadd.f32 v40, v39  }
0x28c: {  	v42 =	vmul.f32 v19, v8;
	v17 =	vadd.f32 v18, v17  }
0x28d: {  	v43 =	vadd.f32 v21, v41  }
0x28e: {  	v17 =	vadd.f32 v42, v17  }
0x28f: {  	[tilespmem:s14+$0x126D0] =	vst v43  }
0x290: {  	s17 =	spop (v2sf);
	[tilespmem:s14+$0x146D0] =	vst v17  }
0x291: {  	s18 =	spop (v2sf);
	v17 =	vld [tilespmem:s17+$0x9000]  }
0x292: {  	s19 =	spop (v2sf);
	v44 =	vld [tilespmem:s18+$0x9000]  }
0x293: {  	s20 =	spop (v2sf);
	v19 =	vld [tilespmem:s19+$0x9000]  }
0x294: {  	v45 =	vld [tilespmem:s20+$0x9000]  }
0x295: {  	v46 =	vld [tilespmem:s31+$0x1A0]  }
0x296: {  	v47 =	vld [tilespmem:s17+$0x9010]  }
0x297: {  	v48 =	vld [tilespmem:s18+$0x9010]  }
0x298: {  	v49 =	vld [tilespmem:s19+$0x9010]  }
0x299: {  	v50 =	vld [tilespmem:s20+$0x9010]  }
0x29a: {  	v52 =	vld [tilespmem:s17+$0x9020]  }
0x29b: {  	v53 =	vld [tilespmem:s18+$0x9020]  }
0x29c: {  	v54 =	vld [tilespmem:s19+$0x9020]  }
0x29d: {  	v55 =	vld [tilespmem:s17+$0x9030]  }
0x29e: {  	(v2sf) =	vpush v16, $0xF;
	v56 =	vld [tilespmem:s18+$0x9030]  }
0x29f: {  	(v2sf) =	vpush v13, $0xF;
	v51 =	vld [tilespmem:s31+$0x1B0]  }
0x2a0: {  	v57 =	vld [tilespmem:s20+$0x9020];
	v17 =	vadd.f32 v44, v17;
	v22 =	vadd.f32 v48, v47  }
0x2a1: {  	(v2sf) =	vpush v15, $0xF;
	v59 =	vld [tilespmem:s19+$0x9030];
	v58 =	vadd.f32 v53, v52  }
0x2a2: {  	v60 =	vld [tilespmem:s31+$0x1C0];
	v17 =	vadd.f32 v19, v17;
	v22 =	vadd.f32 v49, v22  }
0x2a3: {  	v61 =	vld [tilespmem:s20+$0x9030];
	v62 =	vadd.f32 v56, v55;
	v18 =	vadd.f32 v54, v58  }
0x2a4: {  	v17 =	vadd.f32 v45, v17;
	v22 =	vadd.f32 v50, v22  }
0x2a5: {  	(v2sf) =	vpush v14, $0xF;
	v25 =	vld [tilespmem:s31+$0x1D0];
	v18 =	vadd.f32 v57, v18  }
0x2a6: {  	v13 =	vadd.f32 v59, v62;
	v63 =	vmul.f32 v46, v17;
	v26 =	vmul.f32 v51, v22  }
0x2a7: {  	v16 =	vmul.f32 v60, v18  }
0x2a8: {  	v13 =	vadd.f32 v61, v13;
	v28 =	vmul.f32 v63, v1;
	v29 =	vmul.f32 v26, v2  }
0x2a9: {  	v15 =	vmul.f32 v63, v5;
	v14 =	vmul.f32 v26, v6  }
0x2aa: {  	v13 =	vmul.f32 v25, v13;
	v31 =	vmul.f32 v16, v3;
	v30 =	vadd.f32 v29, v28  }
0x2ab: {  	v32 =	vmul.f32 v16, v7;
	v14 =	vadd.f32 v14, v15  }
0x2ac: {  	v17 =	vmul.f32 v13, v4;
	v33 =	vadd.f32 v31, v30  }
0x2ad: {  	v13 =	vmul.f32 v13, v8;
	v14 =	vadd.f32 v32, v14  }
0x2ae: {  	v34 =	vadd.f32 v17, v33  }
0x2af: {  	v13 =	vadd.f32 v13, v14  }
0x2b0: {  	[tilespmem:s14+$0x126E0] =	vst v34  }
0x2b1: {  	s15 =	spop (v2sf);
	[tilespmem:s14+$0x146E0] =	vst v13  }
0x2b2: {  	s16 =	spop (v2sf);
	v13 =	vld [tilespmem:s15+$0x9000]  }
0x2b3: {  	s17 =	spop (v2sf);
	v35 =	vld [tilespmem:s16+$0x9000]  }
0x2b4: {  	s18 =	spop (v2sf);
	v15 =	vld [tilespmem:s17+$0x9000]  }
0x2b5: {  	v36 =	vld [tilespmem:s18+$0x9000]  }
0x2b6: {  	v37 =	vld [tilespmem:s31+$0x1E0]  }
0x2b7: {  	v38 =	vld [tilespmem:s15+$0x9010]  }
0x2b8: {  	v39 =	vld [tilespmem:s16+$0x9010]  }
0x2b9: {  	v40 =	vld [tilespmem:s17+$0x9010]  }
0x2ba: {  	v41 =	vld [tilespmem:s18+$0x9010]  }
0x2bb: {  	v43 =	vld [tilespmem:s15+$0x9020]  }
0x2bc: {  	v44 =	vld [tilespmem:s16+$0x9020]  }
0x2bd: {  	v45 =	vld [tilespmem:s17+$0x9020]  }
0x2be: {  	s19 =	sadd.s32 $0x3C0, s2;
	v46 =	vld [tilespmem:s15+$0x9030]  }
0x2bf: {  	s20 =	sor.u32 $0x50, s19;
	v48 =	vld [tilespmem:s16+$0x9030]  }
0x2c0: {  	v42 =	vld [tilespmem:s20+$0x1000]  }
0x2c1: {  	v49 =	vld [tilespmem:s18+$0x9020];
	v13 =	vadd.f32 v35, v13;
	v47 =	vadd.f32 v39, v38  }
0x2c2: {  	s16 =	sor.u32 $0x60, s19;
	v50 =	vld [tilespmem:s17+$0x9030];
	v51 =	vadd.f32 v44, v43  }
0x2c3: {  	v52 =	vld [tilespmem:s16+$0x1000];
	v13 =	vadd.f32 v15, v13;
	v14 =	vadd.f32 v40, v47  }
0x2c4: {  	v53 =	vld [tilespmem:s18+$0x9030];
	v18 =	vadd.f32 v48, v46;
	v20 =	vadd.f32 v45, v51  }
0x2c5: {  	s20 =	sor.u32 $0x70, s19;
	v13 =	vadd.f32 v36, v13;
	v14 =	vadd.f32 v41, v14  }
0x2c6: {  	v54 =	vld [tilespmem:s20+$0x1000];
	v19 =	vadd.f32 v49, v20  }
0x2c7: {  	v15 =	vadd.f32 v50, v18;
	v13 =	vmul.f32 v37, v13;
	v14 =	vmul.f32 v42, v14  }
0x2c8: {  	v19 =	vmul.f32 v52, v19  }
0x2c9: {  	v15 =	vadd.f32 v53, v15;
	v55 =	vmul.f32 v13, v1;
	v56 =	vmul.f32 v14, v2  }
0x2ca: {  	v13 =	vmul.f32 v13, v5;
	v14 =	vmul.f32 v14, v6  }
0x2cb: {  	v15 =	vmul.f32 v54, v15;
	v58 =	vmul.f32 v19, v3;
	v57 =	vadd.f32 v56, v55  }
0x2cc: {  	v60 =	vmov s5;
	v59 =	vmul.f32 v19, v7;
	v13 =	vadd.f32 v14, v13  }
0x2cd: {  	v17 =	vshll.u32 v60, $0x4;
	v61 =	vmul.f32 v15, v4;
	v16 =	vadd.f32 v58, v57  }
0x2ce: {  	v63 =	vor.u32 v0, v17;
	v62 =	vmul.f32 v15, v8;
	v13 =	vadd.f32 v59, v13  }
0x2cf: {  	v16 =	vadd.f32 v61, v16  }
0x2d0: {  	v23 =	vor.u32 $0x1, v63;
	v13 =	vadd.f32 v62, v13  }
0x2d1: {  	[tilespmem:s14+$0x126F0] =	vst v16  }
0x2d2: {  	v24 =	vor.u32 $0x2, v63;
	[tilespmem:s14+$0x146F0] =	vst v13  }
0x2d3: {  	v16 =	vld.idx.msk [tilespmem:v63+s26+$0x0], $0xffff  }
0x2d4: {  	v25 =	vor.u32 $0x3, v63;
	v17 =	vld.idx.msk [tilespmem:v63+s28+$0x0], $0xffff  }
0x2d5: {  	v26 =	vld.idx.msk [tilespmem:v23+s26+$0x0], $0xffff  }
0x2d6: {  	v27 =	vor.u32 $0x4, v63;
	v14 =	vld.idx.msk [tilespmem:v23+s28+$0x0], $0xffff  }
0x2d7: {  	v28 =	vld.idx.msk [tilespmem:v24+s26+$0x0], $0xffff  }
0x2d8: {  	v29 =	vor.u32 $0x5, v63;
	v13 =	vld.idx.msk [tilespmem:v24+s28+$0x0], $0xffff  }
0x2d9: {  	v30 =	vld.idx.msk [tilespmem:v25+s26+$0x0], $0xffff  }
0x2da: {  	v31 =	vor.u32 $0x6, v63;
	v18 =	vld.idx.msk [tilespmem:v25+s28+$0x0], $0xffff;
	v16 =	vadd.f32 v26, v16  }
0x2db: {  	v32 =	vld.idx.msk [tilespmem:v27+s26+$0x0], $0xffff;
	v14 =	vadd.f32 v14, v17  }
0x2dc: {  	v33 =	vor.u32 $0x7, v63;
	v20 =	vld.idx.msk [tilespmem:v27+s28+$0x0], $0xffff;
	v16 =	vadd.f32 v28, v16  }
0x2dd: {  	v34 =	vld.idx.msk [tilespmem:v29+s26+$0x0], $0xffff;
	v13 =	vadd.f32 v13, v14  }
0x2de: {  	v35 =	vor.u32 $0x8, v63;
	v22 =	vld.idx.msk [tilespmem:v29+s28+$0x0], $0xffff;
	v16 =	vadd.f32 v30, v16  }
0x2df: {  	v36 =	vld.idx.msk [tilespmem:v31+s26+$0x0], $0xffff;
	v13 =	vadd.f32 v18, v13  }
0x2e0: {  	v38 =	vor.u32 $0x9, v63;
	v37 =	vld.idx.msk [tilespmem:v31+s28+$0x0], $0xffff;
	v16 =	vadd.f32 v32, v16  }
0x2e1: {  	v39 =	vld.idx.msk [tilespmem:v33+s26+$0x0], $0xffff;
	v13 =	vadd.f32 v20, v13  }
0x2e2: {  	v41 =	vor.u32 $0xA, v63;
	v40 =	vld.idx.msk [tilespmem:v33+s28+$0x0], $0xffff;
	v14 =	vadd.f32 v34, v16  }
0x2e3: {  	v42 =	vld.idx.msk [tilespmem:v35+s26+$0x0], $0xffff;
	v13 =	vadd.f32 v22, v13  }
0x2e4: {  	v44 =	vor.u32 $0xB, v63;
	v43 =	vld.idx.msk [tilespmem:v35+s28+$0x0], $0xffff;
	v14 =	vadd.f32 v36, v14  }
0x2e5: {  	v45 =	vld.idx.msk [tilespmem:v38+s26+$0x0], $0xffff;
	v13 =	vadd.f32 v37, v13  }
0x2e6: {  	v46 =	vor.u32 $0xC, v63;
	v19 =	vld.idx.msk [tilespmem:v38+s28+$0x0], $0xffff;
	v14 =	vadd.f32 v39, v14  }
0x2e7: {  	v47 =	vld.idx.msk [tilespmem:v41+s26+$0x0], $0xffff;
	v13 =	vadd.f32 v40, v13  }
0x2e8: {  	v48 =	vor.u32 $0xD, v63;
	v21 =	vld.idx.msk [tilespmem:v41+s28+$0x0], $0xffff;
	v14 =	vadd.f32 v42, v14  }
0x2e9: {  	v49 =	vld.idx.msk [tilespmem:v44+s26+$0x0], $0xffff;
	v13 =	vadd.f32 v43, v13  }
0x2ea: {  	v51 =	vor.u32 $0xE, v63;
	v50 =	vld.idx.msk [tilespmem:v44+s28+$0x0], $0xffff;
	v14 =	vadd.f32 v45, v14  }
0x2eb: {  	v52 =	vld.idx.msk [tilespmem:v46+s26+$0x0], $0xffff;
	v13 =	vadd.f32 v19, v13  }
0x2ec: {  	v15 =	vor.u32 $0xF, v63;
	v53 =	vld.idx.msk [tilespmem:v46+s28+$0x0], $0xffff;
	v14 =	vadd.f32 v47, v14  }
0x2ed: {  	v54 =	vld.idx.msk [tilespmem:v48+s26+$0x0], $0xffff;
	v13 =	vadd.f32 v21, v13  }
0x2ee: {  	v55 =	vld.idx.msk [tilespmem:v48+s28+$0x0], $0xffff;
	v14 =	vadd.f32 v49, v14  }
0x2ef: {  	v56 =	vld.idx.msk [tilespmem:v51+s26+$0x0], $0xffff;
	v13 =	vadd.f32 v50, v13  }
0x2f0: {  	v57 =	vld.idx.msk [tilespmem:v51+s28+$0x0], $0xffff;
	v14 =	vadd.f32 v52, v14  }
0x2f1: {  	v58 =	vld.idx.msk [tilespmem:v15+s26+$0x0], $0xffff;
	v13 =	vadd.f32 v53, v13  }
0x2f2: {  	v15 =	vld.idx.msk [tilespmem:v15+s28+$0x0], $0xffff;
	v14 =	vadd.f32 v54, v14  }
0x2f3: {  	v59 =	vld.idx.msk [tilespmem:v11+s23+$0x0], $0xffff;
	v13 =	vadd.f32 v55, v13  }
0x2f4: {  	v11 =	vld.idx.msk [tilespmem:v11+s24+$0x0], $0xffff;
	v14 =	vadd.f32 v56, v14  }
0x2f5: {  	v60 =	vld.idx.msk [tilespmem:v12+s23+$0x0], $0xffff;
	v13 =	vadd.f32 v57, v13  }
0x2f6: {  	v12 =	vld.idx.msk [tilespmem:v12+s24+$0x0], $0xffff;
	v14 =	vadd.f32 v58, v14  }
0x2f7: {  	v61 =	vld.idx.msk [tilespmem:v9+s23+$0x0], $0xffff;
	v13 =	vadd.f32 v15, v13  }
0x2f8: {  	v9 =	vld.idx.msk [tilespmem:v9+s24+$0x0], $0xffff;
	v14 =	vadd.f32 v59, v14  }
0x2f9: {  	v62 =	vld.idx.msk [tilespmem:v10+s23+$0x0], $0xffff;
	v11 =	vadd.f32 v11, v13  }
0x2fa: {  	v10 =	vld.idx.msk [tilespmem:v10+s24+$0x0], $0xffff;
	v14 =	vadd.f32 v60, v14  }
0x2fb: {  	v11 =	vadd.f32 v12, v11  }
0x2fc: {  	p0 =	sne.s32 s2, $0x7C00;
	v63 =	vadd.f32 v61, v14  }
.Ltmp0:
0x2fd: {  	v9 =	vadd.f32 v9, v11;
	(pc) =	sbr.rel @p0 .LBB2_2-.Ltmp0, $4  }
0x2fe: {  	v11 =	vadd.f32 v62, v63  }
0x2ff: {  	v9 =	vadd.f32 v10, v9  }
0x300: {  	s0 =	sadd.s32 $0x80, s0;
	s2 =	sadd.s32 $0x400, s2;
	s5 =	sadd.s32 $0x10, s5;
	[tilespmem:s1+$0x0] =	vst v11  }
0x301: {  	s31 =	sadd.s32 $0x400, s31;
	s1 =	sadd.s32 $0x10, s1;
	[tilespmem:s3+$0x0] =	vst v9;
	s3 =	sadd.s32 $0x10, s3  }
0x302: {  	s0 =	rddreg [dreg:$0x10];
	s1 =	simm.s32 $0x16600  }
0x303: {  	[hbm4b:s0+s4] =	stream.linear.scatter [tilespmem:s1], [sflag:$0x2], $0x200, $0x38;
	[tilespmem:$0x16A00] =	vst v63  }
0x304: {  	_ =	swait.ge [sflag:s29], $0x200  }
0x305: {  	[sflag:s29] =	ssyncset.done $0x0  }
0x306: {  	s20 =	simm.s32 $0x16800;
	s19 =	rddreg [dreg:$0x11];
	[sflag:s29] =	ssyncadd.s32 $0xFFFFFE00  }
0x307: {  	[hbm4b:s19+s4] =	stream.linear.scatter [tilespmem:s20], [sflag:$0x2], $0x200, $0x38;
	[tilespmem:$0x16A00] =	vst v63  }
0x308: {  	_ =	swait.ge [sflag:s29], $0x200  }
0x309: {  	s30 =	sadd.s32 $0x1, s30;
	s31 =	rddreg [dreg:$0x12]  }
0x30a: {  	p0 =	sne.s32 s30, s31  }
.Ltmp1:
0x30b: {  	_ = 	snop;
	(pc) =	sbr.rel @p0 .LBB2_1-.Ltmp1, $3  }
0x30c: {  	_ =	sdelay $0x1  }
0x30d: {  	[sflag:s29] =	ssyncset.done $0x0  }
0x30e: {  	[sflag:s29] =	ssyncadd.s32 $0xFFFFFE00  }
0x30f: {  	_ =	sfence.sel $0x180000  }
0x310: {  	[bflag:$0x0] =	sbarrier.arrive $0xFFFF  }
0x311: {  	_ =	strace $0x90000047  }
0x312: {  	s0 =	stileid.u32;
	[bflag:$0x2] =	sbarrier.arrive $0xFFFF  }
0x313: {  	p0 =	sne.s32 s0, $0x0;
	s0 =	rddreg [dreg:$0xc]  }
0x314: {  	s0 =	sadd.s32 @!p0 $0x100000, s0  }
0x315: {  	[sflag:s0] =	ssyncadd.tile.s32 @!p0 $0x1;
	_ =	shalt  }
.Lfunc_end2:
_tile_overlayer_lowered:
.L_overlay_start_2:
0x316: {  	(tag) =	ssettag $0x2  }
0x317: {  	s0 =	rddreg [dreg:$0x0];
	s2 =	stileid.u32  }
0x318: {  	s1 =	rddreg [dreg:$0x1];
	p0 =	sne.s32 s2, $0x0  }
0x319: {  	s3 =	rddreg [dreg:$0x2];
	[bflag:$0x3] =	sbarrier.arrive $0xFFFF;
	s2 =	simm.s32 @!p0 $0x1C02  }
0x31a: {  	[timem:s3], [sflag:s2] =	dma.local @!p0 [hbm:s0], s1  }
0x31b: {  	s0 =	simm.s32 @!p0 $0x2  }
0x31c: {  	_ =	swait.ge @!p0 [sflag:s0], s1  }
0x31d: {  	s1 =	ssub.s32 @!p0 $0x0, s1;
	[sflag:s0] =	ssyncset.done @!p0 $0x0  }
0x31e: {  	[sflag:s0] =	ssyncadd.s32 @!p0 s1  }
0x31f: {  	[bflag:$0x3] =	sbarrier.arrive $0xFFFF  }
0x320: {  	_ =	shalt  }

</sc_bundles>
